<compile_context>
chip_gen: v7x
topology: tpu7x:2x2x1
jax: 0.10.2.dev20260603
libtpu: 0.0.44.dev20260713+nightly
codegen_flags: <defaults>
</compile_context>

<pallas_src>
import functools

import jax
import jax.numpy as jnp
from jax import lax
from jax.experimental import pallas as pl
from jax.experimental.pallas import tpu as pltpu
from jax.experimental.pallas import tpu_sc as plsc

B = 8
N = 2048
K = 1024
C = 256
L = 16
NW = 32
ROWS_PER_W = (B * K) // NW
TILES_PER_B = NW // B



def _key(bits):
    return jnp.where(bits >= 0, bits, bits ^ 0x7FFFFFFF)


def _rank_body(x_ref, w_ref, b_ref, out_ref):
    xb = x_ref[0]
    w = w_ref[...]
    s = jnp.dot(xb, w, preferred_element_type=jnp.float32) + b_ref[0, 0]
    key = _key(lax.bitcast_convert_type(s, jnp.int32))
    krow_key = jnp.transpose(key)
    a0 = jnp.broadcast_to(key, (N, 128))
    a1 = a0 + 1
    tri = (lax.broadcasted_iota(jnp.int32, (128, 128), 1)
           < lax.broadcasted_iota(jnp.int32, (128, 128), 0))
    acc = jnp.zeros((N, 128), jnp.int32)
    for jc in range(N // 128):
        kj = krow_key[:, jc * 128:(jc + 1) * 128]
        lo, hi = jc * 128, (jc + 1) * 128
        mid = jnp.where(tri, a0[lo:hi], a1[lo:hi])
        parts = ([a1[:lo]] if lo > 0 else []) + [mid] + ([a0[hi:]] if hi < N else [])
        thr = jnp.concatenate(parts, axis=0) if len(parts) > 1 else mid
        acc = acc + (kj >= thr).astype(jnp.int32)
    out_ref[0, 0, :] = jnp.sum(acc, axis=1)


def _ranks(x, W, b):
    return pl.pallas_call(
        _rank_body,
        grid=(B,),
        in_specs=[
            pl.BlockSpec((1, N, C), lambda i: (i, 0, 0)),
            pl.BlockSpec((C, 1), lambda i: (0, 0)),
            pl.BlockSpec((1, 1), lambda i: (0, 0)),
        ],
        out_specs=pl.BlockSpec((1, 1, N), lambda i: (i, 0, 0)),
        out_shape=jax.ShapeDtypeStruct((B, 1, N), jnp.int32),
    )(x, W, b.reshape(1, 1)).reshape(B, N)



GA = 16
DEPTH = 2
NBLK = ROWS_PER_W // GA
XCH = 32
NXCH = ROWS_PER_W // XCH
XPER = NBLK // NXCH


def _sc_body(ranks_hbm, x_hbm, adj_hbm, selx_hbm, seladj_hbm, perm_hbm,
             rank_v, permf_v, rowidx_v, xrows0, xrows1,
             rowbuf0, rowbuf1, outbuf0, outbuf1,
             sem_in0, sem_in1, sem_out0, sem_out1, sem_x, sem_xw0, sem_xw1):
    cid = lax.axis_index("c")
    sid = lax.axis_index("s")
    wid = sid * 2 + cid
    bb = wid // TILES_PER_B
    qq = wid % TILES_PER_B
    lane = lax.iota(jnp.int32, 16)

    pltpu.sync_copy(ranks_hbm.at[bb], rank_v)

    def inv_body(i, _):
        r = rank_v[pl.ds(i * 16, 16)]
        plsc.store_scatter(permf_v, [r], i * 16 + lane)
        return 0
    lax.fori_loop(0, N // 16, inv_body, 0, unroll=4)

    base_sel = pl.multiple_of(qq * ROWS_PER_W, 8)
    def ridx_body(i, _):
        v = permf_v[pl.ds(base_sel + i * 16, 16)]
        rowidx_v[pl.ds(i * 16, 16)] = v + bb * N
        return 0
    lax.fori_loop(0, ROWS_PER_W // 16, ridx_body, 0, unroll=4)

    out_base = pl.multiple_of(bb * K + qq * ROWS_PER_W, 8)
    rowbufs = (rowbuf0, rowbuf1)
    outbufs = (outbuf0, outbuf1)
    xbufs = (xrows0, xrows1)
    xwsems = (sem_xw0, sem_xw1)
    sins = (sem_in0, sem_in1)
    souts = (sem_out0, sem_out1)

    def issue_gather(g, buf, sem):
        idx = rowidx_v.at[pl.ds(pl.multiple_of(g * GA, 8), GA)]
        pltpu.async_copy(adj_hbm.at[idx], buf, sem)

    def issue_x(c, buf):
        idx = rowidx_v.at[pl.ds(pl.multiple_of(c * XCH, 8), XCH)]
        pltpu.async_copy(x_hbm.at[idx], buf, sem_x)

    issue_x(0, xrows0)
    for p0 in range(DEPTH):
        issue_gather(p0, rowbufs[p0], sins[p0])

    @pl.when(qq == 0)
    def _():
        pltpu.sync_copy(permf_v.at[pl.ds(0, K)], perm_hbm.at[bb])

    def adj_outer(o, _):
        for par in range(DEPTH):
            g = o * DEPTH + par
            rb, ob = rowbufs[par], outbufs[par]
            pltpu.make_async_copy(adj_hbm.at[rowidx_v.at[pl.ds(0, GA)]],
                                  rb, sins[par]).wait()
            @pl.when(o >= 1)
            def _():
                pltpu.make_async_copy(ob, seladj_hbm.at[pl.ds(0, GA)],
                                      souts[par]).wait()

            def col_body(c16, _):
                cidx = permf_v[pl.ds(c16 * 16, 16)]
                for r in range(0, GA, 8):
                    vals = [plsc.load_gather(rb, [lane * 0 + (r + u), cidx])
                            for u in range(8)]
                    for u in range(8):
                        ob[r + u, pl.ds(c16 * 16, 16)] = vals[u]
                return 0
            lax.fori_loop(0, K // 16, col_body, 0, unroll=2)

            @pl.when(g + DEPTH < NBLK)
            def _():
                issue_gather(g + DEPTH, rb, sins[par])
            pltpu.async_copy(
                ob,
                seladj_hbm.at[pl.ds(pl.multiple_of(out_base + g * GA, 8), GA)],
                souts[par])

            c = g // XPER
            for xp in range(2):
                @pl.when((g % XPER == XPER - 2) & (c % 2 == xp))
                def _(xb=xbufs[xp]):
                    pltpu.make_async_copy(x_hbm.at[rowidx_v.at[pl.ds(0, XCH)]],
                                          xb, sem_x).wait()
                    pltpu.async_copy(
                        xb,
                        selx_hbm.at[pl.ds(
                            pl.multiple_of(out_base + c * XCH, 8), XCH)],
                        xwsems[xp])
                @pl.when((g % XPER == XPER - 1) & (g < NBLK - 1)
                         & ((c + 1) % 2 == xp))
                def _(xb=xbufs[xp]):
                    @pl.when(c >= 1)
                    def _():
                        pltpu.make_async_copy(xb,
                                              selx_hbm.at[pl.ds(0, XCH)],
                                              xwsems[xp]).wait()
                    issue_x(c + 1, xb)
        return 0
    lax.fori_loop(0, NBLK // DEPTH, adj_outer, 0)

    for p0 in range(DEPTH):
        pltpu.make_async_copy(outbufs[p0], seladj_hbm.at[pl.ds(0, GA)],
                              souts[p0]).wait()
    pltpu.make_async_copy(xrows0, selx_hbm.at[pl.ds(0, XCH)], sem_xw0).wait()
    pltpu.make_async_copy(xrows1, selx_hbm.at[pl.ds(0, XCH)], sem_xw1).wait()


def _sc_gather(ranks, x2, adj2):
    mesh = plsc.VectorSubcoreMesh(core_axis_name="c", subcore_axis_name="s")
    kfn = functools.partial(
        pl.kernel,
        out_type=[
            jax.ShapeDtypeStruct((B * K, C), jnp.float32),
            jax.ShapeDtypeStruct((B * K, K), jnp.float32),
            jax.ShapeDtypeStruct((B, K), jnp.int32),
        ],
        mesh=mesh,
        scratch_types=(
            [
                pltpu.VMEM((N,), jnp.int32),
                pltpu.VMEM((N,), jnp.int32),
                pltpu.VMEM((ROWS_PER_W,), jnp.int32),
                pltpu.VMEM((XCH, C), jnp.float32),
                pltpu.VMEM((XCH, C), jnp.float32),
            ]
            + [pltpu.VMEM((GA, N), jnp.float32)] * DEPTH
            + [pltpu.VMEM((GA, K), jnp.float32)] * DEPTH
            + [pltpu.SemaphoreType.DMA] * (2 * DEPTH + 3)
        ),
        compiler_params=pltpu.CompilerParams(needs_layout_passes=False),
    )(_sc_body)
    return kfn(ranks, x2, adj2)


def kernel(x, adj, W, b):
    ranks = _ranks(x, W, b)
    x2 = x.reshape(B * N, C)
    adj2 = adj.reshape(B * N, N)
    selx, seladj, perm = _sc_gather(ranks, x2, adj2)
    return (selx.reshape(B, K, C), seladj.reshape(B, K, K), perm)

# --- scband reference (transcript-rebuilt; emitter-appended) ---
"""Pipeline reference for scband-sagpooling-53420803228014 (READ-ONLY COPY).

The authoritative reference and input builder live on the scoring server;
editing this copy changes nothing except your own understanding.
"""

import jax, jax.numpy as jnp
import numpy as np


def setup_inputs(seed: int = 0) -> dict:
    key = jax.random.key(seed)
    k1, k2, k3, k4 = jax.random.split(key, 4)
    x = jax.random.normal(k1, (8, 2048, 256), dtype=jnp.float32)
    adj = jax.random.uniform(k2, (8, 2048, 2048), dtype=jnp.float32)
    # learned params of score_mlp = nn.Linear(in_channels, 1)
    W = jax.random.normal(k3, (256, 1), dtype=jnp.float32) / np.sqrt(256.0)
    b = jax.random.normal(k4, (1,), dtype=jnp.float32) * 0.01
    return {"x": x, "adj": adj, "W": W, "b": b}


def reference(x, adj, W, b):
    ratio = 0.5
    # scores = self.score_mlp(x).squeeze(-1)
    scores = (x @ W + b)[..., 0]  # [B, N]
    num_nodes = x.shape[1]
    num_selected = int(num_nodes * ratio)
    # descending sort, take top indices (torch: scores.sort(descending=True))
    perm = jnp.argsort(-scores, axis=-1)[:, :num_selected]  # [B, k]
    # selected_x[i] = x[i, perm[i]]
    selected_x = jnp.take_along_axis(x, perm[:, :, None], axis=1)  # [B, k, C]
    # selected_adj[i] = adj[i, perm[i], :][:, perm[i]]
    a_rows = jnp.take_along_axis(adj, perm[:, :, None], axis=1)  # [B, k, N]
    selected_adj = jnp.take_along_axis(a_rows, perm[:, None, :], axis=2)  # [B, k, k]
    return (selected_x, selected_adj, perm)

if __name__ == "__main__":
    import jax
    _d = setup_inputs()
    print(jax.jit(kernel)(*tuple(_d.values())))

</pallas_src>

<mosaic_0001>
#map = affine_map<(d0, d1) -> (0, 0)>
module attributes {stable_mosaic.version = 14 : i64} {
  func.func @_sc_body(%arg0: i32, %arg1: i32, %arg2: memref<8x2048xi32, #tpu.memory_space<hbm>>, %arg3: memref<16384x256xf32, #tpu.memory_space<hbm>>, %arg4: memref<16384x2048xf32, #tpu.memory_space<hbm>>, %arg5: memref<8192x256xf32, #tpu.memory_space<hbm>>, %arg6: memref<8192x1024xf32, #tpu.memory_space<hbm>>, %arg7: memref<8x1024xi32, #tpu.memory_space<hbm>>, %arg8: memref<2048xi32, #tpu.memory_space<vmem>>, %arg9: memref<2048xi32, #tpu.memory_space<vmem>>, %arg10: memref<256xi32, #tpu.memory_space<vmem>>, %arg11: memref<32x256xf32, #tpu.memory_space<vmem>>, %arg12: memref<32x256xf32, #tpu.memory_space<vmem>>, %arg13: memref<16x2048xf32, #tpu.memory_space<vmem>>, %arg14: memref<16x2048xf32, #tpu.memory_space<vmem>>, %arg15: memref<16x1024xf32, #tpu.memory_space<vmem>>, %arg16: memref<16x1024xf32, #tpu.memory_space<vmem>>, %arg17: memref<!tpu.dma_semaphore, #tpu.memory_space<semaphore_mem>>, %arg18: memref<!tpu.dma_semaphore, #tpu.memory_space<semaphore_mem>>, %arg19: memref<!tpu.dma_semaphore, #tpu.memory_space<semaphore_mem>>, %arg20: memref<!tpu.dma_semaphore, #tpu.memory_space<semaphore_mem>>, %arg21: memref<!tpu.dma_semaphore, #tpu.memory_space<semaphore_mem>>, %arg22: memref<!tpu.dma_semaphore, #tpu.memory_space<semaphore_mem>>, %arg23: memref<!tpu.dma_semaphore, #tpu.memory_space<semaphore_mem>>) attributes {dimension_semantics = [#tpu.dimension_semantics<core_parallel>, #tpu.dimension_semantics<subcore_parallel>], iteration_bounds = array<i64: 2, 16>, scalar_prefetch = 0 : i64, scratch_operands = 16 : i64, tpu.core_type = #tpu.core_type<sc_vector_subcore>, window_params = [{transform_indices = #map}, {transform_indices = #map}, {transform_indices = #map}, {transform_indices = #map}, {transform_indices = #map}, {transform_indices = #map}]} {
    %mul3A = arith.constant 2 : i32
    %mul3A_0 = arith.muli %arg1, %mul3A : i32
    %add3A = arith.addi %mul3A_0, %arg0 : i32
    %jit3A = arith.constant 4 : i32
    %div3A = arith.divsi %add3A, %jit3A : i32
    %sign3A = arith.constant 0 : i32
    %sign3A_1 = arith.cmpi sgt, %add3A, %sign3A : i32
    %sign3A_2 = arith.extui %sign3A_1 : i1 to i32
    %sign3A_3 = arith.constant 0 : i32
    %sign3A_4 = arith.cmpi slt, %add3A, %sign3A_3 : i32
    %sign3A_5 = arith.extui %sign3A_4 : i1 to i32
    %sign3A_6 = arith.subi %sign3A_2, %sign3A_5 : i32
    %sign3A_7 = arith.constant 0 : i32
    %sign3A_8 = arith.cmpi sgt, %jit3A, %sign3A_7 : i32
    %sign3A_9 = arith.extui %sign3A_8 : i1 to i32
    %sign3A_10 = arith.constant 0 : i32
    %sign3A_11 = arith.cmpi slt, %jit3A, %sign3A_10 : i32
    %sign3A_12 = arith.extui %sign3A_11 : i1 to i32
    %sign3A_13 = arith.subi %sign3A_9, %sign3A_12 : i32
    %ne3A = arith.cmpi ne, %sign3A_6, %sign3A_13 : i32
    %rem3A = arith.remsi %add3A, %jit3A : i32
    %ne3A_14 = arith.constant 0 : i32
    %ne3A_15 = arith.cmpi ne, %rem3A, %ne3A_14 : i32
    %and3A = arith.andi %ne3A, %ne3A_15 : i1
    %sub3A = arith.constant 1 : i32
    %sub3A_16 = arith.subi %div3A, %sub3A : i32
    %select_n3A = arith.select %and3A, %sub3A_16, %div3A : i32
    %jit3A_17 = arith.constant 4 : i32
    %eq3A = arith.constant 0 : i32
    %eq3A_18 = arith.cmpi eq, %jit3A_17, %eq3A : i32
    %jit3A_19 = arith.constant 1 : i32
    %select_n3A_20 = arith.select %eq3A_18, %jit3A_19, %jit3A_17 : i32
    %rem3A_21 = arith.remsi %add3A, %select_n3A_20 : i32
    %ne3A_22 = arith.constant 0 : i32
    %ne3A_23 = arith.cmpi ne, %rem3A_21, %ne3A_22 : i32
    %lt3A = arith.constant 0 : i32
    %lt3A_24 = arith.cmpi slt, %rem3A_21, %lt3A : i32
    %lt3A_25 = arith.constant 0 : i32
    %lt3A_26 = arith.cmpi slt, %select_n3A_20, %lt3A_25 : i32
    %ne3A_27 = arith.xori %lt3A_24, %lt3A_26 : i1
    %and3A_28 = arith.andi %ne3A_27, %ne3A_23 : i1
    %add3A_29 = arith.addi %rem3A_21, %select_n3A_20 : i32
    %select_n3A_30 = arith.select %and3A_28, %add3A_29, %rem3A_21 : i32
    %iota3A = tpu.iota {dimensions = array<i32: 0>} : vector<16xi32>
    "tpu.region"() ({
      %run_scoped3A = tpu.sem_alloc : memref<!tpu.dma_semaphore, #tpu.memory_space<semaphore_mem>>
      %dma_start3A_102 = arith.constant 0 : i32
      %dma_start3A_103 = tpu.memref_slice %arg2[%select_n3A, %dma_start3A_102] : memref<8x2048xi32, #tpu.memory_space<hbm>> -> memref<1x2048xi32, #tpu.memory_space<hbm>>
      %dma_start3A_104 = tpu.memref_squeeze %dma_start3A_103 : memref<1x2048xi32, #tpu.memory_space<hbm>> -> memref<2048xi32, #tpu.memory_space<hbm>>
      %dma_start3A_105 = arith.constant 0 : i32
      %dma_start3A_106 = tpu.memref_slice %arg2[%select_n3A, %dma_start3A_105] : memref<8x2048xi32, #tpu.memory_space<hbm>> -> memref<1x2048xi32, #tpu.memory_space<hbm>>
      %dma_start3A_107 = tpu.memref_squeeze %dma_start3A_106 : memref<1x2048xi32, #tpu.memory_space<hbm>> -> memref<2048xi32, #tpu.memory_space<hbm>>
      tpu.enqueue_dma source(%dma_start3A_107 : memref<2048xi32, #tpu.memory_space<hbm>>) target(%arg8 : memref<2048xi32, #tpu.memory_space<vmem>>) target_semaphore(%run_scoped3A : memref<!tpu.dma_semaphore, #tpu.memory_space<semaphore_mem>>)
      %dma_wait3A_108 = arith.constant 0 : i32
      %dma_wait3A_109 = tpu.memref_slice %arg2[%select_n3A, %dma_wait3A_108] : memref<8x2048xi32, #tpu.memory_space<hbm>> -> memref<1x2048xi32, #tpu.memory_space<hbm>>
      %dma_wait3A_110 = tpu.memref_squeeze %dma_wait3A_109 : memref<1x2048xi32, #tpu.memory_space<hbm>> -> memref<2048xi32, #tpu.memory_space<hbm>>
      %dma_wait3A_111 = arith.constant 0 : i32
      %dma_wait3A_112 = tpu.memref_slice %arg2[%select_n3A, %dma_wait3A_111] : memref<8x2048xi32, #tpu.memory_space<hbm>> -> memref<1x2048xi32, #tpu.memory_space<hbm>>
      %dma_wait3A_113 = tpu.memref_squeeze %dma_wait3A_112 : memref<1x2048xi32, #tpu.memory_space<hbm>> -> memref<2048xi32, #tpu.memory_space<hbm>>
      tpu.wait_dma2 semaphore(%run_scoped3A : memref<!tpu.dma_semaphore, #tpu.memory_space<semaphore_mem>>) src(%dma_wait3A_113 : memref<2048xi32, #tpu.memory_space<hbm>>) dst(%arg8 : memref<2048xi32, #tpu.memory_space<vmem>>)
      tpu.yield
    }) : () -> ()
    %scan3A = arith.constant 0 : i32
    %scan3A_31 = arith.constant 0 : i32
    %scan3A_32 = arith.constant 128 : i32
    %scan3A_33 = arith.addi %scan3A_31, %scan3A_32 : i32
    %scan3A_34 = arith.constant 4 : i32
    %scan3A_35 = scf.for %scan3A_102 = %scan3A_31 to %scan3A_33 step %scan3A_34 iter_args(%scan3A_103 = %scan3A) -> (i32)  : i32 {
      %mul3A_104 = arith.constant 16 : i32
      %mul3A_105 = arith.muli %scan3A_102, %mul3A_104 : i32
      %get3A = arith.index_cast %mul3A_105 : i32 to index
      %get3A_106 = tpu.vector_load %arg8[%get3A] {strides = array<i32>} : memref<2048xi32, #tpu.memory_space<vmem>>, vector<16xi32>,
      %mul3A_107 = arith.constant 16 : i32
      %mul3A_108 = arith.muli %scan3A_102, %mul3A_107 : i32
      %add3A_109 = vector.broadcast %mul3A_108 : i32 to vector<16xi32>
      %add3A_110 = arith.addi %add3A_109, %iota3A : vector<16xi32>
      tpu.vector_store_idx %arg9[%get3A_106], %add3A_110 : memref<2048xi32, #tpu.memory_space<vmem>>[vector<16xi32>], vector<16xi32>,
      %scan3A_111 = arith.constant 0 : i32
      %scan3A_112 = arith.constant 1 : i32
      %scan3A_113 = arith.addi %scan3A_102, %scan3A_112 : i32
      %mul3A_114 = arith.constant 16 : i32
      %mul3A_115 = arith.muli %scan3A_113, %mul3A_114 : i32
      %get3A_116 = arith.index_cast %mul3A_115 : i32 to index
      %get3A_117 = tpu.vector_load %arg8[%get3A_116] {strides = array<i32>} : memref<2048xi32, #tpu.memory_space<vmem>>, vector<16xi32>,
      %mul3A_118 = arith.constant 16 : i32
      %mul3A_119 = arith.muli %scan3A_113, %mul3A_118 : i32
      %add3A_120 = vector.broadcast %mul3A_119 : i32 to vector<16xi32>
      %add3A_121 = arith.addi %add3A_120, %iota3A : vector<16xi32>
      tpu.vector_store_idx %arg9[%get3A_117], %add3A_121 : memref<2048xi32, #tpu.memory_space<vmem>>[vector<16xi32>], vector<16xi32>,
      %scan3A_122 = arith.constant 0 : i32
      %scan3A_123 = arith.constant 2 : i32
      %scan3A_124 = arith.addi %scan3A_102, %scan3A_123 : i32
      %mul3A_125 = arith.constant 16 : i32
      %mul3A_126 = arith.muli %scan3A_124, %mul3A_125 : i32
      %get3A_127 = arith.index_cast %mul3A_126 : i32 to index
      %get3A_128 = tpu.vector_load %arg8[%get3A_127] {strides = array<i32>} : memref<2048xi32, #tpu.memory_space<vmem>>, vector<16xi32>,
      %mul3A_129 = arith.constant 16 : i32
      %mul3A_130 = arith.muli %scan3A_124, %mul3A_129 : i32
      %add3A_131 = vector.broadcast %mul3A_130 : i32 to vector<16xi32>
      %add3A_132 = arith.addi %add3A_131, %iota3A : vector<16xi32>
      tpu.vector_store_idx %arg9[%get3A_128], %add3A_132 : memref<2048xi32, #tpu.memory_space<vmem>>[vector<16xi32>], vector<16xi32>,
      %scan3A_133 = arith.constant 0 : i32
      %scan3A_134 = arith.constant 3 : i32
      %scan3A_135 = arith.addi %scan3A_102, %scan3A_134 : i32
      %mul3A_136 = arith.constant 16 : i32
      %mul3A_137 = arith.muli %scan3A_135, %mul3A_136 : i32
      %get3A_138 = arith.index_cast %mul3A_137 : i32 to index
      %get3A_139 = tpu.vector_load %arg8[%get3A_138] {strides = array<i32>} : memref<2048xi32, #tpu.memory_space<vmem>>, vector<16xi32>,
      %mul3A_140 = arith.constant 16 : i32
      %mul3A_141 = arith.muli %scan3A_135, %mul3A_140 : i32
      %add3A_142 = vector.broadcast %mul3A_141 : i32 to vector<16xi32>
      %add3A_143 = arith.addi %add3A_142, %iota3A : vector<16xi32>
      tpu.vector_store_idx %arg9[%get3A_139], %add3A_143 : memref<2048xi32, #tpu.memory_space<vmem>>[vector<16xi32>], vector<16xi32>,
      %scan3A_144 = arith.constant 0 : i32
      scf.yield %scan3A_144 : i32
    }
    %scan3A_36 = arith.constant 128 : i32
    %mul3A_37 = arith.constant 256 : i32
    %mul3A_38 = arith.muli %select_n3A_30, %mul3A_37 : i32
    %multiple_of3A = tpu.assume_multiple %mul3A_38, 8 : i32
    %scan3A_39 = arith.constant 0 : i32
    %scan3A_40 = arith.constant 0 : i32
    %scan3A_41 = arith.constant 16 : i32
    %scan3A_42 = arith.addi %scan3A_40, %scan3A_41 : i32
    %scan3A_43 = arith.constant 4 : i32
    %scan3A_44 = scf.for %scan3A_102 = %scan3A_40 to %scan3A_42 step %scan3A_43 iter_args(%scan3A_103 = %scan3A_39) -> (i32)  : i32 {
      %mul3A_104 = arith.constant 16 : i32
      %mul3A_105 = arith.muli %scan3A_102, %mul3A_104 : i32
      %add3A_106 = arith.addi %multiple_of3A, %mul3A_105 : i32
      %get3A = arith.index_cast %add3A_106 : i32 to index
      %get3A_107 = tpu.vector_load %arg9[%get3A] {strides = array<i32>} : memref<2048xi32, #tpu.memory_space<vmem>>, vector<16xi32>,
      %mul3A_108 = arith.constant 2048 : i32
      %mul3A_109 = arith.muli %select_n3A, %mul3A_108 : i32
      %add3A_110 = vector.broadcast %mul3A_109 : i32 to vector<16xi32>
      %add3A_111 = arith.addi %get3A_107, %add3A_110 : vector<16xi32>
      %mul3A_112 = arith.constant 16 : i32
      %mul3A_113 = arith.muli %scan3A_102, %mul3A_112 : i32
      %swap3A = arith.index_cast %mul3A_113 : i32 to index
      %swap3A_114 = tpu.vector_load %arg10[%swap3A] {strides = array<i32>} : memref<256xi32, #tpu.memory_space<vmem>>, vector<16xi32>,
      tpu.vector_store %arg10[%swap3A], %add3A_111 {strides = array<i32>} : memref<256xi32, #tpu.memory_space<vmem>>, vector<16xi32>,
      %scan3A_115 = arith.constant 0 : i32
      %scan3A_116 = arith.constant 1 : i32
      %scan3A_117 = arith.addi %scan3A_102, %scan3A_116 : i32
      %mul3A_118 = arith.constant 16 : i32
      %mul3A_119 = arith.muli %scan3A_117, %mul3A_118 : i32
      %add3A_120 = arith.addi %multiple_of3A, %mul3A_119 : i32
      %get3A_121 = arith.index_cast %add3A_120 : i32 to index
      %get3A_122 = tpu.vector_load %arg9[%get3A_121] {strides = array<i32>} : memref<2048xi32, #tpu.memory_space<vmem>>, vector<16xi32>,
      %mul3A_123 = arith.constant 2048 : i32
      %mul3A_124 = arith.muli %select_n3A, %mul3A_123 : i32
      %add3A_125 = vector.broadcast %mul3A_124 : i32 to vector<16xi32>
      %add3A_126 = arith.addi %get3A_122, %add3A_125 : vector<16xi32>
      %mul3A_127 = arith.constant 16 : i32
      %mul3A_128 = arith.muli %scan3A_117, %mul3A_127 : i32
      %swap3A_129 = arith.index_cast %mul3A_128 : i32 to index
      %swap3A_130 = tpu.vector_load %arg10[%swap3A_129] {strides = array<i32>} : memref<256xi32, #tpu.memory_space<vmem>>, vector<16xi32>,
      tpu.vector_store %arg10[%swap3A_129], %add3A_126 {strides = array<i32>} : memref<256xi32, #tpu.memory_space<vmem>>, vector<16xi32>,
      %scan3A_131 = arith.constant 0 : i32
      %scan3A_132 = arith.constant 2 : i32
      %scan3A_133 = arith.addi %scan3A_102, %scan3A_132 : i32
      %mul3A_134 = arith.constant 16 : i32
      %mul3A_135 = arith.muli %scan3A_133, %mul3A_134 : i32
      %add3A_136 = arith.addi %multiple_of3A, %mul3A_135 : i32
      %get3A_137 = arith.index_cast %add3A_136 : i32 to index
      %get3A_138 = tpu.vector_load %arg9[%get3A_137] {strides = array<i32>} : memref<2048xi32, #tpu.memory_space<vmem>>, vector<16xi32>,
      %mul3A_139 = arith.constant 2048 : i32
      %mul3A_140 = arith.muli %select_n3A, %mul3A_139 : i32
      %add3A_141 = vector.broadcast %mul3A_140 : i32 to vector<16xi32>
      %add3A_142 = arith.addi %get3A_138, %add3A_141 : vector<16xi32>
      %mul3A_143 = arith.constant 16 : i32
      %mul3A_144 = arith.muli %scan3A_133, %mul3A_143 : i32
      %swap3A_145 = arith.index_cast %mul3A_144 : i32 to index
      %swap3A_146 = tpu.vector_load %arg10[%swap3A_145] {strides = array<i32>} : memref<256xi32, #tpu.memory_space<vmem>>, vector<16xi32>,
      tpu.vector_store %arg10[%swap3A_145], %add3A_142 {strides = array<i32>} : memref<256xi32, #tpu.memory_space<vmem>>, vector<16xi32>,
      %scan3A_147 = arith.constant 0 : i32
      %scan3A_148 = arith.constant 3 : i32
      %scan3A_149 = arith.addi %scan3A_102, %scan3A_148 : i32
      %mul3A_150 = arith.constant 16 : i32
      %mul3A_151 = arith.muli %scan3A_149, %mul3A_150 : i32
      %add3A_152 = arith.addi %multiple_of3A, %mul3A_151 : i32
      %get3A_153 = arith.index_cast %add3A_152 : i32 to index
      %get3A_154 = tpu.vector_load %arg9[%get3A_153] {strides = array<i32>} : memref<2048xi32, #tpu.memory_space<vmem>>, vector<16xi32>,
      %mul3A_155 = arith.constant 2048 : i32
      %mul3A_156 = arith.muli %select_n3A, %mul3A_155 : i32
      %add3A_157 = vector.broadcast %mul3A_156 : i32 to vector<16xi32>
      %add3A_158 = arith.addi %get3A_154, %add3A_157 : vector<16xi32>
      %mul3A_159 = arith.constant 16 : i32
      %mul3A_160 = arith.muli %scan3A_149, %mul3A_159 : i32
      %swap3A_161 = arith.index_cast %mul3A_160 : i32 to index
      %swap3A_162 = tpu.vector_load %arg10[%swap3A_161] {strides = array<i32>} : memref<256xi32, #tpu.memory_space<vmem>>, vector<16xi32>,
      tpu.vector_store %arg10[%swap3A_161], %add3A_158 {strides = array<i32>} : memref<256xi32, #tpu.memory_space<vmem>>, vector<16xi32>,
      %scan3A_163 = arith.constant 0 : i32
      scf.yield %scan3A_163 : i32
    }
    %scan3A_45 = arith.constant 16 : i32
    %mul3A_46 = arith.constant 1024 : i32
    %mul3A_47 = arith.muli %select_n3A, %mul3A_46 : i32
    %mul3A_48 = arith.constant 256 : i32
    %mul3A_49 = arith.muli %select_n3A_30, %mul3A_48 : i32
    %add3A_50 = arith.addi %mul3A_47, %mul3A_49 : i32
    %multiple_of3A_51 = tpu.assume_multiple %add3A_50, 8 : i32
    %multiple_of3A_52 = arith.constant 0 : i32
    %multiple_of3A_53 = tpu.assume_multiple %multiple_of3A_52, 8 : i32
    %dma_start3A = tpu.memref_slice %arg10[%multiple_of3A_53] : memref<256xi32, #tpu.memory_space<vmem>> -> memref<32xi32, #tpu.memory_space<vmem>>
    %dma_start3A_54 = arith.constant 0 : i32
    %dma_start3A_55 = arith.constant 0 : i32
    %dma_start3A_56 = tpu.memref_slice %arg3[%dma_start3A_54, %dma_start3A_55] : memref<16384x256xf32, #tpu.memory_space<hbm>> -> memref<16384x256xf32, #tpu.memory_space<hbm>>
    tpu.enqueue_indirect_dma source(%dma_start3A_56 : memref<16384x256xf32, #tpu.memory_space<hbm>>) target(%arg11 : memref<32x256xf32, #tpu.memory_space<vmem>>) offsets(%dma_start3A : memref<32xi32, #tpu.memory_space<vmem>>) semaphore(%arg21 : memref<!tpu.dma_semaphore, #tpu.memory_space<semaphore_mem>>)
    %multiple_of3A_57 = arith.constant 0 : i32
    %multiple_of3A_58 = tpu.assume_multiple %multiple_of3A_57, 8 : i32
    %dma_start3A_59 = tpu.memref_slice %arg10[%multiple_of3A_58] : memref<256xi32, #tpu.memory_space<vmem>> -> memref<16xi32, #tpu.memory_space<vmem>>
    %dma_start3A_60 = arith.constant 0 : i32
    %dma_start3A_61 = arith.constant 0 : i32
    %dma_start3A_62 = tpu.memref_slice %arg4[%dma_start3A_60, %dma_start3A_61] : memref<16384x2048xf32, #tpu.memory_space<hbm>> -> memref<16384x2048xf32, #tpu.memory_space<hbm>>
    tpu.enqueue_indirect_dma source(%dma_start3A_62 : memref<16384x2048xf32, #tpu.memory_space<hbm>>) target(%arg13 : memref<16x2048xf32, #tpu.memory_space<vmem>>) offsets(%dma_start3A_59 : memref<16xi32, #tpu.memory_space<vmem>>) semaphore(%arg17 : memref<!tpu.dma_semaphore, #tpu.memory_space<semaphore_mem>>)
    %multiple_of3A_63 = arith.constant 16 : i32
    %multiple_of3A_64 = tpu.assume_multiple %multiple_of3A_63, 8 : i32
    %dma_start3A_65 = tpu.memref_slice %arg10[%multiple_of3A_64] : memref<256xi32, #tpu.memory_space<vmem>> -> memref<16xi32, #tpu.memory_space<vmem>>
    %dma_start3A_66 = arith.constant 0 : i32
    %dma_start3A_67 = arith.constant 0 : i32
    %dma_start3A_68 = tpu.memref_slice %arg4[%dma_start3A_66, %dma_start3A_67] : memref<16384x2048xf32, #tpu.memory_space<hbm>> -> memref<16384x2048xf32, #tpu.memory_space<hbm>>
    tpu.enqueue_indirect_dma source(%dma_start3A_68 : memref<16384x2048xf32, #tpu.memory_space<hbm>>) target(%arg14 : memref<16x2048xf32, #tpu.memory_space<vmem>>) offsets(%dma_start3A_65 : memref<16xi32, #tpu.memory_space<vmem>>) semaphore(%arg18 : memref<!tpu.dma_semaphore, #tpu.memory_space<semaphore_mem>>)
    %eq3A_69 = arith.constant 0 : i32
    %eq3A_70 = arith.cmpi eq, %select_n3A_30, %eq3A_69 : i32
    %convert_element_type3A = arith.extui %eq3A_70 : i1 to i32
    %cond3A = arith.constant 0 : i32
    %cond3A_71 = arith.cmpi ne, %convert_element_type3A, %cond3A : i32
    scf.if %cond3A_71 {
      "tpu.region"() ({
        %run_scoped3A = tpu.sem_alloc : memref<!tpu.dma_semaphore, #tpu.memory_space<semaphore_mem>>
        %dma_start3A_102 = arith.constant 0 : i32
        %dma_start3A_103 = tpu.memref_slice %arg9[%dma_start3A_102] : memref<2048xi32, #tpu.memory_space<vmem>> -> memref<1024xi32, #tpu.memory_space<vmem>>
        %dma_start3A_104 = arith.constant 0 : i32
        %dma_start3A_105 = tpu.memref_slice %arg7[%select_n3A, %dma_start3A_104] : memref<8x1024xi32, #tpu.memory_space<hbm>> -> memref<1x1024xi32, #tpu.memory_space<hbm>>
        %dma_start3A_106 = tpu.memref_squeeze %dma_start3A_105 : memref<1x1024xi32, #tpu.memory_space<hbm>> -> memref<1024xi32, #tpu.memory_space<hbm>>
        %dma_start3A_107 = arith.constant 0 : i32
        %dma_start3A_108 = tpu.memref_slice %arg7[%select_n3A, %dma_start3A_107] : memref<8x1024xi32, #tpu.memory_space<hbm>> -> memref<1x1024xi32, #tpu.memory_space<hbm>>
        %dma_start3A_109 = tpu.memref_squeeze %dma_start3A_108 : memref<1x1024xi32, #tpu.memory_space<hbm>> -> memref<1024xi32, #tpu.memory_space<hbm>>
        %dma_start3A_110 = arith.constant 0 : i32
        %dma_start3A_111 = tpu.memref_slice %arg9[%dma_start3A_110] : memref<2048xi32, #tpu.memory_space<vmem>> -> memref<1024xi32, #tpu.memory_space<vmem>>
        tpu.enqueue_dma source(%dma_start3A_111 : memref<1024xi32, #tpu.memory_space<vmem>>) target(%dma_start3A_109 : memref<1024xi32, #tpu.memory_space<hbm>>) target_semaphore(%run_scoped3A : memref<!tpu.dma_semaphore, #tpu.memory_space<semaphore_mem>>)
        %dma_wait3A_112 = arith.constant 0 : i32
        %dma_wait3A_113 = tpu.memref_slice %arg9[%dma_wait3A_112] : memref<2048xi32, #tpu.memory_space<vmem>> -> memref<1024xi32, #tpu.memory_space<vmem>>
        %dma_wait3A_114 = arith.constant 0 : i32
        %dma_wait3A_115 = tpu.memref_slice %arg7[%select_n3A, %dma_wait3A_114] : memref<8x1024xi32, #tpu.memory_space<hbm>> -> memref<1x1024xi32, #tpu.memory_space<hbm>>
        %dma_wait3A_116 = tpu.memref_squeeze %dma_wait3A_115 : memref<1x1024xi32, #tpu.memory_space<hbm>> -> memref<1024xi32, #tpu.memory_space<hbm>>
        %dma_wait3A_117 = arith.constant 0 : i32
        %dma_wait3A_118 = tpu.memref_slice %arg7[%select_n3A, %dma_wait3A_117] : memref<8x1024xi32, #tpu.memory_space<hbm>> -> memref<1x1024xi32, #tpu.memory_space<hbm>>
        %dma_wait3A_119 = tpu.memref_squeeze %dma_wait3A_118 : memref<1x1024xi32, #tpu.memory_space<hbm>> -> memref<1024xi32, #tpu.memory_space<hbm>>
        %dma_wait3A_120 = arith.constant 0 : i32
        %dma_wait3A_121 = tpu.memref_slice %arg9[%dma_wait3A_120] : memref<2048xi32, #tpu.memory_space<vmem>> -> memref<1024xi32, #tpu.memory_space<vmem>>
        tpu.wait_dma2 semaphore(%run_scoped3A : memref<!tpu.dma_semaphore, #tpu.memory_space<semaphore_mem>>) src(%dma_wait3A_121 : memref<1024xi32, #tpu.memory_space<vmem>>) dst(%dma_wait3A_119 : memref<1024xi32, #tpu.memory_space<hbm>>)
        tpu.yield
      }) : () -> ()
    } else {
    }
    %scan3A_72 = arith.constant 0 : i32
    %scan3A_73 = arith.constant 0 : i32
    %scan3A_74 = arith.constant 8 : i32
    %scan3A_75 = arith.addi %scan3A_73, %scan3A_74 : i32
    %scan3A_76 = arith.constant 1 : i32
    %scan3A_77 = scf.for %scan3A_102 = %scan3A_73 to %scan3A_75 step %scan3A_76 iter_args(%scan3A_103 = %scan3A_72) -> (i32)  : i32 {
      %mul3A_104 = arith.constant 2 : i32
      %mul3A_105 = arith.muli %scan3A_102, %mul3A_104 : i32
      %add3A_106 = arith.constant 0 : i32
      %add3A_107 = arith.addi %mul3A_105, %add3A_106 : i32
      %dma_wait3A_108 = arith.constant 0 : i32
      %dma_wait3A_109 = tpu.memref_slice %arg10[%dma_wait3A_108] : memref<256xi32, #tpu.memory_space<vmem>> -> memref<16xi32, #tpu.memory_space<vmem>>
      %dma_wait3A_110 = arith.constant 0 : i32
      %dma_wait3A_111 = arith.constant 0 : i32
      %dma_wait3A_112 = tpu.memref_slice %arg4[%dma_wait3A_110, %dma_wait3A_111] : memref<16384x2048xf32, #tpu.memory_space<hbm>> -> memref<16384x2048xf32, #tpu.memory_space<hbm>>
      tpu.wait_indirect_dma semaphore(%arg17 : memref<!tpu.dma_semaphore, #tpu.memory_space<semaphore_mem>>) src(%dma_wait3A_112 : memref<16384x2048xf32, #tpu.memory_space<hbm>>) dst(%arg13 : memref<16x2048xf32, #tpu.memory_space<vmem>>)
      %ge3A = arith.constant 1 : i32
      %ge3A_113 = arith.cmpi sge, %scan3A_102, %ge3A : i32
      %convert_element_type3A_114 = arith.extui %ge3A_113 : i1 to i32
      %cond3A_115 = arith.constant 0 : i32
      %cond3A_116 = arith.cmpi ne, %convert_element_type3A_114, %cond3A_115 : i32
      scf.if %cond3A_116 {
        %dma_wait3A_564 = arith.constant 0 : i32
        %dma_wait3A_565 = arith.constant 0 : i32
        %dma_wait3A_566 = tpu.memref_slice %arg6[%dma_wait3A_564, %dma_wait3A_565] : memref<8192x1024xf32, #tpu.memory_space<hbm>> -> memref<16x1024xf32, #tpu.memory_space<hbm>>
        %dma_wait3A_567 = arith.constant 0 : i32
        %dma_wait3A_568 = arith.constant 0 : i32
        %dma_wait3A_569 = tpu.memref_slice %arg6[%dma_wait3A_567, %dma_wait3A_568] : memref<8192x1024xf32, #tpu.memory_space<hbm>> -> memref<16x1024xf32, #tpu.memory_space<hbm>>
        tpu.wait_dma2 semaphore(%arg19 : memref<!tpu.dma_semaphore, #tpu.memory_space<semaphore_mem>>) src(%arg15 : memref<16x1024xf32, #tpu.memory_space<vmem>>) dst(%dma_wait3A_569 : memref<16x1024xf32, #tpu.memory_space<hbm>>)
      } else {
      }
      %scan3A_117 = arith.constant 0 : i32
      %scan3A_118 = arith.constant 0 : i32
      %scan3A_119 = arith.constant 64 : i32
      %scan3A_120 = arith.addi %scan3A_118, %scan3A_119 : i32
      %scan3A_121 = arith.constant 2 : i32
      %scan3A_122 = scf.for %scan3A_564 = %scan3A_118 to %scan3A_120 step %scan3A_121 iter_args(%scan3A_565 = %scan3A_117) -> (i32)  : i32 {
        %mul3A_566 = arith.constant 16 : i32
        %mul3A_567 = arith.muli %scan3A_564, %mul3A_566 : i32
        %get3A = arith.index_cast %mul3A_567 : i32 to index
        %get3A_568 = tpu.vector_load %arg9[%get3A] {strides = array<i32>} : memref<2048xi32, #tpu.memory_space<vmem>>, vector<16xi32>,
        %mul3A_569 = arith.constant 0 : i32
        %mul3A_570 = vector.broadcast %mul3A_569 : i32 to vector<16xi32>
        %mul3A_571 = arith.muli %iota3A, %mul3A_570 : vector<16xi32>
        %add3A_572 = arith.constant 0 : i32
        %add3A_573 = vector.broadcast %add3A_572 : i32 to vector<16xi32>
        %add3A_574 = arith.addi %mul3A_571, %add3A_573 : vector<16xi32>
        %gather3A = tpu.vector_load_idx %arg13[%add3A_574, %get3A_568] : memref<16x2048xf32, #tpu.memory_space<vmem>>[vector<16xi32>, vector<16xi32>], vector<16xf32>,
        %mul3A_575 = arith.constant 0 : i32
        %mul3A_576 = vector.broadcast %mul3A_575 : i32 to vector<16xi32>
        %mul3A_577 = arith.muli %iota3A, %mul3A_576 : vector<16xi32>
        %add3A_578 = arith.constant 1 : i32
        %add3A_579 = vector.broadcast %add3A_578 : i32 to vector<16xi32>
        %add3A_580 = arith.addi %mul3A_577, %add3A_579 : vector<16xi32>
        %gather3A_581 = tpu.vector_load_idx %arg13[%add3A_580, %get3A_568] : memref<16x2048xf32, #tpu.memory_space<vmem>>[vector<16xi32>, vector<16xi32>], vector<16xf32>,
        %mul3A_582 = arith.constant 0 : i32
        %mul3A_583 = vector.broadcast %mul3A_582 : i32 to vector<16xi32>
        %mul3A_584 = arith.muli %iota3A, %mul3A_583 : vector<16xi32>
        %add3A_585 = arith.constant 2 : i32
        %add3A_586 = vector.broadcast %add3A_585 : i32 to vector<16xi32>
        %add3A_587 = arith.addi %mul3A_584, %add3A_586 : vector<16xi32>
        %gather3A_588 = tpu.vector_load_idx %arg13[%add3A_587, %get3A_568] : memref<16x2048xf32, #tpu.memory_space<vmem>>[vector<16xi32>, vector<16xi32>], vector<16xf32>,
        %mul3A_589 = arith.constant 0 : i32
        %mul3A_590 = vector.broadcast %mul3A_589 : i32 to vector<16xi32>
        %mul3A_591 = arith.muli %iota3A, %mul3A_590 : vector<16xi32>
        %add3A_592 = arith.constant 3 : i32
        %add3A_593 = vector.broadcast %add3A_592 : i32 to vector<16xi32>
        %add3A_594 = arith.addi %mul3A_591, %add3A_593 : vector<16xi32>
        %gather3A_595 = tpu.vector_load_idx %arg13[%add3A_594, %get3A_568] : memref<16x2048xf32, #tpu.memory_space<vmem>>[vector<16xi32>, vector<16xi32>], vector<16xf32>,
        %mul3A_596 = arith.constant 0 : i32
        %mul3A_597 = vector.broadcast %mul3A_596 : i32 to vector<16xi32>
        %mul3A_598 = arith.muli %iota3A, %mul3A_597 : vector<16xi32>
        %add3A_599 = arith.constant 4 : i32
        %add3A_600 = vector.broadcast %add3A_599 : i32 to vector<16xi32>
        %add3A_601 = arith.addi %mul3A_598, %add3A_600 : vector<16xi32>
        %gather3A_602 = tpu.vector_load_idx %arg13[%add3A_601, %get3A_568] : memref<16x2048xf32, #tpu.memory_space<vmem>>[vector<16xi32>, vector<16xi32>], vector<16xf32>,
        %mul3A_603 = arith.constant 0 : i32
        %mul3A_604 = vector.broadcast %mul3A_603 : i32 to vector<16xi32>
        %mul3A_605 = arith.muli %iota3A, %mul3A_604 : vector<16xi32>
        %add3A_606 = arith.constant 5 : i32
        %add3A_607 = vector.broadcast %add3A_606 : i32 to vector<16xi32>
        %add3A_608 = arith.addi %mul3A_605, %add3A_607 : vector<16xi32>
        %gather3A_609 = tpu.vector_load_idx %arg13[%add3A_608, %get3A_568] : memref<16x2048xf32, #tpu.memory_space<vmem>>[vector<16xi32>, vector<16xi32>], vector<16xf32>,
        %mul3A_610 = arith.constant 0 : i32
        %mul3A_611 = vector.broadcast %mul3A_610 : i32 to vector<16xi32>
        %mul3A_612 = arith.muli %iota3A, %mul3A_611 : vector<16xi32>
        %add3A_613 = arith.constant 6 : i32
        %add3A_614 = vector.broadcast %add3A_613 : i32 to vector<16xi32>
        %add3A_615 = arith.addi %mul3A_612, %add3A_614 : vector<16xi32>
        %gather3A_616 = tpu.vector_load_idx %arg13[%add3A_615, %get3A_568] : memref<16x2048xf32, #tpu.memory_space<vmem>>[vector<16xi32>, vector<16xi32>], vector<16xf32>,
        %mul3A_617 = arith.constant 0 : i32
        %mul3A_618 = vector.broadcast %mul3A_617 : i32 to vector<16xi32>
        %mul3A_619 = arith.muli %iota3A, %mul3A_618 : vector<16xi32>
        %add3A_620 = arith.constant 7 : i32
        %add3A_621 = vector.broadcast %add3A_620 : i32 to vector<16xi32>
        %add3A_622 = arith.addi %mul3A_619, %add3A_621 : vector<16xi32>
        %gather3A_623 = tpu.vector_load_idx %arg13[%add3A_622, %get3A_568] : memref<16x2048xf32, #tpu.memory_space<vmem>>[vector<16xi32>, vector<16xi32>], vector<16xf32>,
        %mul3A_624 = arith.constant 16 : i32
        %mul3A_625 = arith.muli %scan3A_564, %mul3A_624 : i32
        %swap3A = arith.constant 0 : i32
        %swap3A_626 = arith.index_cast %swap3A : i32 to index
        %swap3A_627 = arith.index_cast %mul3A_625 : i32 to index
        %swap3A_628 = tpu.vector_load %arg15[%swap3A_626, %swap3A_627] {strides = array<i32>} : memref<16x1024xf32, #tpu.memory_space<vmem>>, vector<16xf32>,
        tpu.vector_store %arg15[%swap3A_626, %swap3A_627], %gather3A {strides = array<i32>} : memref<16x1024xf32, #tpu.memory_space<vmem>>, vector<16xf32>,
        %mul3A_629 = arith.constant 16 : i32
        %mul3A_630 = arith.muli %scan3A_564, %mul3A_629 : i32
        %swap3A_631 = arith.constant 1 : i32
        %swap3A_632 = arith.index_cast %swap3A_631 : i32 to index
        %swap3A_633 = arith.index_cast %mul3A_630 : i32 to index
        %swap3A_634 = tpu.vector_load %arg15[%swap3A_632, %swap3A_633] {strides = array<i32>} : memref<16x1024xf32, #tpu.memory_space<vmem>>, vector<16xf32>,
        tpu.vector_store %arg15[%swap3A_632, %swap3A_633], %gather3A_581 {strides = array<i32>} : memref<16x1024xf32, #tpu.memory_space<vmem>>, vector<16xf32>,
        %mul3A_635 = arith.constant 16 : i32
        %mul3A_636 = arith.muli %scan3A_564, %mul3A_635 : i32
        %swap3A_637 = arith.constant 2 : i32
        %swap3A_638 = arith.index_cast %swap3A_637 : i32 to index
        %swap3A_639 = arith.index_cast %mul3A_636 : i32 to index
        %swap3A_640 = tpu.vector_load %arg15[%swap3A_638, %swap3A_639] {strides = array<i32>} : memref<16x1024xf32, #tpu.memory_space<vmem>>, vector<16xf32>,
        tpu.vector_store %arg15[%swap3A_638, %swap3A_639], %gather3A_588 {strides = array<i32>} : memref<16x1024xf32, #tpu.memory_space<vmem>>, vector<16xf32>,
        %mul3A_641 = arith.constant 16 : i32
        %mul3A_642 = arith.muli %scan3A_564, %mul3A_641 : i32
        %swap3A_643 = arith.constant 3 : i32
        %swap3A_644 = arith.index_cast %swap3A_643 : i32 to index
        %swap3A_645 = arith.index_cast %mul3A_642 : i32 to index
        %swap3A_646 = tpu.vector_load %arg15[%swap3A_644, %swap3A_645] {strides = array<i32>} : memref<16x1024xf32, #tpu.memory_space<vmem>>, vector<16xf32>,
        tpu.vector_store %arg15[%swap3A_644, %swap3A_645], %gather3A_595 {strides = array<i32>} : memref<16x1024xf32, #tpu.memory_space<vmem>>, vector<16xf32>,
        %mul3A_647 = arith.constant 16 : i32
        %mul3A_648 = arith.muli %scan3A_564, %mul3A_647 : i32
        %swap3A_649 = arith.constant 4 : i32
        %swap3A_650 = arith.index_cast %swap3A_649 : i32 to index
        %swap3A_651 = arith.index_cast %mul3A_648 : i32 to index
        %swap3A_652 = tpu.vector_load %arg15[%swap3A_650, %swap3A_651] {strides = array<i32>} : memref<16x1024xf32, #tpu.memory_space<vmem>>, vector<16xf32>,
        tpu.vector_store %arg15[%swap3A_650, %swap3A_651], %gather3A_602 {strides = array<i32>} : memref<16x1024xf32, #tpu.memory_space<vmem>>, vector<16xf32>,
        %mul3A_653 = arith.constant 16 : i32
        %mul3A_654 = arith.muli %scan3A_564, %mul3A_653 : i32
        %swap3A_655 = arith.constant 5 : i32
        %swap3A_656 = arith.index_cast %swap3A_655 : i32 to index
        %swap3A_657 = arith.index_cast %mul3A_654 : i32 to index
        %swap3A_658 = tpu.vector_load %arg15[%swap3A_656, %swap3A_657] {strides = array<i32>} : memref<16x1024xf32, #tpu.memory_space<vmem>>, vector<16xf32>,
        tpu.vector_store %arg15[%swap3A_656, %swap3A_657], %gather3A_609 {strides = array<i32>} : memref<16x1024xf32, #tpu.memory_space<vmem>>, vector<16xf32>,
        %mul3A_659 = arith.constant 16 : i32
        %mul3A_660 = arith.muli %scan3A_564, %mul3A_659 : i32
        %swap3A_661 = arith.constant 6 : i32
        %swap3A_662 = arith.index_cast %swap3A_661 : i32 to index
        %swap3A_663 = arith.index_cast %mul3A_660 : i32 to index
        %swap3A_664 = tpu.vector_load %arg15[%swap3A_662, %swap3A_663] {strides = array<i32>} : memref<16x1024xf32, #tpu.memory_space<vmem>>, vector<16xf32>,
        tpu.vector_store %arg15[%swap3A_662, %swap3A_663], %gather3A_616 {strides = array<i32>} : memref<16x1024xf32, #tpu.memory_space<vmem>>, vector<16xf32>,
        %mul3A_665 = arith.constant 16 : i32
        %mul3A_666 = arith.muli %scan3A_564, %mul3A_665 : i32
        %swap3A_667 = arith.constant 7 : i32
        %swap3A_668 = arith.index_cast %swap3A_667 : i32 to index
        %swap3A_669 = arith.index_cast %mul3A_666 : i32 to index
        %swap3A_670 = tpu.vector_load %arg15[%swap3A_668, %swap3A_669] {strides = array<i32>} : memref<16x1024xf32, #tpu.memory_space<vmem>>, vector<16xf32>,
        tpu.vector_store %arg15[%swap3A_668, %swap3A_669], %gather3A_623 {strides = array<i32>} : memref<16x1024xf32, #tpu.memory_space<vmem>>, vector<16xf32>,
        %mul3A_671 = arith.constant 0 : i32
        %mul3A_672 = vector.broadcast %mul3A_671 : i32 to vector<16xi32>
        %mul3A_673 = arith.muli %iota3A, %mul3A_672 : vector<16xi32>
        %add3A_674 = arith.constant 8 : i32
        %add3A_675 = vector.broadcast %add3A_674 : i32 to vector<16xi32>
        %add3A_676 = arith.addi %mul3A_673, %add3A_675 : vector<16xi32>
        %gather3A_677 = tpu.vector_load_idx %arg13[%add3A_676, %get3A_568] : memref<16x2048xf32, #tpu.memory_space<vmem>>[vector<16xi32>, vector<16xi32>], vector<16xf32>,
        %mul3A_678 = arith.constant 0 : i32
        %mul3A_679 = vector.broadcast %mul3A_678 : i32 to vector<16xi32>
        %mul3A_680 = arith.muli %iota3A, %mul3A_679 : vector<16xi32>
        %add3A_681 = arith.constant 9 : i32
        %add3A_682 = vector.broadcast %add3A_681 : i32 to vector<16xi32>
        %add3A_683 = arith.addi %mul3A_680, %add3A_682 : vector<16xi32>
        %gather3A_684 = tpu.vector_load_idx %arg13[%add3A_683, %get3A_568] : memref<16x2048xf32, #tpu.memory_space<vmem>>[vector<16xi32>, vector<16xi32>], vector<16xf32>,
        %mul3A_685 = arith.constant 0 : i32
        %mul3A_686 = vector.broadcast %mul3A_685 : i32 to vector<16xi32>
        %mul3A_687 = arith.muli %iota3A, %mul3A_686 : vector<16xi32>
        %add3A_688 = arith.constant 10 : i32
        %add3A_689 = vector.broadcast %add3A_688 : i32 to vector<16xi32>
        %add3A_690 = arith.addi %mul3A_687, %add3A_689 : vector<16xi32>
        %gather3A_691 = tpu.vector_load_idx %arg13[%add3A_690, %get3A_568] : memref<16x2048xf32, #tpu.memory_space<vmem>>[vector<16xi32>, vector<16xi32>], vector<16xf32>,
        %mul3A_692 = arith.constant 0 : i32
        %mul3A_693 = vector.broadcast %mul3A_692 : i32 to vector<16xi32>
        %mul3A_694 = arith.muli %iota3A, %mul3A_693 : vector<16xi32>
        %add3A_695 = arith.constant 11 : i32
        %add3A_696 = vector.broadcast %add3A_695 : i32 to vector<16xi32>
        %add3A_697 = arith.addi %mul3A_694, %add3A_696 : vector<16xi32>
        %gather3A_698 = tpu.vector_load_idx %arg13[%add3A_697, %get3A_568] : memref<16x2048xf32, #tpu.memory_space<vmem>>[vector<16xi32>, vector<16xi32>], vector<16xf32>,
        %mul3A_699 = arith.constant 0 : i32
        %mul3A_700 = vector.broadcast %mul3A_699 : i32 to vector<16xi32>
        %mul3A_701 = arith.muli %iota3A, %mul3A_700 : vector<16xi32>
        %add3A_702 = arith.constant 12 : i32
        %add3A_703 = vector.broadcast %add3A_702 : i32 to vector<16xi32>
        %add3A_704 = arith.addi %mul3A_701, %add3A_703 : vector<16xi32>
        %gather3A_705 = tpu.vector_load_idx %arg13[%add3A_704, %get3A_568] : memref<16x2048xf32, #tpu.memory_space<vmem>>[vector<16xi32>, vector<16xi32>], vector<16xf32>,
        %mul3A_706 = arith.constant 0 : i32
        %mul3A_707 = vector.broadcast %mul3A_706 : i32 to vector<16xi32>
        %mul3A_708 = arith.muli %iota3A, %mul3A_707 : vector<16xi32>
        %add3A_709 = arith.constant 13 : i32
        %add3A_710 = vector.broadcast %add3A_709 : i32 to vector<16xi32>
        %add3A_711 = arith.addi %mul3A_708, %add3A_710 : vector<16xi32>
        %gather3A_712 = tpu.vector_load_idx %arg13[%add3A_711, %get3A_568] : memref<16x2048xf32, #tpu.memory_space<vmem>>[vector<16xi32>, vector<16xi32>], vector<16xf32>,
        %mul3A_713 = arith.constant 0 : i32
        %mul3A_714 = vector.broadcast %mul3A_713 : i32 to vector<16xi32>
        %mul3A_715 = arith.muli %iota3A, %mul3A_714 : vector<16xi32>
        %add3A_716 = arith.constant 14 : i32
        %add3A_717 = vector.broadcast %add3A_716 : i32 to vector<16xi32>
        %add3A_718 = arith.addi %mul3A_715, %add3A_717 : vector<16xi32>
        %gather3A_719 = tpu.vector_load_idx %arg13[%add3A_718, %get3A_568] : memref<16x2048xf32, #tpu.memory_space<vmem>>[vector<16xi32>, vector<16xi32>], vector<16xf32>,
        %mul3A_720 = arith.constant 0 : i32
        %mul3A_721 = vector.broadcast %mul3A_720 : i32 to vector<16xi32>
        %mul3A_722 = arith.muli %iota3A, %mul3A_721 : vector<16xi32>
        %add3A_723 = arith.constant 15 : i32
        %add3A_724 = vector.broadcast %add3A_723 : i32 to vector<16xi32>
        %add3A_725 = arith.addi %mul3A_722, %add3A_724 : vector<16xi32>
        %gather3A_726 = tpu.vector_load_idx %arg13[%add3A_725, %get3A_568] : memref<16x2048xf32, #tpu.memory_space<vmem>>[vector<16xi32>, vector<16xi32>], vector<16xf32>,
        %mul3A_727 = arith.constant 16 : i32
        %mul3A_728 = arith.muli %scan3A_564, %mul3A_727 : i32
        %swap3A_729 = arith.constant 8 : i32
        %swap3A_730 = arith.index_cast %swap3A_729 : i32 to index
        %swap3A_731 = arith.index_cast %mul3A_728 : i32 to index
        %swap3A_732 = tpu.vector_load %arg15[%swap3A_730, %swap3A_731] {strides = array<i32>} : memref<16x1024xf32, #tpu.memory_space<vmem>>, vector<16xf32>,
        tpu.vector_store %arg15[%swap3A_730, %swap3A_731], %gather3A_677 {strides = array<i32>} : memref<16x1024xf32, #tpu.memory_space<vmem>>, vector<16xf32>,
        %mul3A_733 = arith.constant 16 : i32
        %mul3A_734 = arith.muli %scan3A_564, %mul3A_733 : i32
        %swap3A_735 = arith.constant 9 : i32
        %swap3A_736 = arith.index_cast %swap3A_735 : i32 to index
        %swap3A_737 = arith.index_cast %mul3A_734 : i32 to index
        %swap3A_738 = tpu.vector_load %arg15[%swap3A_736, %swap3A_737] {strides = array<i32>} : memref<16x1024xf32, #tpu.memory_space<vmem>>, vector<16xf32>,
        tpu.vector_store %arg15[%swap3A_736, %swap3A_737], %gather3A_684 {strides = array<i32>} : memref<16x1024xf32, #tpu.memory_space<vmem>>, vector<16xf32>,
        %mul3A_739 = arith.constant 16 : i32
        %mul3A_740 = arith.muli %scan3A_564, %mul3A_739 : i32
        %swap3A_741 = arith.constant 10 : i32
        %swap3A_742 = arith.index_cast %swap3A_741 : i32 to index
        %swap3A_743 = arith.index_cast %mul3A_740 : i32 to index
        %swap3A_744 = tpu.vector_load %arg15[%swap3A_742, %swap3A_743] {strides = array<i32>} : memref<16x1024xf32, #tpu.memory_space<vmem>>, vector<16xf32>,
        tpu.vector_store %arg15[%swap3A_742, %swap3A_743], %gather3A_691 {strides = array<i32>} : memref<16x1024xf32, #tpu.memory_space<vmem>>, vector<16xf32>,
        %mul3A_745 = arith.constant 16 : i32
        %mul3A_746 = arith.muli %scan3A_564, %mul3A_745 : i32
        %swap3A_747 = arith.constant 11 : i32
        %swap3A_748 = arith.index_cast %swap3A_747 : i32 to index
        %swap3A_749 = arith.index_cast %mul3A_746 : i32 to index
        %swap3A_750 = tpu.vector_load %arg15[%swap3A_748, %swap3A_749] {strides = array<i32>} : memref<16x1024xf32, #tpu.memory_space<vmem>>, vector<16xf32>,
        tpu.vector_store %arg15[%swap3A_748, %swap3A_749], %gather3A_698 {strides = array<i32>} : memref<16x1024xf32, #tpu.memory_space<vmem>>, vector<16xf32>,
        %mul3A_751 = arith.constant 16 : i32
        %mul3A_752 = arith.muli %scan3A_564, %mul3A_751 : i32
        %swap3A_753 = arith.constant 12 : i32
        %swap3A_754 = arith.index_cast %swap3A_753 : i32 to index
        %swap3A_755 = arith.index_cast %mul3A_752 : i32 to index
        %swap3A_756 = tpu.vector_load %arg15[%swap3A_754, %swap3A_755] {strides = array<i32>} : memref<16x1024xf32, #tpu.memory_space<vmem>>, vector<16xf32>,
        tpu.vector_store %arg15[%swap3A_754, %swap3A_755], %gather3A_705 {strides = array<i32>} : memref<16x1024xf32, #tpu.memory_space<vmem>>, vector<16xf32>,
        %mul3A_757 = arith.constant 16 : i32
        %mul3A_758 = arith.muli %scan3A_564, %mul3A_757 : i32
        %swap3A_759 = arith.constant 13 : i32
        %swap3A_760 = arith.index_cast %swap3A_759 : i32 to index
        %swap3A_761 = arith.index_cast %mul3A_758 : i32 to index
        %swap3A_762 = tpu.vector_load %arg15[%swap3A_760, %swap3A_761] {strides = array<i32>} : memref<16x1024xf32, #tpu.memory_space<vmem>>, vector<16xf32>,
        tpu.vector_store %arg15[%swap3A_760, %swap3A_761], %gather3A_712 {strides = array<i32>} : memref<16x1024xf32, #tpu.memory_space<vmem>>, vector<16xf32>,
        %mul3A_763 = arith.constant 16 : i32
        %mul3A_764 = arith.muli %scan3A_564, %mul3A_763 : i32
        %swap3A_765 = arith.constant 14 : i32
        %swap3A_766 = arith.index_cast %swap3A_765 : i32 to index
        %swap3A_767 = arith.index_cast %mul3A_764 : i32 to index
        %swap3A_768 = tpu.vector_load %arg15[%swap3A_766, %swap3A_767] {strides = array<i32>} : memref<16x1024xf32, #tpu.memory_space<vmem>>, vector<16xf32>,
        tpu.vector_store %arg15[%swap3A_766, %swap3A_767], %gather3A_719 {strides = array<i32>} : memref<16x1024xf32, #tpu.memory_space<vmem>>, vector<16xf32>,
        %mul3A_769 = arith.constant 16 : i32
        %mul3A_770 = arith.muli %scan3A_564, %mul3A_769 : i32
        %swap3A_771 = arith.constant 15 : i32
        %swap3A_772 = arith.index_cast %swap3A_771 : i32 to index
        %swap3A_773 = arith.index_cast %mul3A_770 : i32 to index
        %swap3A_774 = tpu.vector_load %arg15[%swap3A_772, %swap3A_773] {strides = array<i32>} : memref<16x1024xf32, #tpu.memory_space<vmem>>, vector<16xf32>,
        tpu.vector_store %arg15[%swap3A_772, %swap3A_773], %gather3A_726 {strides = array<i32>} : memref<16x1024xf32, #tpu.memory_space<vmem>>, vector<16xf32>,
        %scan3A_775 = arith.constant 0 : i32
        %scan3A_776 = arith.constant 1 : i32
        %scan3A_777 = arith.addi %scan3A_564, %scan3A_776 : i32
        %mul3A_778 = arith.constant 16 : i32
        %mul3A_779 = arith.muli %scan3A_777, %mul3A_778 : i32
        %get3A_780 = arith.index_cast %mul3A_779 : i32 to index
        %get3A_781 = tpu.vector_load %arg9[%get3A_780] {strides = array<i32>} : memref<2048xi32, #tpu.memory_space<vmem>>, vector<16xi32>,
        %mul3A_782 = arith.constant 0 : i32
        %mul3A_783 = vector.broadcast %mul3A_782 : i32 to vector<16xi32>
        %mul3A_784 = arith.muli %iota3A, %mul3A_783 : vector<16xi32>
        %add3A_785 = arith.constant 0 : i32
        %add3A_786 = vector.broadcast %add3A_785 : i32 to vector<16xi32>
        %add3A_787 = arith.addi %mul3A_784, %add3A_786 : vector<16xi32>
        %gather3A_788 = tpu.vector_load_idx %arg13[%add3A_787, %get3A_781] : memref<16x2048xf32, #tpu.memory_space<vmem>>[vector<16xi32>, vector<16xi32>], vector<16xf32>,
        %mul3A_789 = arith.constant 0 : i32
        %mul3A_790 = vector.broadcast %mul3A_789 : i32 to vector<16xi32>
        %mul3A_791 = arith.muli %iota3A, %mul3A_790 : vector<16xi32>
        %add3A_792 = arith.constant 1 : i32
        %add3A_793 = vector.broadcast %add3A_792 : i32 to vector<16xi32>
        %add3A_794 = arith.addi %mul3A_791, %add3A_793 : vector<16xi32>
        %gather3A_795 = tpu.vector_load_idx %arg13[%add3A_794, %get3A_781] : memref<16x2048xf32, #tpu.memory_space<vmem>>[vector<16xi32>, vector<16xi32>], vector<16xf32>,
        %mul3A_796 = arith.constant 0 : i32
        %mul3A_797 = vector.broadcast %mul3A_796 : i32 to vector<16xi32>
        %mul3A_798 = arith.muli %iota3A, %mul3A_797 : vector<16xi32>
        %add3A_799 = arith.constant 2 : i32
        %add3A_800 = vector.broadcast %add3A_799 : i32 to vector<16xi32>
        %add3A_801 = arith.addi %mul3A_798, %add3A_800 : vector<16xi32>
        %gather3A_802 = tpu.vector_load_idx %arg13[%add3A_801, %get3A_781] : memref<16x2048xf32, #tpu.memory_space<vmem>>[vector<16xi32>, vector<16xi32>], vector<16xf32>,
        %mul3A_803 = arith.constant 0 : i32
        %mul3A_804 = vector.broadcast %mul3A_803 : i32 to vector<16xi32>
        %mul3A_805 = arith.muli %iota3A, %mul3A_804 : vector<16xi32>
        %add3A_806 = arith.constant 3 : i32
        %add3A_807 = vector.broadcast %add3A_806 : i32 to vector<16xi32>
        %add3A_808 = arith.addi %mul3A_805, %add3A_807 : vector<16xi32>
        %gather3A_809 = tpu.vector_load_idx %arg13[%add3A_808, %get3A_781] : memref<16x2048xf32, #tpu.memory_space<vmem>>[vector<16xi32>, vector<16xi32>], vector<16xf32>,
        %mul3A_810 = arith.constant 0 : i32
        %mul3A_811 = vector.broadcast %mul3A_810 : i32 to vector<16xi32>
        %mul3A_812 = arith.muli %iota3A, %mul3A_811 : vector<16xi32>
        %add3A_813 = arith.constant 4 : i32
        %add3A_814 = vector.broadcast %add3A_813 : i32 to vector<16xi32>
        %add3A_815 = arith.addi %mul3A_812, %add3A_814 : vector<16xi32>
        %gather3A_816 = tpu.vector_load_idx %arg13[%add3A_815, %get3A_781] : memref<16x2048xf32, #tpu.memory_space<vmem>>[vector<16xi32>, vector<16xi32>], vector<16xf32>,
        %mul3A_817 = arith.constant 0 : i32
        %mul3A_818 = vector.broadcast %mul3A_817 : i32 to vector<16xi32>
        %mul3A_819 = arith.muli %iota3A, %mul3A_818 : vector<16xi32>
        %add3A_820 = arith.constant 5 : i32
        %add3A_821 = vector.broadcast %add3A_820 : i32 to vector<16xi32>
        %add3A_822 = arith.addi %mul3A_819, %add3A_821 : vector<16xi32>
        %gather3A_823 = tpu.vector_load_idx %arg13[%add3A_822, %get3A_781] : memref<16x2048xf32, #tpu.memory_space<vmem>>[vector<16xi32>, vector<16xi32>], vector<16xf32>,
        %mul3A_824 = arith.constant 0 : i32
        %mul3A_825 = vector.broadcast %mul3A_824 : i32 to vector<16xi32>
        %mul3A_826 = arith.muli %iota3A, %mul3A_825 : vector<16xi32>
        %add3A_827 = arith.constant 6 : i32
        %add3A_828 = vector.broadcast %add3A_827 : i32 to vector<16xi32>
        %add3A_829 = arith.addi %mul3A_826, %add3A_828 : vector<16xi32>
        %gather3A_830 = tpu.vector_load_idx %arg13[%add3A_829, %get3A_781] : memref<16x2048xf32, #tpu.memory_space<vmem>>[vector<16xi32>, vector<16xi32>], vector<16xf32>,
        %mul3A_831 = arith.constant 0 : i32
        %mul3A_832 = vector.broadcast %mul3A_831 : i32 to vector<16xi32>
        %mul3A_833 = arith.muli %iota3A, %mul3A_832 : vector<16xi32>
        %add3A_834 = arith.constant 7 : i32
        %add3A_835 = vector.broadcast %add3A_834 : i32 to vector<16xi32>
        %add3A_836 = arith.addi %mul3A_833, %add3A_835 : vector<16xi32>
        %gather3A_837 = tpu.vector_load_idx %arg13[%add3A_836, %get3A_781] : memref<16x2048xf32, #tpu.memory_space<vmem>>[vector<16xi32>, vector<16xi32>], vector<16xf32>,
        %mul3A_838 = arith.constant 16 : i32
        %mul3A_839 = arith.muli %scan3A_777, %mul3A_838 : i32
        %swap3A_840 = arith.constant 0 : i32
        %swap3A_841 = arith.index_cast %swap3A_840 : i32 to index
        %swap3A_842 = arith.index_cast %mul3A_839 : i32 to index
        %swap3A_843 = tpu.vector_load %arg15[%swap3A_841, %swap3A_842] {strides = array<i32>} : memref<16x1024xf32, #tpu.memory_space<vmem>>, vector<16xf32>,
        tpu.vector_store %arg15[%swap3A_841, %swap3A_842], %gather3A_788 {strides = array<i32>} : memref<16x1024xf32, #tpu.memory_space<vmem>>, vector<16xf32>,
        %mul3A_844 = arith.constant 16 : i32
        %mul3A_845 = arith.muli %scan3A_777, %mul3A_844 : i32
        %swap3A_846 = arith.constant 1 : i32
        %swap3A_847 = arith.index_cast %swap3A_846 : i32 to index
        %swap3A_848 = arith.index_cast %mul3A_845 : i32 to index
        %swap3A_849 = tpu.vector_load %arg15[%swap3A_847, %swap3A_848] {strides = array<i32>} : memref<16x1024xf32, #tpu.memory_space<vmem>>, vector<16xf32>,
        tpu.vector_store %arg15[%swap3A_847, %swap3A_848], %gather3A_795 {strides = array<i32>} : memref<16x1024xf32, #tpu.memory_space<vmem>>, vector<16xf32>,
        %mul3A_850 = arith.constant 16 : i32
        %mul3A_851 = arith.muli %scan3A_777, %mul3A_850 : i32
        %swap3A_852 = arith.constant 2 : i32
        %swap3A_853 = arith.index_cast %swap3A_852 : i32 to index
        %swap3A_854 = arith.index_cast %mul3A_851 : i32 to index
        %swap3A_855 = tpu.vector_load %arg15[%swap3A_853, %swap3A_854] {strides = array<i32>} : memref<16x1024xf32, #tpu.memory_space<vmem>>, vector<16xf32>,
        tpu.vector_store %arg15[%swap3A_853, %swap3A_854], %gather3A_802 {strides = array<i32>} : memref<16x1024xf32, #tpu.memory_space<vmem>>, vector<16xf32>,
        %mul3A_856 = arith.constant 16 : i32
        %mul3A_857 = arith.muli %scan3A_777, %mul3A_856 : i32
        %swap3A_858 = arith.constant 3 : i32
        %swap3A_859 = arith.index_cast %swap3A_858 : i32 to index
        %swap3A_860 = arith.index_cast %mul3A_857 : i32 to index
        %swap3A_861 = tpu.vector_load %arg15[%swap3A_859, %swap3A_860] {strides = array<i32>} : memref<16x1024xf32, #tpu.memory_space<vmem>>, vector<16xf32>,
        tpu.vector_store %arg15[%swap3A_859, %swap3A_860], %gather3A_809 {strides = array<i32>} : memref<16x1024xf32, #tpu.memory_space<vmem>>, vector<16xf32>,
        %mul3A_862 = arith.constant 16 : i32
        %mul3A_863 = arith.muli %scan3A_777, %mul3A_862 : i32
        %swap3A_864 = arith.constant 4 : i32
        %swap3A_865 = arith.index_cast %swap3A_864 : i32 to index
        %swap3A_866 = arith.index_cast %mul3A_863 : i32 to index
        %swap3A_867 = tpu.vector_load %arg15[%swap3A_865, %swap3A_866] {strides = array<i32>} : memref<16x1024xf32, #tpu.memory_space<vmem>>, vector<16xf32>,
        tpu.vector_store %arg15[%swap3A_865, %swap3A_866], %gather3A_816 {strides = array<i32>} : memref<16x1024xf32, #tpu.memory_space<vmem>>, vector<16xf32>,
        %mul3A_868 = arith.constant 16 : i32
        %mul3A_869 = arith.muli %scan3A_777, %mul3A_868 : i32
        %swap3A_870 = arith.constant 5 : i32
        %swap3A_871 = arith.index_cast %swap3A_870 : i32 to index
        %swap3A_872 = arith.index_cast %mul3A_869 : i32 to index
        %swap3A_873 = tpu.vector_load %arg15[%swap3A_871, %swap3A_872] {strides = array<i32>} : memref<16x1024xf32, #tpu.memory_space<vmem>>, vector<16xf32>,
        tpu.vector_store %arg15[%swap3A_871, %swap3A_872], %gather3A_823 {strides = array<i32>} : memref<16x1024xf32, #tpu.memory_space<vmem>>, vector<16xf32>,
        %mul3A_874 = arith.constant 16 : i32
        %mul3A_875 = arith.muli %scan3A_777, %mul3A_874 : i32
        %swap3A_876 = arith.constant 6 : i32
        %swap3A_877 = arith.index_cast %swap3A_876 : i32 to index
        %swap3A_878 = arith.index_cast %mul3A_875 : i32 to index
        %swap3A_879 = tpu.vector_load %arg15[%swap3A_877, %swap3A_878] {strides = array<i32>} : memref<16x1024xf32, #tpu.memory_space<vmem>>, vector<16xf32>,
        tpu.vector_store %arg15[%swap3A_877, %swap3A_878], %gather3A_830 {strides = array<i32>} : memref<16x1024xf32, #tpu.memory_space<vmem>>, vector<16xf32>,
        %mul3A_880 = arith.constant 16 : i32
        %mul3A_881 = arith.muli %scan3A_777, %mul3A_880 : i32
        %swap3A_882 = arith.constant 7 : i32
        %swap3A_883 = arith.index_cast %swap3A_882 : i32 to index
        %swap3A_884 = arith.index_cast %mul3A_881 : i32 to index
        %swap3A_885 = tpu.vector_load %arg15[%swap3A_883, %swap3A_884] {strides = array<i32>} : memref<16x1024xf32, #tpu.memory_space<vmem>>, vector<16xf32>,
        tpu.vector_store %arg15[%swap3A_883, %swap3A_884], %gather3A_837 {strides = array<i32>} : memref<16x1024xf32, #tpu.memory_space<vmem>>, vector<16xf32>,
        %mul3A_886 = arith.constant 0 : i32
        %mul3A_887 = vector.broadcast %mul3A_886 : i32 to vector<16xi32>
        %mul3A_888 = arith.muli %iota3A, %mul3A_887 : vector<16xi32>
        %add3A_889 = arith.constant 8 : i32
        %add3A_890 = vector.broadcast %add3A_889 : i32 to vector<16xi32>
        %add3A_891 = arith.addi %mul3A_888, %add3A_890 : vector<16xi32>
        %gather3A_892 = tpu.vector_load_idx %arg13[%add3A_891, %get3A_781] : memref<16x2048xf32, #tpu.memory_space<vmem>>[vector<16xi32>, vector<16xi32>], vector<16xf32>,
        %mul3A_893 = arith.constant 0 : i32
        %mul3A_894 = vector.broadcast %mul3A_893 : i32 to vector<16xi32>
        %mul3A_895 = arith.muli %iota3A, %mul3A_894 : vector<16xi32>
        %add3A_896 = arith.constant 9 : i32
        %add3A_897 = vector.broadcast %add3A_896 : i32 to vector<16xi32>
        %add3A_898 = arith.addi %mul3A_895, %add3A_897 : vector<16xi32>
        %gather3A_899 = tpu.vector_load_idx %arg13[%add3A_898, %get3A_781] : memref<16x2048xf32, #tpu.memory_space<vmem>>[vector<16xi32>, vector<16xi32>], vector<16xf32>,
        %mul3A_900 = arith.constant 0 : i32
        %mul3A_901 = vector.broadcast %mul3A_900 : i32 to vector<16xi32>
        %mul3A_902 = arith.muli %iota3A, %mul3A_901 : vector<16xi32>
        %add3A_903 = arith.constant 10 : i32
        %add3A_904 = vector.broadcast %add3A_903 : i32 to vector<16xi32>
        %add3A_905 = arith.addi %mul3A_902, %add3A_904 : vector<16xi32>
        %gather3A_906 = tpu.vector_load_idx %arg13[%add3A_905, %get3A_781] : memref<16x2048xf32, #tpu.memory_space<vmem>>[vector<16xi32>, vector<16xi32>], vector<16xf32>,
        %mul3A_907 = arith.constant 0 : i32
        %mul3A_908 = vector.broadcast %mul3A_907 : i32 to vector<16xi32>
        %mul3A_909 = arith.muli %iota3A, %mul3A_908 : vector<16xi32>
        %add3A_910 = arith.constant 11 : i32
        %add3A_911 = vector.broadcast %add3A_910 : i32 to vector<16xi32>
        %add3A_912 = arith.addi %mul3A_909, %add3A_911 : vector<16xi32>
        %gather3A_913 = tpu.vector_load_idx %arg13[%add3A_912, %get3A_781] : memref<16x2048xf32, #tpu.memory_space<vmem>>[vector<16xi32>, vector<16xi32>], vector<16xf32>,
        %mul3A_914 = arith.constant 0 : i32
        %mul3A_915 = vector.broadcast %mul3A_914 : i32 to vector<16xi32>
        %mul3A_916 = arith.muli %iota3A, %mul3A_915 : vector<16xi32>
        %add3A_917 = arith.constant 12 : i32
        %add3A_918 = vector.broadcast %add3A_917 : i32 to vector<16xi32>
        %add3A_919 = arith.addi %mul3A_916, %add3A_918 : vector<16xi32>
        %gather3A_920 = tpu.vector_load_idx %arg13[%add3A_919, %get3A_781] : memref<16x2048xf32, #tpu.memory_space<vmem>>[vector<16xi32>, vector<16xi32>], vector<16xf32>,
        %mul3A_921 = arith.constant 0 : i32
        %mul3A_922 = vector.broadcast %mul3A_921 : i32 to vector<16xi32>
        %mul3A_923 = arith.muli %iota3A, %mul3A_922 : vector<16xi32>
        %add3A_924 = arith.constant 13 : i32
        %add3A_925 = vector.broadcast %add3A_924 : i32 to vector<16xi32>
        %add3A_926 = arith.addi %mul3A_923, %add3A_925 : vector<16xi32>
        %gather3A_927 = tpu.vector_load_idx %arg13[%add3A_926, %get3A_781] : memref<16x2048xf32, #tpu.memory_space<vmem>>[vector<16xi32>, vector<16xi32>], vector<16xf32>,
        %mul3A_928 = arith.constant 0 : i32
        %mul3A_929 = vector.broadcast %mul3A_928 : i32 to vector<16xi32>
        %mul3A_930 = arith.muli %iota3A, %mul3A_929 : vector<16xi32>
        %add3A_931 = arith.constant 14 : i32
        %add3A_932 = vector.broadcast %add3A_931 : i32 to vector<16xi32>
        %add3A_933 = arith.addi %mul3A_930, %add3A_932 : vector<16xi32>
        %gather3A_934 = tpu.vector_load_idx %arg13[%add3A_933, %get3A_781] : memref<16x2048xf32, #tpu.memory_space<vmem>>[vector<16xi32>, vector<16xi32>], vector<16xf32>,
        %mul3A_935 = arith.constant 0 : i32
        %mul3A_936 = vector.broadcast %mul3A_935 : i32 to vector<16xi32>
        %mul3A_937 = arith.muli %iota3A, %mul3A_936 : vector<16xi32>
        %add3A_938 = arith.constant 15 : i32
        %add3A_939 = vector.broadcast %add3A_938 : i32 to vector<16xi32>
        %add3A_940 = arith.addi %mul3A_937, %add3A_939 : vector<16xi32>
        %gather3A_941 = tpu.vector_load_idx %arg13[%add3A_940, %get3A_781] : memref<16x2048xf32, #tpu.memory_space<vmem>>[vector<16xi32>, vector<16xi32>], vector<16xf32>,
        %mul3A_942 = arith.constant 16 : i32
        %mul3A_943 = arith.muli %scan3A_777, %mul3A_942 : i32
        %swap3A_944 = arith.constant 8 : i32
        %swap3A_945 = arith.index_cast %swap3A_944 : i32 to index
        %swap3A_946 = arith.index_cast %mul3A_943 : i32 to index
        %swap3A_947 = tpu.vector_load %arg15[%swap3A_945, %swap3A_946] {strides = array<i32>} : memref<16x1024xf32, #tpu.memory_space<vmem>>, vector<16xf32>,
        tpu.vector_store %arg15[%swap3A_945, %swap3A_946], %gather3A_892 {strides = array<i32>} : memref<16x1024xf32, #tpu.memory_space<vmem>>, vector<16xf32>,
        %mul3A_948 = arith.constant 16 : i32
        %mul3A_949 = arith.muli %scan3A_777, %mul3A_948 : i32
        %swap3A_950 = arith.constant 9 : i32
        %swap3A_951 = arith.index_cast %swap3A_950 : i32 to index
        %swap3A_952 = arith.index_cast %mul3A_949 : i32 to index
        %swap3A_953 = tpu.vector_load %arg15[%swap3A_951, %swap3A_952] {strides = array<i32>} : memref<16x1024xf32, #tpu.memory_space<vmem>>, vector<16xf32>,
        tpu.vector_store %arg15[%swap3A_951, %swap3A_952], %gather3A_899 {strides = array<i32>} : memref<16x1024xf32, #tpu.memory_space<vmem>>, vector<16xf32>,
        %mul3A_954 = arith.constant 16 : i32
        %mul3A_955 = arith.muli %scan3A_777, %mul3A_954 : i32
        %swap3A_956 = arith.constant 10 : i32
        %swap3A_957 = arith.index_cast %swap3A_956 : i32 to index
        %swap3A_958 = arith.index_cast %mul3A_955 : i32 to index
        %swap3A_959 = tpu.vector_load %arg15[%swap3A_957, %swap3A_958] {strides = array<i32>} : memref<16x1024xf32, #tpu.memory_space<vmem>>, vector<16xf32>,
        tpu.vector_store %arg15[%swap3A_957, %swap3A_958], %gather3A_906 {strides = array<i32>} : memref<16x1024xf32, #tpu.memory_space<vmem>>, vector<16xf32>,
        %mul3A_960 = arith.constant 16 : i32
        %mul3A_961 = arith.muli %scan3A_777, %mul3A_960 : i32
        %swap3A_962 = arith.constant 11 : i32
        %swap3A_963 = arith.index_cast %swap3A_962 : i32 to index
        %swap3A_964 = arith.index_cast %mul3A_961 : i32 to index
        %swap3A_965 = tpu.vector_load %arg15[%swap3A_963, %swap3A_964] {strides = array<i32>} : memref<16x1024xf32, #tpu.memory_space<vmem>>, vector<16xf32>,
        tpu.vector_store %arg15[%swap3A_963, %swap3A_964], %gather3A_913 {strides = array<i32>} : memref<16x1024xf32, #tpu.memory_space<vmem>>, vector<16xf32>,
        %mul3A_966 = arith.constant 16 : i32
        %mul3A_967 = arith.muli %scan3A_777, %mul3A_966 : i32
        %swap3A_968 = arith.constant 12 : i32
        %swap3A_969 = arith.index_cast %swap3A_968 : i32 to index
        %swap3A_970 = arith.index_cast %mul3A_967 : i32 to index
        %swap3A_971 = tpu.vector_load %arg15[%swap3A_969, %swap3A_970] {strides = array<i32>} : memref<16x1024xf32, #tpu.memory_space<vmem>>, vector<16xf32>,
        tpu.vector_store %arg15[%swap3A_969, %swap3A_970], %gather3A_920 {strides = array<i32>} : memref<16x1024xf32, #tpu.memory_space<vmem>>, vector<16xf32>,
        %mul3A_972 = arith.constant 16 : i32
        %mul3A_973 = arith.muli %scan3A_777, %mul3A_972 : i32
        %swap3A_974 = arith.constant 13 : i32
        %swap3A_975 = arith.index_cast %swap3A_974 : i32 to index
        %swap3A_976 = arith.index_cast %mul3A_973 : i32 to index
        %swap3A_977 = tpu.vector_load %arg15[%swap3A_975, %swap3A_976] {strides = array<i32>} : memref<16x1024xf32, #tpu.memory_space<vmem>>, vector<16xf32>,
        tpu.vector_store %arg15[%swap3A_975, %swap3A_976], %gather3A_927 {strides = array<i32>} : memref<16x1024xf32, #tpu.memory_space<vmem>>, vector<16xf32>,
        %mul3A_978 = arith.constant 16 : i32
        %mul3A_979 = arith.muli %scan3A_777, %mul3A_978 : i32
        %swap3A_980 = arith.constant 14 : i32
        %swap3A_981 = arith.index_cast %swap3A_980 : i32 to index
        %swap3A_982 = arith.index_cast %mul3A_979 : i32 to index
        %swap3A_983 = tpu.vector_load %arg15[%swap3A_981, %swap3A_982] {strides = array<i32>} : memref<16x1024xf32, #tpu.memory_space<vmem>>, vector<16xf32>,
        tpu.vector_store %arg15[%swap3A_981, %swap3A_982], %gather3A_934 {strides = array<i32>} : memref<16x1024xf32, #tpu.memory_space<vmem>>, vector<16xf32>,
        %mul3A_984 = arith.constant 16 : i32
        %mul3A_985 = arith.muli %scan3A_777, %mul3A_984 : i32
        %swap3A_986 = arith.constant 15 : i32
        %swap3A_987 = arith.index_cast %swap3A_986 : i32 to index
        %swap3A_988 = arith.index_cast %mul3A_985 : i32 to index
        %swap3A_989 = tpu.vector_load %arg15[%swap3A_987, %swap3A_988] {strides = array<i32>} : memref<16x1024xf32, #tpu.memory_space<vmem>>, vector<16xf32>,
        tpu.vector_store %arg15[%swap3A_987, %swap3A_988], %gather3A_941 {strides = array<i32>} : memref<16x1024xf32, #tpu.memory_space<vmem>>, vector<16xf32>,
        %scan3A_990 = arith.constant 0 : i32
        scf.yield %scan3A_990 : i32
      }
      %scan3A_123 = arith.constant 64 : i32
      %add3A_124 = arith.constant 2 : i32
      %add3A_125 = arith.addi %add3A_107, %add3A_124 : i32
      %lt3A_126 = arith.constant 16 : i32
      %lt3A_127 = arith.cmpi slt, %add3A_125, %lt3A_126 : i32
      %convert_element_type3A_128 = arith.extui %lt3A_127 : i1 to i32
      %cond3A_129 = arith.constant 0 : i32
      %cond3A_130 = arith.cmpi ne, %convert_element_type3A_128, %cond3A_129 : i32
      scf.if %cond3A_130 {
        %add3A_564 = arith.constant 2 : i32
        %add3A_565 = arith.addi %add3A_107, %add3A_564 : i32
        %mul3A_566 = arith.constant 16 : i32
        %mul3A_567 = arith.muli %add3A_565, %mul3A_566 : i32
        %multiple_of3A_568 = tpu.assume_multiple %mul3A_567, 8 : i32
        %dma_start3A_569 = tpu.memref_slice %arg10[%multiple_of3A_568] : memref<256xi32, #tpu.memory_space<vmem>> -> memref<16xi32, #tpu.memory_space<vmem>>
        %dma_start3A_570 = arith.constant 0 : i32
        %dma_start3A_571 = arith.constant 0 : i32
        %dma_start3A_572 = tpu.memref_slice %arg4[%dma_start3A_570, %dma_start3A_571] : memref<16384x2048xf32, #tpu.memory_space<hbm>> -> memref<16384x2048xf32, #tpu.memory_space<hbm>>
        tpu.enqueue_indirect_dma source(%dma_start3A_572 : memref<16384x2048xf32, #tpu.memory_space<hbm>>) target(%arg13 : memref<16x2048xf32, #tpu.memory_space<vmem>>) offsets(%dma_start3A_569 : memref<16xi32, #tpu.memory_space<vmem>>) semaphore(%arg17 : memref<!tpu.dma_semaphore, #tpu.memory_space<semaphore_mem>>)
      } else {
      }
      %mul3A_131 = arith.constant 16 : i32
      %mul3A_132 = arith.muli %add3A_107, %mul3A_131 : i32
      %add3A_133 = arith.addi %multiple_of3A_51, %mul3A_132 : i32
      %multiple_of3A_134 = tpu.assume_multiple %add3A_133, 8 : i32
      %dma_start3A_135 = arith.constant 0 : i32
      %dma_start3A_136 = tpu.memref_slice %arg6[%multiple_of3A_134, %dma_start3A_135] : memref<8192x1024xf32, #tpu.memory_space<hbm>> -> memref<16x1024xf32, #tpu.memory_space<hbm>>
      %dma_start3A_137 = arith.constant 0 : i32
      %dma_start3A_138 = tpu.memref_slice %arg6[%multiple_of3A_134, %dma_start3A_137] : memref<8192x1024xf32, #tpu.memory_space<hbm>> -> memref<16x1024xf32, #tpu.memory_space<hbm>>
      tpu.enqueue_dma source(%arg15 : memref<16x1024xf32, #tpu.memory_space<vmem>>) target(%dma_start3A_138 : memref<16x1024xf32, #tpu.memory_space<hbm>>) target_semaphore(%arg19 : memref<!tpu.dma_semaphore, #tpu.memory_space<semaphore_mem>>)
      %jit3A_139 = arith.constant 2 : i32
      %div3A_140 = arith.divsi %add3A_107, %jit3A_139 : i32
      %sign3A_141 = arith.constant 0 : i32
      %sign3A_142 = arith.cmpi sgt, %add3A_107, %sign3A_141 : i32
      %sign3A_143 = arith.extui %sign3A_142 : i1 to i32
      %sign3A_144 = arith.constant 0 : i32
      %sign3A_145 = arith.cmpi slt, %add3A_107, %sign3A_144 : i32
      %sign3A_146 = arith.extui %sign3A_145 : i1 to i32
      %sign3A_147 = arith.subi %sign3A_143, %sign3A_146 : i32
      %sign3A_148 = arith.constant 0 : i32
      %sign3A_149 = arith.cmpi sgt, %jit3A_139, %sign3A_148 : i32
      %sign3A_150 = arith.extui %sign3A_149 : i1 to i32
      %sign3A_151 = arith.constant 0 : i32
      %sign3A_152 = arith.cmpi slt, %jit3A_139, %sign3A_151 : i32
      %sign3A_153 = arith.extui %sign3A_152 : i1 to i32
      %sign3A_154 = arith.subi %sign3A_150, %sign3A_153 : i32
      %ne3A_155 = arith.cmpi ne, %sign3A_147, %sign3A_154 : i32
      %rem3A_156 = arith.remsi %add3A_107, %jit3A_139 : i32
      %ne3A_157 = arith.constant 0 : i32
      %ne3A_158 = arith.cmpi ne, %rem3A_156, %ne3A_157 : i32
      %and3A_159 = arith.andi %ne3A_155, %ne3A_158 : i1
      %sub3A_160 = arith.constant 1 : i32
      %sub3A_161 = arith.subi %div3A_140, %sub3A_160 : i32
      %select_n3A_162 = arith.select %and3A_159, %sub3A_161, %div3A_140 : i32
      %jit3A_163 = arith.constant 2 : i32
      %eq3A_164 = arith.constant 0 : i32
      %eq3A_165 = arith.cmpi eq, %jit3A_163, %eq3A_164 : i32
      %jit3A_166 = arith.constant 1 : i32
      %select_n3A_167 = arith.select %eq3A_165, %jit3A_166, %jit3A_163 : i32
      %rem3A_168 = arith.remsi %add3A_107, %select_n3A_167 : i32
      %ne3A_169 = arith.constant 0 : i32
      %ne3A_170 = arith.cmpi ne, %rem3A_168, %ne3A_169 : i32
      %lt3A_171 = arith.constant 0 : i32
      %lt3A_172 = arith.cmpi slt, %rem3A_168, %lt3A_171 : i32
      %lt3A_173 = arith.constant 0 : i32
      %lt3A_174 = arith.cmpi slt, %select_n3A_167, %lt3A_173 : i32
      %ne3A_175 = arith.xori %lt3A_172, %lt3A_174 : i1
      %and3A_176 = arith.andi %ne3A_175, %ne3A_170 : i1
      %add3A_177 = arith.addi %rem3A_168, %select_n3A_167 : i32
      %select_n3A_178 = arith.select %and3A_176, %add3A_177, %rem3A_168 : i32
      %eq3A_179 = arith.constant 0 : i32
      %eq3A_180 = arith.cmpi eq, %select_n3A_178, %eq3A_179 : i32
      %jit3A_181 = arith.constant 2 : i32
      %eq3A_182 = arith.constant 0 : i32
      %eq3A_183 = arith.cmpi eq, %jit3A_181, %eq3A_182 : i32
      %jit3A_184 = arith.constant 1 : i32
      %select_n3A_185 = arith.select %eq3A_183, %jit3A_184, %jit3A_181 : i32
      %rem3A_186 = arith.remsi %select_n3A_162, %select_n3A_185 : i32
      %ne3A_187 = arith.constant 0 : i32
      %ne3A_188 = arith.cmpi ne, %rem3A_186, %ne3A_187 : i32
      %lt3A_189 = arith.constant 0 : i32
      %lt3A_190 = arith.cmpi slt, %rem3A_186, %lt3A_189 : i32
      %lt3A_191 = arith.constant 0 : i32
      %lt3A_192 = arith.cmpi slt, %select_n3A_185, %lt3A_191 : i32
      %ne3A_193 = arith.xori %lt3A_190, %lt3A_192 : i1
      %and3A_194 = arith.andi %ne3A_193, %ne3A_188 : i1
      %add3A_195 = arith.addi %rem3A_186, %select_n3A_185 : i32
      %select_n3A_196 = arith.select %and3A_194, %add3A_195, %rem3A_186 : i32
      %eq3A_197 = arith.constant 0 : i32
      %eq3A_198 = arith.cmpi eq, %select_n3A_196, %eq3A_197 : i32
      %and3A_199 = arith.andi %eq3A_180, %eq3A_198 : i1
      %convert_element_type3A_200 = arith.extui %and3A_199 : i1 to i32
      %cond3A_201 = arith.constant 0 : i32
      %cond3A_202 = arith.cmpi ne, %convert_element_type3A_200, %cond3A_201 : i32
      scf.if %cond3A_202 {
        %dma_wait3A_564 = arith.constant 0 : i32
        %dma_wait3A_565 = tpu.memref_slice %arg10[%dma_wait3A_564] : memref<256xi32, #tpu.memory_space<vmem>> -> memref<32xi32, #tpu.memory_space<vmem>>
        %dma_wait3A_566 = arith.constant 0 : i32
        %dma_wait3A_567 = arith.constant 0 : i32
        %dma_wait3A_568 = tpu.memref_slice %arg3[%dma_wait3A_566, %dma_wait3A_567] : memref<16384x256xf32, #tpu.memory_space<hbm>> -> memref<16384x256xf32, #tpu.memory_space<hbm>>
        tpu.wait_indirect_dma semaphore(%arg21 : memref<!tpu.dma_semaphore, #tpu.memory_space<semaphore_mem>>) src(%dma_wait3A_568 : memref<16384x256xf32, #tpu.memory_space<hbm>>) dst(%arg11 : memref<32x256xf32, #tpu.memory_space<vmem>>)
        %mul3A_569 = arith.constant 32 : i32
        %mul3A_570 = arith.muli %select_n3A_162, %mul3A_569 : i32
        %add3A_571 = arith.addi %multiple_of3A_51, %mul3A_570 : i32
        %multiple_of3A_572 = tpu.assume_multiple %add3A_571, 8 : i32
        %dma_start3A_573 = arith.constant 0 : i32
        %dma_start3A_574 = tpu.memref_slice %arg5[%multiple_of3A_572, %dma_start3A_573] : memref<8192x256xf32, #tpu.memory_space<hbm>> -> memref<32x256xf32, #tpu.memory_space<hbm>>
        %dma_start3A_575 = arith.constant 0 : i32
        %dma_start3A_576 = tpu.memref_slice %arg5[%multiple_of3A_572, %dma_start3A_575] : memref<8192x256xf32, #tpu.memory_space<hbm>> -> memref<32x256xf32, #tpu.memory_space<hbm>>
        tpu.enqueue_dma source(%arg11 : memref<32x256xf32, #tpu.memory_space<vmem>>) target(%dma_start3A_576 : memref<32x256xf32, #tpu.memory_space<hbm>>) target_semaphore(%arg22 : memref<!tpu.dma_semaphore, #tpu.memory_space<semaphore_mem>>)
      } else {
      }
      %jit3A_203 = arith.constant 2 : i32
      %eq3A_204 = arith.constant 0 : i32
      %eq3A_205 = arith.cmpi eq, %jit3A_203, %eq3A_204 : i32
      %jit3A_206 = arith.constant 1 : i32
      %select_n3A_207 = arith.select %eq3A_205, %jit3A_206, %jit3A_203 : i32
      %rem3A_208 = arith.remsi %add3A_107, %select_n3A_207 : i32
      %ne3A_209 = arith.constant 0 : i32
      %ne3A_210 = arith.cmpi ne, %rem3A_208, %ne3A_209 : i32
      %lt3A_211 = arith.constant 0 : i32
      %lt3A_212 = arith.cmpi slt, %rem3A_208, %lt3A_211 : i32
      %lt3A_213 = arith.constant 0 : i32
      %lt3A_214 = arith.cmpi slt, %select_n3A_207, %lt3A_213 : i32
      %ne3A_215 = arith.xori %lt3A_212, %lt3A_214 : i1
      %and3A_216 = arith.andi %ne3A_215, %ne3A_210 : i1
      %add3A_217 = arith.addi %rem3A_208, %select_n3A_207 : i32
      %select_n3A_218 = arith.select %and3A_216, %add3A_217, %rem3A_208 : i32
      %eq3A_219 = arith.constant 1 : i32
      %eq3A_220 = arith.cmpi eq, %select_n3A_218, %eq3A_219 : i32
      %lt3A_221 = arith.constant 15 : i32
      %lt3A_222 = arith.cmpi slt, %add3A_107, %lt3A_221 : i32
      %and3A_223 = arith.andi %eq3A_220, %lt3A_222 : i1
      %add3A_224 = arith.constant 1 : i32
      %add3A_225 = arith.addi %select_n3A_162, %add3A_224 : i32
      %jit3A_226 = arith.constant 2 : i32
      %eq3A_227 = arith.constant 0 : i32
      %eq3A_228 = arith.cmpi eq, %jit3A_226, %eq3A_227 : i32
      %jit3A_229 = arith.constant 1 : i32
      %select_n3A_230 = arith.select %eq3A_228, %jit3A_229, %jit3A_226 : i32
      %rem3A_231 = arith.remsi %add3A_225, %select_n3A_230 : i32
      %ne3A_232 = arith.constant 0 : i32
      %ne3A_233 = arith.cmpi ne, %rem3A_231, %ne3A_232 : i32
      %lt3A_234 = arith.constant 0 : i32
      %lt3A_235 = arith.cmpi slt, %rem3A_231, %lt3A_234 : i32
      %lt3A_236 = arith.constant 0 : i32
      %lt3A_237 = arith.cmpi slt, %select_n3A_230, %lt3A_236 : i32
      %ne3A_238 = arith.xori %lt3A_235, %lt3A_237 : i1
      %and3A_239 = arith.andi %ne3A_238, %ne3A_233 : i1
      %add3A_240 = arith.addi %rem3A_231, %select_n3A_230 : i32
      %select_n3A_241 = arith.select %and3A_239, %add3A_240, %rem3A_231 : i32
      %eq3A_242 = arith.constant 0 : i32
      %eq3A_243 = arith.cmpi eq, %select_n3A_241, %eq3A_242 : i32
      %and3A_244 = arith.andi %and3A_223, %eq3A_243 : i1
      %convert_element_type3A_245 = arith.extui %and3A_244 : i1 to i32
      %cond3A_246 = arith.constant 0 : i32
      %cond3A_247 = arith.cmpi ne, %convert_element_type3A_245, %cond3A_246 : i32
      scf.if %cond3A_247 {
        %ge3A_564 = arith.constant 1 : i32
        %ge3A_565 = arith.cmpi sge, %select_n3A_162, %ge3A_564 : i32
        %convert_element_type3A_566 = arith.extui %ge3A_565 : i1 to i32
        %cond3A_567 = arith.constant 0 : i32
        %cond3A_568 = arith.cmpi ne, %convert_element_type3A_566, %cond3A_567 : i32
        scf.if %cond3A_568 {
          %dma_wait3A_578 = arith.constant 0 : i32
          %dma_wait3A_579 = arith.constant 0 : i32
          %dma_wait3A_580 = tpu.memref_slice %arg5[%dma_wait3A_578, %dma_wait3A_579] : memref<8192x256xf32, #tpu.memory_space<hbm>> -> memref<32x256xf32, #tpu.memory_space<hbm>>
          %dma_wait3A_581 = arith.constant 0 : i32
          %dma_wait3A_582 = arith.constant 0 : i32
          %dma_wait3A_583 = tpu.memref_slice %arg5[%dma_wait3A_581, %dma_wait3A_582] : memref<8192x256xf32, #tpu.memory_space<hbm>> -> memref<32x256xf32, #tpu.memory_space<hbm>>
          tpu.wait_dma2 semaphore(%arg22 : memref<!tpu.dma_semaphore, #tpu.memory_space<semaphore_mem>>) src(%arg11 : memref<32x256xf32, #tpu.memory_space<vmem>>) dst(%dma_wait3A_583 : memref<32x256xf32, #tpu.memory_space<hbm>>)
        } else {
        }
        %add3A_569 = arith.constant 1 : i32
        %add3A_570 = arith.addi %select_n3A_162, %add3A_569 : i32
        %mul3A_571 = arith.constant 32 : i32
        %mul3A_572 = arith.muli %add3A_570, %mul3A_571 : i32
        %multiple_of3A_573 = tpu.assume_multiple %mul3A_572, 8 : i32
        %dma_start3A_574 = tpu.memref_slice %arg10[%multiple_of3A_573] : memref<256xi32, #tpu.memory_space<vmem>> -> memref<32xi32, #tpu.memory_space<vmem>>
        %dma_start3A_575 = arith.constant 0 : i32
        %dma_start3A_576 = arith.constant 0 : i32
        %dma_start3A_577 = tpu.memref_slice %arg3[%dma_start3A_575, %dma_start3A_576] : memref<16384x256xf32, #tpu.memory_space<hbm>> -> memref<16384x256xf32, #tpu.memory_space<hbm>>
        tpu.enqueue_indirect_dma source(%dma_start3A_577 : memref<16384x256xf32, #tpu.memory_space<hbm>>) target(%arg11 : memref<32x256xf32, #tpu.memory_space<vmem>>) offsets(%dma_start3A_574 : memref<32xi32, #tpu.memory_space<vmem>>) semaphore(%arg21 : memref<!tpu.dma_semaphore, #tpu.memory_space<semaphore_mem>>)
      } else {
      }
      %jit3A_248 = arith.constant 2 : i32
      %eq3A_249 = arith.constant 0 : i32
      %eq3A_250 = arith.cmpi eq, %jit3A_248, %eq3A_249 : i32
      %jit3A_251 = arith.constant 1 : i32
      %select_n3A_252 = arith.select %eq3A_250, %jit3A_251, %jit3A_248 : i32
      %rem3A_253 = arith.remsi %add3A_107, %select_n3A_252 : i32
      %ne3A_254 = arith.constant 0 : i32
      %ne3A_255 = arith.cmpi ne, %rem3A_253, %ne3A_254 : i32
      %lt3A_256 = arith.constant 0 : i32
      %lt3A_257 = arith.cmpi slt, %rem3A_253, %lt3A_256 : i32
      %lt3A_258 = arith.constant 0 : i32
      %lt3A_259 = arith.cmpi slt, %select_n3A_252, %lt3A_258 : i32
      %ne3A_260 = arith.xori %lt3A_257, %lt3A_259 : i1
      %and3A_261 = arith.andi %ne3A_260, %ne3A_255 : i1
      %add3A_262 = arith.addi %rem3A_253, %select_n3A_252 : i32
      %select_n3A_263 = arith.select %and3A_261, %add3A_262, %rem3A_253 : i32
      %eq3A_264 = arith.constant 0 : i32
      %eq3A_265 = arith.cmpi eq, %select_n3A_263, %eq3A_264 : i32
      %jit3A_266 = arith.constant 2 : i32
      %eq3A_267 = arith.constant 0 : i32
      %eq3A_268 = arith.cmpi eq, %jit3A_266, %eq3A_267 : i32
      %jit3A_269 = arith.constant 1 : i32
      %select_n3A_270 = arith.select %eq3A_268, %jit3A_269, %jit3A_266 : i32
      %rem3A_271 = arith.remsi %select_n3A_162, %select_n3A_270 : i32
      %ne3A_272 = arith.constant 0 : i32
      %ne3A_273 = arith.cmpi ne, %rem3A_271, %ne3A_272 : i32
      %lt3A_274 = arith.constant 0 : i32
      %lt3A_275 = arith.cmpi slt, %rem3A_271, %lt3A_274 : i32
      %lt3A_276 = arith.constant 0 : i32
      %lt3A_277 = arith.cmpi slt, %select_n3A_270, %lt3A_276 : i32
      %ne3A_278 = arith.xori %lt3A_275, %lt3A_277 : i1
      %and3A_279 = arith.andi %ne3A_278, %ne3A_273 : i1
      %add3A_280 = arith.addi %rem3A_271, %select_n3A_270 : i32
      %select_n3A_281 = arith.select %and3A_279, %add3A_280, %rem3A_271 : i32
      %eq3A_282 = arith.constant 1 : i32
      %eq3A_283 = arith.cmpi eq, %select_n3A_281, %eq3A_282 : i32
      %and3A_284 = arith.andi %eq3A_265, %eq3A_283 : i1
      %convert_element_type3A_285 = arith.extui %and3A_284 : i1 to i32
      %cond3A_286 = arith.constant 0 : i32
      %cond3A_287 = arith.cmpi ne, %convert_element_type3A_285, %cond3A_286 : i32
      scf.if %cond3A_287 {
        %dma_wait3A_564 = arith.constant 0 : i32
        %dma_wait3A_565 = tpu.memref_slice %arg10[%dma_wait3A_564] : memref<256xi32, #tpu.memory_space<vmem>> -> memref<32xi32, #tpu.memory_space<vmem>>
        %dma_wait3A_566 = arith.constant 0 : i32
        %dma_wait3A_567 = arith.constant 0 : i32
        %dma_wait3A_568 = tpu.memref_slice %arg3[%dma_wait3A_566, %dma_wait3A_567] : memref<16384x256xf32, #tpu.memory_space<hbm>> -> memref<16384x256xf32, #tpu.memory_space<hbm>>
        tpu.wait_indirect_dma semaphore(%arg21 : memref<!tpu.dma_semaphore, #tpu.memory_space<semaphore_mem>>) src(%dma_wait3A_568 : memref<16384x256xf32, #tpu.memory_space<hbm>>) dst(%arg12 : memref<32x256xf32, #tpu.memory_space<vmem>>)
        %mul3A_569 = arith.constant 32 : i32
        %mul3A_570 = arith.muli %select_n3A_162, %mul3A_569 : i32
        %add3A_571 = arith.addi %multiple_of3A_51, %mul3A_570 : i32
        %multiple_of3A_572 = tpu.assume_multiple %add3A_571, 8 : i32
        %dma_start3A_573 = arith.constant 0 : i32
        %dma_start3A_574 = tpu.memref_slice %arg5[%multiple_of3A_572, %dma_start3A_573] : memref<8192x256xf32, #tpu.memory_space<hbm>> -> memref<32x256xf32, #tpu.memory_space<hbm>>
        %dma_start3A_575 = arith.constant 0 : i32
        %dma_start3A_576 = tpu.memref_slice %arg5[%multiple_of3A_572, %dma_start3A_575] : memref<8192x256xf32, #tpu.memory_space<hbm>> -> memref<32x256xf32, #tpu.memory_space<hbm>>
        tpu.enqueue_dma source(%arg12 : memref<32x256xf32, #tpu.memory_space<vmem>>) target(%dma_start3A_576 : memref<32x256xf32, #tpu.memory_space<hbm>>) target_semaphore(%arg23 : memref<!tpu.dma_semaphore, #tpu.memory_space<semaphore_mem>>)
      } else {
      }
      %jit3A_288 = arith.constant 2 : i32
      %eq3A_289 = arith.constant 0 : i32
      %eq3A_290 = arith.cmpi eq, %jit3A_288, %eq3A_289 : i32
      %jit3A_291 = arith.constant 1 : i32
      %select_n3A_292 = arith.select %eq3A_290, %jit3A_291, %jit3A_288 : i32
      %rem3A_293 = arith.remsi %add3A_107, %select_n3A_292 : i32
      %ne3A_294 = arith.constant 0 : i32
      %ne3A_295 = arith.cmpi ne, %rem3A_293, %ne3A_294 : i32
      %lt3A_296 = arith.constant 0 : i32
      %lt3A_297 = arith.cmpi slt, %rem3A_293, %lt3A_296 : i32
      %lt3A_298 = arith.constant 0 : i32
      %lt3A_299 = arith.cmpi slt, %select_n3A_292, %lt3A_298 : i32
      %ne3A_300 = arith.xori %lt3A_297, %lt3A_299 : i1
      %and3A_301 = arith.andi %ne3A_300, %ne3A_295 : i1
      %add3A_302 = arith.addi %rem3A_293, %select_n3A_292 : i32
      %select_n3A_303 = arith.select %and3A_301, %add3A_302, %rem3A_293 : i32
      %eq3A_304 = arith.constant 1 : i32
      %eq3A_305 = arith.cmpi eq, %select_n3A_303, %eq3A_304 : i32
      %lt3A_306 = arith.constant 15 : i32
      %lt3A_307 = arith.cmpi slt, %add3A_107, %lt3A_306 : i32
      %and3A_308 = arith.andi %eq3A_305, %lt3A_307 : i1
      %add3A_309 = arith.constant 1 : i32
      %add3A_310 = arith.addi %select_n3A_162, %add3A_309 : i32
      %jit3A_311 = arith.constant 2 : i32
      %eq3A_312 = arith.constant 0 : i32
      %eq3A_313 = arith.cmpi eq, %jit3A_311, %eq3A_312 : i32
      %jit3A_314 = arith.constant 1 : i32
      %select_n3A_315 = arith.select %eq3A_313, %jit3A_314, %jit3A_311 : i32
      %rem3A_316 = arith.remsi %add3A_310, %select_n3A_315 : i32
      %ne3A_317 = arith.constant 0 : i32
      %ne3A_318 = arith.cmpi ne, %rem3A_316, %ne3A_317 : i32
      %lt3A_319 = arith.constant 0 : i32
      %lt3A_320 = arith.cmpi slt, %rem3A_316, %lt3A_319 : i32
      %lt3A_321 = arith.constant 0 : i32
      %lt3A_322 = arith.cmpi slt, %select_n3A_315, %lt3A_321 : i32
      %ne3A_323 = arith.xori %lt3A_320, %lt3A_322 : i1
      %and3A_324 = arith.andi %ne3A_323, %ne3A_318 : i1
      %add3A_325 = arith.addi %rem3A_316, %select_n3A_315 : i32
      %select_n3A_326 = arith.select %and3A_324, %add3A_325, %rem3A_316 : i32
      %eq3A_327 = arith.constant 1 : i32
      %eq3A_328 = arith.cmpi eq, %select_n3A_326, %eq3A_327 : i32
      %and3A_329 = arith.andi %and3A_308, %eq3A_328 : i1
      %convert_element_type3A_330 = arith.extui %and3A_329 : i1 to i32
      %cond3A_331 = arith.constant 0 : i32
      %cond3A_332 = arith.cmpi ne, %convert_element_type3A_330, %cond3A_331 : i32
      scf.if %cond3A_332 {
        %ge3A_564 = arith.constant 1 : i32
        %ge3A_565 = arith.cmpi sge, %select_n3A_162, %ge3A_564 : i32
        %convert_element_type3A_566 = arith.extui %ge3A_565 : i1 to i32
        %cond3A_567 = arith.constant 0 : i32
        %cond3A_568 = arith.cmpi ne, %convert_element_type3A_566, %cond3A_567 : i32
        scf.if %cond3A_568 {
          %dma_wait3A_578 = arith.constant 0 : i32
          %dma_wait3A_579 = arith.constant 0 : i32
          %dma_wait3A_580 = tpu.memref_slice %arg5[%dma_wait3A_578, %dma_wait3A_579] : memref<8192x256xf32, #tpu.memory_space<hbm>> -> memref<32x256xf32, #tpu.memory_space<hbm>>
          %dma_wait3A_581 = arith.constant 0 : i32
          %dma_wait3A_582 = arith.constant 0 : i32
          %dma_wait3A_583 = tpu.memref_slice %arg5[%dma_wait3A_581, %dma_wait3A_582] : memref<8192x256xf32, #tpu.memory_space<hbm>> -> memref<32x256xf32, #tpu.memory_space<hbm>>
          tpu.wait_dma2 semaphore(%arg23 : memref<!tpu.dma_semaphore, #tpu.memory_space<semaphore_mem>>) src(%arg12 : memref<32x256xf32, #tpu.memory_space<vmem>>) dst(%dma_wait3A_583 : memref<32x256xf32, #tpu.memory_space<hbm>>)
        } else {
        }
        %add3A_569 = arith.constant 1 : i32
        %add3A_570 = arith.addi %select_n3A_162, %add3A_569 : i32
        %mul3A_571 = arith.constant 32 : i32
        %mul3A_572 = arith.muli %add3A_570, %mul3A_571 : i32
        %multiple_of3A_573 = tpu.assume_multiple %mul3A_572, 8 : i32
        %dma_start3A_574 = tpu.memref_slice %arg10[%multiple_of3A_573] : memref<256xi32, #tpu.memory_space<vmem>> -> memref<32xi32, #tpu.memory_space<vmem>>
        %dma_start3A_575 = arith.constant 0 : i32
        %dma_start3A_576 = arith.constant 0 : i32
        %dma_start3A_577 = tpu.memref_slice %arg3[%dma_start3A_575, %dma_start3A_576] : memref<16384x256xf32, #tpu.memory_space<hbm>> -> memref<16384x256xf32, #tpu.memory_space<hbm>>
        tpu.enqueue_indirect_dma source(%dma_start3A_577 : memref<16384x256xf32, #tpu.memory_space<hbm>>) target(%arg12 : memref<32x256xf32, #tpu.memory_space<vmem>>) offsets(%dma_start3A_574 : memref<32xi32, #tpu.memory_space<vmem>>) semaphore(%arg21 : memref<!tpu.dma_semaphore, #tpu.memory_space<semaphore_mem>>)
      } else {
      }
      %mul3A_333 = arith.constant 2 : i32
      %mul3A_334 = arith.muli %scan3A_102, %mul3A_333 : i32
      %add3A_335 = arith.constant 1 : i32
      %add3A_336 = arith.addi %mul3A_334, %add3A_335 : i32
      %dma_wait3A_337 = arith.constant 0 : i32
      %dma_wait3A_338 = tpu.memref_slice %arg10[%dma_wait3A_337] : memref<256xi32, #tpu.memory_space<vmem>> -> memref<16xi32, #tpu.memory_space<vmem>>
      %dma_wait3A_339 = arith.constant 0 : i32
      %dma_wait3A_340 = arith.constant 0 : i32
      %dma_wait3A_341 = tpu.memref_slice %arg4[%dma_wait3A_339, %dma_wait3A_340] : memref<16384x2048xf32, #tpu.memory_space<hbm>> -> memref<16384x2048xf32, #tpu.memory_space<hbm>>
      tpu.wait_indirect_dma semaphore(%arg18 : memref<!tpu.dma_semaphore, #tpu.memory_space<semaphore_mem>>) src(%dma_wait3A_341 : memref<16384x2048xf32, #tpu.memory_space<hbm>>) dst(%arg14 : memref<16x2048xf32, #tpu.memory_space<vmem>>)
      %ge3A_342 = arith.constant 1 : i32
      %ge3A_343 = arith.cmpi sge, %scan3A_102, %ge3A_342 : i32
      %convert_element_type3A_344 = arith.extui %ge3A_343 : i1 to i32
      %cond3A_345 = arith.constant 0 : i32
      %cond3A_346 = arith.cmpi ne, %convert_element_type3A_344, %cond3A_345 : i32
      scf.if %cond3A_346 {
        %dma_wait3A_564 = arith.constant 0 : i32
        %dma_wait3A_565 = arith.constant 0 : i32
        %dma_wait3A_566 = tpu.memref_slice %arg6[%dma_wait3A_564, %dma_wait3A_565] : memref<8192x1024xf32, #tpu.memory_space<hbm>> -> memref<16x1024xf32, #tpu.memory_space<hbm>>
        %dma_wait3A_567 = arith.constant 0 : i32
        %dma_wait3A_568 = arith.constant 0 : i32
        %dma_wait3A_569 = tpu.memref_slice %arg6[%dma_wait3A_567, %dma_wait3A_568] : memref<8192x1024xf32, #tpu.memory_space<hbm>> -> memref<16x1024xf32, #tpu.memory_space<hbm>>
        tpu.wait_dma2 semaphore(%arg20 : memref<!tpu.dma_semaphore, #tpu.memory_space<semaphore_mem>>) src(%arg16 : memref<16x1024xf32, #tpu.memory_space<vmem>>) dst(%dma_wait3A_569 : memref<16x1024xf32, #tpu.memory_space<hbm>>)
      } else {
      }
      %scan3A_347 = arith.constant 0 : i32
      %scan3A_348 = arith.constant 0 : i32
      %scan3A_349 = arith.constant 64 : i32
      %scan3A_350 = arith.addi %scan3A_348, %scan3A_349 : i32
      %scan3A_351 = arith.constant 2 : i32
      %scan3A_352 = scf.for %scan3A_564 = %scan3A_348 to %scan3A_350 step %scan3A_351 iter_args(%scan3A_565 = %scan3A_347) -> (i32)  : i32 {
        %mul3A_566 = arith.constant 16 : i32
        %mul3A_567 = arith.muli %scan3A_564, %mul3A_566 : i32
        %get3A = arith.index_cast %mul3A_567 : i32 to index
        %get3A_568 = tpu.vector_load %arg9[%get3A] {strides = array<i32>} : memref<2048xi32, #tpu.memory_space<vmem>>, vector<16xi32>,
        %mul3A_569 = arith.constant 0 : i32
        %mul3A_570 = vector.broadcast %mul3A_569 : i32 to vector<16xi32>
        %mul3A_571 = arith.muli %iota3A, %mul3A_570 : vector<16xi32>
        %add3A_572 = arith.constant 0 : i32
        %add3A_573 = vector.broadcast %add3A_572 : i32 to vector<16xi32>
        %add3A_574 = arith.addi %mul3A_571, %add3A_573 : vector<16xi32>
        %gather3A = tpu.vector_load_idx %arg14[%add3A_574, %get3A_568] : memref<16x2048xf32, #tpu.memory_space<vmem>>[vector<16xi32>, vector<16xi32>], vector<16xf32>,
        %mul3A_575 = arith.constant 0 : i32
        %mul3A_576 = vector.broadcast %mul3A_575 : i32 to vector<16xi32>
        %mul3A_577 = arith.muli %iota3A, %mul3A_576 : vector<16xi32>
        %add3A_578 = arith.constant 1 : i32
        %add3A_579 = vector.broadcast %add3A_578 : i32 to vector<16xi32>
        %add3A_580 = arith.addi %mul3A_577, %add3A_579 : vector<16xi32>
        %gather3A_581 = tpu.vector_load_idx %arg14[%add3A_580, %get3A_568] : memref<16x2048xf32, #tpu.memory_space<vmem>>[vector<16xi32>, vector<16xi32>], vector<16xf32>,
        %mul3A_582 = arith.constant 0 : i32
        %mul3A_583 = vector.broadcast %mul3A_582 : i32 to vector<16xi32>
        %mul3A_584 = arith.muli %iota3A, %mul3A_583 : vector<16xi32>
        %add3A_585 = arith.constant 2 : i32
        %add3A_586 = vector.broadcast %add3A_585 : i32 to vector<16xi32>
        %add3A_587 = arith.addi %mul3A_584, %add3A_586 : vector<16xi32>
        %gather3A_588 = tpu.vector_load_idx %arg14[%add3A_587, %get3A_568] : memref<16x2048xf32, #tpu.memory_space<vmem>>[vector<16xi32>, vector<16xi32>], vector<16xf32>,
        %mul3A_589 = arith.constant 0 : i32
        %mul3A_590 = vector.broadcast %mul3A_589 : i32 to vector<16xi32>
        %mul3A_591 = arith.muli %iota3A, %mul3A_590 : vector<16xi32>
        %add3A_592 = arith.constant 3 : i32
        %add3A_593 = vector.broadcast %add3A_592 : i32 to vector<16xi32>
        %add3A_594 = arith.addi %mul3A_591, %add3A_593 : vector<16xi32>
        %gather3A_595 = tpu.vector_load_idx %arg14[%add3A_594, %get3A_568] : memref<16x2048xf32, #tpu.memory_space<vmem>>[vector<16xi32>, vector<16xi32>], vector<16xf32>,
        %mul3A_596 = arith.constant 0 : i32
        %mul3A_597 = vector.broadcast %mul3A_596 : i32 to vector<16xi32>
        %mul3A_598 = arith.muli %iota3A, %mul3A_597 : vector<16xi32>
        %add3A_599 = arith.constant 4 : i32
        %add3A_600 = vector.broadcast %add3A_599 : i32 to vector<16xi32>
        %add3A_601 = arith.addi %mul3A_598, %add3A_600 : vector<16xi32>
        %gather3A_602 = tpu.vector_load_idx %arg14[%add3A_601, %get3A_568] : memref<16x2048xf32, #tpu.memory_space<vmem>>[vector<16xi32>, vector<16xi32>], vector<16xf32>,
        %mul3A_603 = arith.constant 0 : i32
        %mul3A_604 = vector.broadcast %mul3A_603 : i32 to vector<16xi32>
        %mul3A_605 = arith.muli %iota3A, %mul3A_604 : vector<16xi32>
        %add3A_606 = arith.constant 5 : i32
        %add3A_607 = vector.broadcast %add3A_606 : i32 to vector<16xi32>
        %add3A_608 = arith.addi %mul3A_605, %add3A_607 : vector<16xi32>
        %gather3A_609 = tpu.vector_load_idx %arg14[%add3A_608, %get3A_568] : memref<16x2048xf32, #tpu.memory_space<vmem>>[vector<16xi32>, vector<16xi32>], vector<16xf32>,
        %mul3A_610 = arith.constant 0 : i32
        %mul3A_611 = vector.broadcast %mul3A_610 : i32 to vector<16xi32>
        %mul3A_612 = arith.muli %iota3A, %mul3A_611 : vector<16xi32>
        %add3A_613 = arith.constant 6 : i32
        %add3A_614 = vector.broadcast %add3A_613 : i32 to vector<16xi32>
        %add3A_615 = arith.addi %mul3A_612, %add3A_614 : vector<16xi32>
        %gather3A_616 = tpu.vector_load_idx %arg14[%add3A_615, %get3A_568] : memref<16x2048xf32, #tpu.memory_space<vmem>>[vector<16xi32>, vector<16xi32>], vector<16xf32>,
        %mul3A_617 = arith.constant 0 : i32
        %mul3A_618 = vector.broadcast %mul3A_617 : i32 to vector<16xi32>
        %mul3A_619 = arith.muli %iota3A, %mul3A_618 : vector<16xi32>
        %add3A_620 = arith.constant 7 : i32
        %add3A_621 = vector.broadcast %add3A_620 : i32 to vector<16xi32>
        %add3A_622 = arith.addi %mul3A_619, %add3A_621 : vector<16xi32>
        %gather3A_623 = tpu.vector_load_idx %arg14[%add3A_622, %get3A_568] : memref<16x2048xf32, #tpu.memory_space<vmem>>[vector<16xi32>, vector<16xi32>], vector<16xf32>,
        %mul3A_624 = arith.constant 16 : i32
        %mul3A_625 = arith.muli %scan3A_564, %mul3A_624 : i32
        %swap3A = arith.constant 0 : i32
        %swap3A_626 = arith.index_cast %swap3A : i32 to index
        %swap3A_627 = arith.index_cast %mul3A_625 : i32 to index
        %swap3A_628 = tpu.vector_load %arg16[%swap3A_626, %swap3A_627] {strides = array<i32>} : memref<16x1024xf32, #tpu.memory_space<vmem>>, vector<16xf32>,
        tpu.vector_store %arg16[%swap3A_626, %swap3A_627], %gather3A {strides = array<i32>} : memref<16x1024xf32, #tpu.memory_space<vmem>>, vector<16xf32>,
        %mul3A_629 = arith.constant 16 : i32
        %mul3A_630 = arith.muli %scan3A_564, %mul3A_629 : i32
        %swap3A_631 = arith.constant 1 : i32
        %swap3A_632 = arith.index_cast %swap3A_631 : i32 to index
        %swap3A_633 = arith.index_cast %mul3A_630 : i32 to index
        %swap3A_634 = tpu.vector_load %arg16[%swap3A_632, %swap3A_633] {strides = array<i32>} : memref<16x1024xf32, #tpu.memory_space<vmem>>, vector<16xf32>,
        tpu.vector_store %arg16[%swap3A_632, %swap3A_633], %gather3A_581 {strides = array<i32>} : memref<16x1024xf32, #tpu.memory_space<vmem>>, vector<16xf32>,
        %mul3A_635 = arith.constant 16 : i32
        %mul3A_636 = arith.muli %scan3A_564, %mul3A_635 : i32
        %swap3A_637 = arith.constant 2 : i32
        %swap3A_638 = arith.index_cast %swap3A_637 : i32 to index
        %swap3A_639 = arith.index_cast %mul3A_636 : i32 to index
        %swap3A_640 = tpu.vector_load %arg16[%swap3A_638, %swap3A_639] {strides = array<i32>} : memref<16x1024xf32, #tpu.memory_space<vmem>>, vector<16xf32>,
        tpu.vector_store %arg16[%swap3A_638, %swap3A_639], %gather3A_588 {strides = array<i32>} : memref<16x1024xf32, #tpu.memory_space<vmem>>, vector<16xf32>,
        %mul3A_641 = arith.constant 16 : i32
        %mul3A_642 = arith.muli %scan3A_564, %mul3A_641 : i32
        %swap3A_643 = arith.constant 3 : i32
        %swap3A_644 = arith.index_cast %swap3A_643 : i32 to index
        %swap3A_645 = arith.index_cast %mul3A_642 : i32 to index
        %swap3A_646 = tpu.vector_load %arg16[%swap3A_644, %swap3A_645] {strides = array<i32>} : memref<16x1024xf32, #tpu.memory_space<vmem>>, vector<16xf32>,
        tpu.vector_store %arg16[%swap3A_644, %swap3A_645], %gather3A_595 {strides = array<i32>} : memref<16x1024xf32, #tpu.memory_space<vmem>>, vector<16xf32>,
        %mul3A_647 = arith.constant 16 : i32
        %mul3A_648 = arith.muli %scan3A_564, %mul3A_647 : i32
        %swap3A_649 = arith.constant 4 : i32
        %swap3A_650 = arith.index_cast %swap3A_649 : i32 to index
        %swap3A_651 = arith.index_cast %mul3A_648 : i32 to index
        %swap3A_652 = tpu.vector_load %arg16[%swap3A_650, %swap3A_651] {strides = array<i32>} : memref<16x1024xf32, #tpu.memory_space<vmem>>, vector<16xf32>,
        tpu.vector_store %arg16[%swap3A_650, %swap3A_651], %gather3A_602 {strides = array<i32>} : memref<16x1024xf32, #tpu.memory_space<vmem>>, vector<16xf32>,
        %mul3A_653 = arith.constant 16 : i32
        %mul3A_654 = arith.muli %scan3A_564, %mul3A_653 : i32
        %swap3A_655 = arith.constant 5 : i32
        %swap3A_656 = arith.index_cast %swap3A_655 : i32 to index
        %swap3A_657 = arith.index_cast %mul3A_654 : i32 to index
        %swap3A_658 = tpu.vector_load %arg16[%swap3A_656, %swap3A_657] {strides = array<i32>} : memref<16x1024xf32, #tpu.memory_space<vmem>>, vector<16xf32>,
        tpu.vector_store %arg16[%swap3A_656, %swap3A_657], %gather3A_609 {strides = array<i32>} : memref<16x1024xf32, #tpu.memory_space<vmem>>, vector<16xf32>,
        %mul3A_659 = arith.constant 16 : i32
        %mul3A_660 = arith.muli %scan3A_564, %mul3A_659 : i32
        %swap3A_661 = arith.constant 6 : i32
        %swap3A_662 = arith.index_cast %swap3A_661 : i32 to index
        %swap3A_663 = arith.index_cast %mul3A_660 : i32 to index
        %swap3A_664 = tpu.vector_load %arg16[%swap3A_662, %swap3A_663] {strides = array<i32>} : memref<16x1024xf32, #tpu.memory_space<vmem>>, vector<16xf32>,
        tpu.vector_store %arg16[%swap3A_662, %swap3A_663], %gather3A_616 {strides = array<i32>} : memref<16x1024xf32, #tpu.memory_space<vmem>>, vector<16xf32>,
        %mul3A_665 = arith.constant 16 : i32
        %mul3A_666 = arith.muli %scan3A_564, %mul3A_665 : i32
        %swap3A_667 = arith.constant 7 : i32
        %swap3A_668 = arith.index_cast %swap3A_667 : i32 to index
        %swap3A_669 = arith.index_cast %mul3A_666 : i32 to index
        %swap3A_670 = tpu.vector_load %arg16[%swap3A_668, %swap3A_669] {strides = array<i32>} : memref<16x1024xf32, #tpu.memory_space<vmem>>, vector<16xf32>,
        tpu.vector_store %arg16[%swap3A_668, %swap3A_669], %gather3A_623 {strides = array<i32>} : memref<16x1024xf32, #tpu.memory_space<vmem>>, vector<16xf32>,
        %mul3A_671 = arith.constant 0 : i32
        %mul3A_672 = vector.broadcast %mul3A_671 : i32 to vector<16xi32>
        %mul3A_673 = arith.muli %iota3A, %mul3A_672 : vector<16xi32>
        %add3A_674 = arith.constant 8 : i32
        %add3A_675 = vector.broadcast %add3A_674 : i32 to vector<16xi32>
        %add3A_676 = arith.addi %mul3A_673, %add3A_675 : vector<16xi32>
        %gather3A_677 = tpu.vector_load_idx %arg14[%add3A_676, %get3A_568] : memref<16x2048xf32, #tpu.memory_space<vmem>>[vector<16xi32>, vector<16xi32>], vector<16xf32>,
        %mul3A_678 = arith.constant 0 : i32
        %mul3A_679 = vector.broadcast %mul3A_678 : i32 to vector<16xi32>
        %mul3A_680 = arith.muli %iota3A, %mul3A_679 : vector<16xi32>
        %add3A_681 = arith.constant 9 : i32
        %add3A_682 = vector.broadcast %add3A_681 : i32 to vector<16xi32>
        %add3A_683 = arith.addi %mul3A_680, %add3A_682 : vector<16xi32>
        %gather3A_684 = tpu.vector_load_idx %arg14[%add3A_683, %get3A_568] : memref<16x2048xf32, #tpu.memory_space<vmem>>[vector<16xi32>, vector<16xi32>], vector<16xf32>,
        %mul3A_685 = arith.constant 0 : i32
        %mul3A_686 = vector.broadcast %mul3A_685 : i32 to vector<16xi32>
        %mul3A_687 = arith.muli %iota3A, %mul3A_686 : vector<16xi32>
        %add3A_688 = arith.constant 10 : i32
        %add3A_689 = vector.broadcast %add3A_688 : i32 to vector<16xi32>
        %add3A_690 = arith.addi %mul3A_687, %add3A_689 : vector<16xi32>
        %gather3A_691 = tpu.vector_load_idx %arg14[%add3A_690, %get3A_568] : memref<16x2048xf32, #tpu.memory_space<vmem>>[vector<16xi32>, vector<16xi32>], vector<16xf32>,
        %mul3A_692 = arith.constant 0 : i32
        %mul3A_693 = vector.broadcast %mul3A_692 : i32 to vector<16xi32>
        %mul3A_694 = arith.muli %iota3A, %mul3A_693 : vector<16xi32>
        %add3A_695 = arith.constant 11 : i32
        %add3A_696 = vector.broadcast %add3A_695 : i32 to vector<16xi32>
        %add3A_697 = arith.addi %mul3A_694, %add3A_696 : vector<16xi32>
        %gather3A_698 = tpu.vector_load_idx %arg14[%add3A_697, %get3A_568] : memref<16x2048xf32, #tpu.memory_space<vmem>>[vector<16xi32>, vector<16xi32>], vector<16xf32>,
        %mul3A_699 = arith.constant 0 : i32
        %mul3A_700 = vector.broadcast %mul3A_699 : i32 to vector<16xi32>
        %mul3A_701 = arith.muli %iota3A, %mul3A_700 : vector<16xi32>
        %add3A_702 = arith.constant 12 : i32
        %add3A_703 = vector.broadcast %add3A_702 : i32 to vector<16xi32>
        %add3A_704 = arith.addi %mul3A_701, %add3A_703 : vector<16xi32>
        %gather3A_705 = tpu.vector_load_idx %arg14[%add3A_704, %get3A_568] : memref<16x2048xf32, #tpu.memory_space<vmem>>[vector<16xi32>, vector<16xi32>], vector<16xf32>,
        %mul3A_706 = arith.constant 0 : i32
        %mul3A_707 = vector.broadcast %mul3A_706 : i32 to vector<16xi32>
        %mul3A_708 = arith.muli %iota3A, %mul3A_707 : vector<16xi32>
        %add3A_709 = arith.constant 13 : i32
        %add3A_710 = vector.broadcast %add3A_709 : i32 to vector<16xi32>
        %add3A_711 = arith.addi %mul3A_708, %add3A_710 : vector<16xi32>
        %gather3A_712 = tpu.vector_load_idx %arg14[%add3A_711, %get3A_568] : memref<16x2048xf32, #tpu.memory_space<vmem>>[vector<16xi32>, vector<16xi32>], vector<16xf32>,
        %mul3A_713 = arith.constant 0 : i32
        %mul3A_714 = vector.broadcast %mul3A_713 : i32 to vector<16xi32>
        %mul3A_715 = arith.muli %iota3A, %mul3A_714 : vector<16xi32>
        %add3A_716 = arith.constant 14 : i32
        %add3A_717 = vector.broadcast %add3A_716 : i32 to vector<16xi32>
        %add3A_718 = arith.addi %mul3A_715, %add3A_717 : vector<16xi32>
        %gather3A_719 = tpu.vector_load_idx %arg14[%add3A_718, %get3A_568] : memref<16x2048xf32, #tpu.memory_space<vmem>>[vector<16xi32>, vector<16xi32>], vector<16xf32>,
        %mul3A_720 = arith.constant 0 : i32
        %mul3A_721 = vector.broadcast %mul3A_720 : i32 to vector<16xi32>
        %mul3A_722 = arith.muli %iota3A, %mul3A_721 : vector<16xi32>
        %add3A_723 = arith.constant 15 : i32
        %add3A_724 = vector.broadcast %add3A_723 : i32 to vector<16xi32>
        %add3A_725 = arith.addi %mul3A_722, %add3A_724 : vector<16xi32>
        %gather3A_726 = tpu.vector_load_idx %arg14[%add3A_725, %get3A_568] : memref<16x2048xf32, #tpu.memory_space<vmem>>[vector<16xi32>, vector<16xi32>], vector<16xf32>,
        %mul3A_727 = arith.constant 16 : i32
        %mul3A_728 = arith.muli %scan3A_564, %mul3A_727 : i32
        %swap3A_729 = arith.constant 8 : i32
        %swap3A_730 = arith.index_cast %swap3A_729 : i32 to index
        %swap3A_731 = arith.index_cast %mul3A_728 : i32 to index
        %swap3A_732 = tpu.vector_load %arg16[%swap3A_730, %swap3A_731] {strides = array<i32>} : memref<16x1024xf32, #tpu.memory_space<vmem>>, vector<16xf32>,
        tpu.vector_store %arg16[%swap3A_730, %swap3A_731], %gather3A_677 {strides = array<i32>} : memref<16x1024xf32, #tpu.memory_space<vmem>>, vector<16xf32>,
        %mul3A_733 = arith.constant 16 : i32
        %mul3A_734 = arith.muli %scan3A_564, %mul3A_733 : i32
        %swap3A_735 = arith.constant 9 : i32
        %swap3A_736 = arith.index_cast %swap3A_735 : i32 to index
        %swap3A_737 = arith.index_cast %mul3A_734 : i32 to index
        %swap3A_738 = tpu.vector_load %arg16[%swap3A_736, %swap3A_737] {strides = array<i32>} : memref<16x1024xf32, #tpu.memory_space<vmem>>, vector<16xf32>,
        tpu.vector_store %arg16[%swap3A_736, %swap3A_737], %gather3A_684 {strides = array<i32>} : memref<16x1024xf32, #tpu.memory_space<vmem>>, vector<16xf32>,
        %mul3A_739 = arith.constant 16 : i32
        %mul3A_740 = arith.muli %scan3A_564, %mul3A_739 : i32
        %swap3A_741 = arith.constant 10 : i32
        %swap3A_742 = arith.index_cast %swap3A_741 : i32 to index
        %swap3A_743 = arith.index_cast %mul3A_740 : i32 to index
        %swap3A_744 = tpu.vector_load %arg16[%swap3A_742, %swap3A_743] {strides = array<i32>} : memref<16x1024xf32, #tpu.memory_space<vmem>>, vector<16xf32>,
        tpu.vector_store %arg16[%swap3A_742, %swap3A_743], %gather3A_691 {strides = array<i32>} : memref<16x1024xf32, #tpu.memory_space<vmem>>, vector<16xf32>,
        %mul3A_745 = arith.constant 16 : i32
        %mul3A_746 = arith.muli %scan3A_564, %mul3A_745 : i32
        %swap3A_747 = arith.constant 11 : i32
        %swap3A_748 = arith.index_cast %swap3A_747 : i32 to index
        %swap3A_749 = arith.index_cast %mul3A_746 : i32 to index
        %swap3A_750 = tpu.vector_load %arg16[%swap3A_748, %swap3A_749] {strides = array<i32>} : memref<16x1024xf32, #tpu.memory_space<vmem>>, vector<16xf32>,
        tpu.vector_store %arg16[%swap3A_748, %swap3A_749], %gather3A_698 {strides = array<i32>} : memref<16x1024xf32, #tpu.memory_space<vmem>>, vector<16xf32>,
        %mul3A_751 = arith.constant 16 : i32
        %mul3A_752 = arith.muli %scan3A_564, %mul3A_751 : i32
        %swap3A_753 = arith.constant 12 : i32
        %swap3A_754 = arith.index_cast %swap3A_753 : i32 to index
        %swap3A_755 = arith.index_cast %mul3A_752 : i32 to index
        %swap3A_756 = tpu.vector_load %arg16[%swap3A_754, %swap3A_755] {strides = array<i32>} : memref<16x1024xf32, #tpu.memory_space<vmem>>, vector<16xf32>,
        tpu.vector_store %arg16[%swap3A_754, %swap3A_755], %gather3A_705 {strides = array<i32>} : memref<16x1024xf32, #tpu.memory_space<vmem>>, vector<16xf32>,
        %mul3A_757 = arith.constant 16 : i32
        %mul3A_758 = arith.muli %scan3A_564, %mul3A_757 : i32
        %swap3A_759 = arith.constant 13 : i32
        %swap3A_760 = arith.index_cast %swap3A_759 : i32 to index
        %swap3A_761 = arith.index_cast %mul3A_758 : i32 to index
        %swap3A_762 = tpu.vector_load %arg16[%swap3A_760, %swap3A_761] {strides = array<i32>} : memref<16x1024xf32, #tpu.memory_space<vmem>>, vector<16xf32>,
        tpu.vector_store %arg16[%swap3A_760, %swap3A_761], %gather3A_712 {strides = array<i32>} : memref<16x1024xf32, #tpu.memory_space<vmem>>, vector<16xf32>,
        %mul3A_763 = arith.constant 16 : i32
        %mul3A_764 = arith.muli %scan3A_564, %mul3A_763 : i32
        %swap3A_765 = arith.constant 14 : i32
        %swap3A_766 = arith.index_cast %swap3A_765 : i32 to index
        %swap3A_767 = arith.index_cast %mul3A_764 : i32 to index
        %swap3A_768 = tpu.vector_load %arg16[%swap3A_766, %swap3A_767] {strides = array<i32>} : memref<16x1024xf32, #tpu.memory_space<vmem>>, vector<16xf32>,
        tpu.vector_store %arg16[%swap3A_766, %swap3A_767], %gather3A_719 {strides = array<i32>} : memref<16x1024xf32, #tpu.memory_space<vmem>>, vector<16xf32>,
        %mul3A_769 = arith.constant 16 : i32
        %mul3A_770 = arith.muli %scan3A_564, %mul3A_769 : i32
        %swap3A_771 = arith.constant 15 : i32
        %swap3A_772 = arith.index_cast %swap3A_771 : i32 to index
        %swap3A_773 = arith.index_cast %mul3A_770 : i32 to index
        %swap3A_774 = tpu.vector_load %arg16[%swap3A_772, %swap3A_773] {strides = array<i32>} : memref<16x1024xf32, #tpu.memory_space<vmem>>, vector<16xf32>,
        tpu.vector_store %arg16[%swap3A_772, %swap3A_773], %gather3A_726 {strides = array<i32>} : memref<16x1024xf32, #tpu.memory_space<vmem>>, vector<16xf32>,
        %scan3A_775 = arith.constant 0 : i32
        %scan3A_776 = arith.constant 1 : i32
        %scan3A_777 = arith.addi %scan3A_564, %scan3A_776 : i32
        %mul3A_778 = arith.constant 16 : i32
        %mul3A_779 = arith.muli %scan3A_777, %mul3A_778 : i32
        %get3A_780 = arith.index_cast %mul3A_779 : i32 to index
        %get3A_781 = tpu.vector_load %arg9[%get3A_780] {strides = array<i32>} : memref<2048xi32, #tpu.memory_space<vmem>>, vector<16xi32>,
        %mul3A_782 = arith.constant 0 : i32
        %mul3A_783 = vector.broadcast %mul3A_782 : i32 to vector<16xi32>
        %mul3A_784 = arith.muli %iota3A, %mul3A_783 : vector<16xi32>
        %add3A_785 = arith.constant 0 : i32
        %add3A_786 = vector.broadcast %add3A_785 : i32 to vector<16xi32>
        %add3A_787 = arith.addi %mul3A_784, %add3A_786 : vector<16xi32>
        %gather3A_788 = tpu.vector_load_idx %arg14[%add3A_787, %get3A_781] : memref<16x2048xf32, #tpu.memory_space<vmem>>[vector<16xi32>, vector<16xi32>], vector<16xf32>,
        %mul3A_789 = arith.constant 0 : i32
        %mul3A_790 = vector.broadcast %mul3A_789 : i32 to vector<16xi32>
        %mul3A_791 = arith.muli %iota3A, %mul3A_790 : vector<16xi32>
        %add3A_792 = arith.constant 1 : i32
        %add3A_793 = vector.broadcast %add3A_792 : i32 to vector<16xi32>
        %add3A_794 = arith.addi %mul3A_791, %add3A_793 : vector<16xi32>
        %gather3A_795 = tpu.vector_load_idx %arg14[%add3A_794, %get3A_781] : memref<16x2048xf32, #tpu.memory_space<vmem>>[vector<16xi32>, vector<16xi32>], vector<16xf32>,
        %mul3A_796 = arith.constant 0 : i32
        %mul3A_797 = vector.broadcast %mul3A_796 : i32 to vector<16xi32>
        %mul3A_798 = arith.muli %iota3A, %mul3A_797 : vector<16xi32>
        %add3A_799 = arith.constant 2 : i32
        %add3A_800 = vector.broadcast %add3A_799 : i32 to vector<16xi32>
        %add3A_801 = arith.addi %mul3A_798, %add3A_800 : vector<16xi32>
        %gather3A_802 = tpu.vector_load_idx %arg14[%add3A_801, %get3A_781] : memref<16x2048xf32, #tpu.memory_space<vmem>>[vector<16xi32>, vector<16xi32>], vector<16xf32>,
        %mul3A_803 = arith.constant 0 : i32
        %mul3A_804 = vector.broadcast %mul3A_803 : i32 to vector<16xi32>
        %mul3A_805 = arith.muli %iota3A, %mul3A_804 : vector<16xi32>
        %add3A_806 = arith.constant 3 : i32
        %add3A_807 = vector.broadcast %add3A_806 : i32 to vector<16xi32>
        %add3A_808 = arith.addi %mul3A_805, %add3A_807 : vector<16xi32>
        %gather3A_809 = tpu.vector_load_idx %arg14[%add3A_808, %get3A_781] : memref<16x2048xf32, #tpu.memory_space<vmem>>[vector<16xi32>, vector<16xi32>], vector<16xf32>,
        %mul3A_810 = arith.constant 0 : i32
        %mul3A_811 = vector.broadcast %mul3A_810 : i32 to vector<16xi32>
        %mul3A_812 = arith.muli %iota3A, %mul3A_811 : vector<16xi32>
        %add3A_813 = arith.constant 4 : i32
        %add3A_814 = vector.broadcast %add3A_813 : i32 to vector<16xi32>
        %add3A_815 = arith.addi %mul3A_812, %add3A_814 : vector<16xi32>
        %gather3A_816 = tpu.vector_load_idx %arg14[%add3A_815, %get3A_781] : memref<16x2048xf32, #tpu.memory_space<vmem>>[vector<16xi32>, vector<16xi32>], vector<16xf32>,
        %mul3A_817 = arith.constant 0 : i32
        %mul3A_818 = vector.broadcast %mul3A_817 : i32 to vector<16xi32>
        %mul3A_819 = arith.muli %iota3A, %mul3A_818 : vector<16xi32>
        %add3A_820 = arith.constant 5 : i32
        %add3A_821 = vector.broadcast %add3A_820 : i32 to vector<16xi32>
        %add3A_822 = arith.addi %mul3A_819, %add3A_821 : vector<16xi32>
        %gather3A_823 = tpu.vector_load_idx %arg14[%add3A_822, %get3A_781] : memref<16x2048xf32, #tpu.memory_space<vmem>>[vector<16xi32>, vector<16xi32>], vector<16xf32>,
        %mul3A_824 = arith.constant 0 : i32
        %mul3A_825 = vector.broadcast %mul3A_824 : i32 to vector<16xi32>
        %mul3A_826 = arith.muli %iota3A, %mul3A_825 : vector<16xi32>
        %add3A_827 = arith.constant 6 : i32
        %add3A_828 = vector.broadcast %add3A_827 : i32 to vector<16xi32>
        %add3A_829 = arith.addi %mul3A_826, %add3A_828 : vector<16xi32>
        %gather3A_830 = tpu.vector_load_idx %arg14[%add3A_829, %get3A_781] : memref<16x2048xf32, #tpu.memory_space<vmem>>[vector<16xi32>, vector<16xi32>], vector<16xf32>,
        %mul3A_831 = arith.constant 0 : i32
        %mul3A_832 = vector.broadcast %mul3A_831 : i32 to vector<16xi32>
        %mul3A_833 = arith.muli %iota3A, %mul3A_832 : vector<16xi32>
        %add3A_834 = arith.constant 7 : i32
        %add3A_835 = vector.broadcast %add3A_834 : i32 to vector<16xi32>
        %add3A_836 = arith.addi %mul3A_833, %add3A_835 : vector<16xi32>
        %gather3A_837 = tpu.vector_load_idx %arg14[%add3A_836, %get3A_781] : memref<16x2048xf32, #tpu.memory_space<vmem>>[vector<16xi32>, vector<16xi32>], vector<16xf32>,
        %mul3A_838 = arith.constant 16 : i32
        %mul3A_839 = arith.muli %scan3A_777, %mul3A_838 : i32
        %swap3A_840 = arith.constant 0 : i32
        %swap3A_841 = arith.index_cast %swap3A_840 : i32 to index
        %swap3A_842 = arith.index_cast %mul3A_839 : i32 to index
        %swap3A_843 = tpu.vector_load %arg16[%swap3A_841, %swap3A_842] {strides = array<i32>} : memref<16x1024xf32, #tpu.memory_space<vmem>>, vector<16xf32>,
        tpu.vector_store %arg16[%swap3A_841, %swap3A_842], %gather3A_788 {strides = array<i32>} : memref<16x1024xf32, #tpu.memory_space<vmem>>, vector<16xf32>,
        %mul3A_844 = arith.constant 16 : i32
        %mul3A_845 = arith.muli %scan3A_777, %mul3A_844 : i32
        %swap3A_846 = arith.constant 1 : i32
        %swap3A_847 = arith.index_cast %swap3A_846 : i32 to index
        %swap3A_848 = arith.index_cast %mul3A_845 : i32 to index
        %swap3A_849 = tpu.vector_load %arg16[%swap3A_847, %swap3A_848] {strides = array<i32>} : memref<16x1024xf32, #tpu.memory_space<vmem>>, vector<16xf32>,
        tpu.vector_store %arg16[%swap3A_847, %swap3A_848], %gather3A_795 {strides = array<i32>} : memref<16x1024xf32, #tpu.memory_space<vmem>>, vector<16xf32>,
        %mul3A_850 = arith.constant 16 : i32
        %mul3A_851 = arith.muli %scan3A_777, %mul3A_850 : i32
        %swap3A_852 = arith.constant 2 : i32
        %swap3A_853 = arith.index_cast %swap3A_852 : i32 to index
        %swap3A_854 = arith.index_cast %mul3A_851 : i32 to index
        %swap3A_855 = tpu.vector_load %arg16[%swap3A_853, %swap3A_854] {strides = array<i32>} : memref<16x1024xf32, #tpu.memory_space<vmem>>, vector<16xf32>,
        tpu.vector_store %arg16[%swap3A_853, %swap3A_854], %gather3A_802 {strides = array<i32>} : memref<16x1024xf32, #tpu.memory_space<vmem>>, vector<16xf32>,
        %mul3A_856 = arith.constant 16 : i32
        %mul3A_857 = arith.muli %scan3A_777, %mul3A_856 : i32
        %swap3A_858 = arith.constant 3 : i32
        %swap3A_859 = arith.index_cast %swap3A_858 : i32 to index
        %swap3A_860 = arith.index_cast %mul3A_857 : i32 to index
        %swap3A_861 = tpu.vector_load %arg16[%swap3A_859, %swap3A_860] {strides = array<i32>} : memref<16x1024xf32, #tpu.memory_space<vmem>>, vector<16xf32>,
        tpu.vector_store %arg16[%swap3A_859, %swap3A_860], %gather3A_809 {strides = array<i32>} : memref<16x1024xf32, #tpu.memory_space<vmem>>, vector<16xf32>,
        %mul3A_862 = arith.constant 16 : i32
        %mul3A_863 = arith.muli %scan3A_777, %mul3A_862 : i32
        %swap3A_864 = arith.constant 4 : i32
        %swap3A_865 = arith.index_cast %swap3A_864 : i32 to index
        %swap3A_866 = arith.index_cast %mul3A_863 : i32 to index
        %swap3A_867 = tpu.vector_load %arg16[%swap3A_865, %swap3A_866] {strides = array<i32>} : memref<16x1024xf32, #tpu.memory_space<vmem>>, vector<16xf32>,
        tpu.vector_store %arg16[%swap3A_865, %swap3A_866], %gather3A_816 {strides = array<i32>} : memref<16x1024xf32, #tpu.memory_space<vmem>>, vector<16xf32>,
        %mul3A_868 = arith.constant 16 : i32
        %mul3A_869 = arith.muli %scan3A_777, %mul3A_868 : i32
        %swap3A_870 = arith.constant 5 : i32
        %swap3A_871 = arith.index_cast %swap3A_870 : i32 to index
        %swap3A_872 = arith.index_cast %mul3A_869 : i32 to index
        %swap3A_873 = tpu.vector_load %arg16[%swap3A_871, %swap3A_872] {strides = array<i32>} : memref<16x1024xf32, #tpu.memory_space<vmem>>, vector<16xf32>,
        tpu.vector_store %arg16[%swap3A_871, %swap3A_872], %gather3A_823 {strides = array<i32>} : memref<16x1024xf32, #tpu.memory_space<vmem>>, vector<16xf32>,
        %mul3A_874 = arith.constant 16 : i32
        %mul3A_875 = arith.muli %scan3A_777, %mul3A_874 : i32
        %swap3A_876 = arith.constant 6 : i32
        %swap3A_877 = arith.index_cast %swap3A_876 : i32 to index
        %swap3A_878 = arith.index_cast %mul3A_875 : i32 to index
        %swap3A_879 = tpu.vector_load %arg16[%swap3A_877, %swap3A_878] {strides = array<i32>} : memref<16x1024xf32, #tpu.memory_space<vmem>>, vector<16xf32>,
        tpu.vector_store %arg16[%swap3A_877, %swap3A_878], %gather3A_830 {strides = array<i32>} : memref<16x1024xf32, #tpu.memory_space<vmem>>, vector<16xf32>,
        %mul3A_880 = arith.constant 16 : i32
        %mul3A_881 = arith.muli %scan3A_777, %mul3A_880 : i32
        %swap3A_882 = arith.constant 7 : i32
        %swap3A_883 = arith.index_cast %swap3A_882 : i32 to index
        %swap3A_884 = arith.index_cast %mul3A_881 : i32 to index
        %swap3A_885 = tpu.vector_load %arg16[%swap3A_883, %swap3A_884] {strides = array<i32>} : memref<16x1024xf32, #tpu.memory_space<vmem>>, vector<16xf32>,
        tpu.vector_store %arg16[%swap3A_883, %swap3A_884], %gather3A_837 {strides = array<i32>} : memref<16x1024xf32, #tpu.memory_space<vmem>>, vector<16xf32>,
        %mul3A_886 = arith.constant 0 : i32
        %mul3A_887 = vector.broadcast %mul3A_886 : i32 to vector<16xi32>
        %mul3A_888 = arith.muli %iota3A, %mul3A_887 : vector<16xi32>
        %add3A_889 = arith.constant 8 : i32
        %add3A_890 = vector.broadcast %add3A_889 : i32 to vector<16xi32>
        %add3A_891 = arith.addi %mul3A_888, %add3A_890 : vector<16xi32>
        %gather3A_892 = tpu.vector_load_idx %arg14[%add3A_891, %get3A_781] : memref<16x2048xf32, #tpu.memory_space<vmem>>[vector<16xi32>, vector<16xi32>], vector<16xf32>,
        %mul3A_893 = arith.constant 0 : i32
        %mul3A_894 = vector.broadcast %mul3A_893 : i32 to vector<16xi32>
        %mul3A_895 = arith.muli %iota3A, %mul3A_894 : vector<16xi32>
        %add3A_896 = arith.constant 9 : i32
        %add3A_897 = vector.broadcast %add3A_896 : i32 to vector<16xi32>
        %add3A_898 = arith.addi %mul3A_895, %add3A_897 : vector<16xi32>
        %gather3A_899 = tpu.vector_load_idx %arg14[%add3A_898, %get3A_781] : memref<16x2048xf32, #tpu.memory_space<vmem>>[vector<16xi32>, vector<16xi32>], vector<16xf32>,
        %mul3A_900 = arith.constant 0 : i32
        %mul3A_901 = vector.broadcast %mul3A_900 : i32 to vector<16xi32>
        %mul3A_902 = arith.muli %iota3A, %mul3A_901 : vector<16xi32>
        %add3A_903 = arith.constant 10 : i32
        %add3A_904 = vector.broadcast %add3A_903 : i32 to vector<16xi32>
        %add3A_905 = arith.addi %mul3A_902, %add3A_904 : vector<16xi32>
        %gather3A_906 = tpu.vector_load_idx %arg14[%add3A_905, %get3A_781] : memref<16x2048xf32, #tpu.memory_space<vmem>>[vector<16xi32>, vector<16xi32>], vector<16xf32>,
        %mul3A_907 = arith.constant 0 : i32
        %mul3A_908 = vector.broadcast %mul3A_907 : i32 to vector<16xi32>
        %mul3A_909 = arith.muli %iota3A, %mul3A_908 : vector<16xi32>
        %add3A_910 = arith.constant 11 : i32
        %add3A_911 = vector.broadcast %add3A_910 : i32 to vector<16xi32>
        %add3A_912 = arith.addi %mul3A_909, %add3A_911 : vector<16xi32>
        %gather3A_913 = tpu.vector_load_idx %arg14[%add3A_912, %get3A_781] : memref<16x2048xf32, #tpu.memory_space<vmem>>[vector<16xi32>, vector<16xi32>], vector<16xf32>,
        %mul3A_914 = arith.constant 0 : i32
        %mul3A_915 = vector.broadcast %mul3A_914 : i32 to vector<16xi32>
        %mul3A_916 = arith.muli %iota3A, %mul3A_915 : vector<16xi32>
        %add3A_917 = arith.constant 12 : i32
        %add3A_918 = vector.broadcast %add3A_917 : i32 to vector<16xi32>
        %add3A_919 = arith.addi %mul3A_916, %add3A_918 : vector<16xi32>
        %gather3A_920 = tpu.vector_load_idx %arg14[%add3A_919, %get3A_781] : memref<16x2048xf32, #tpu.memory_space<vmem>>[vector<16xi32>, vector<16xi32>], vector<16xf32>,
        %mul3A_921 = arith.constant 0 : i32
        %mul3A_922 = vector.broadcast %mul3A_921 : i32 to vector<16xi32>
        %mul3A_923 = arith.muli %iota3A, %mul3A_922 : vector<16xi32>
        %add3A_924 = arith.constant 13 : i32
        %add3A_925 = vector.broadcast %add3A_924 : i32 to vector<16xi32>
        %add3A_926 = arith.addi %mul3A_923, %add3A_925 : vector<16xi32>
        %gather3A_927 = tpu.vector_load_idx %arg14[%add3A_926, %get3A_781] : memref<16x2048xf32, #tpu.memory_space<vmem>>[vector<16xi32>, vector<16xi32>], vector<16xf32>,
        %mul3A_928 = arith.constant 0 : i32
        %mul3A_929 = vector.broadcast %mul3A_928 : i32 to vector<16xi32>
        %mul3A_930 = arith.muli %iota3A, %mul3A_929 : vector<16xi32>
        %add3A_931 = arith.constant 14 : i32
        %add3A_932 = vector.broadcast %add3A_931 : i32 to vector<16xi32>
        %add3A_933 = arith.addi %mul3A_930, %add3A_932 : vector<16xi32>
        %gather3A_934 = tpu.vector_load_idx %arg14[%add3A_933, %get3A_781] : memref<16x2048xf32, #tpu.memory_space<vmem>>[vector<16xi32>, vector<16xi32>], vector<16xf32>,
        %mul3A_935 = arith.constant 0 : i32
        %mul3A_936 = vector.broadcast %mul3A_935 : i32 to vector<16xi32>
        %mul3A_937 = arith.muli %iota3A, %mul3A_936 : vector<16xi32>
        %add3A_938 = arith.constant 15 : i32
        %add3A_939 = vector.broadcast %add3A_938 : i32 to vector<16xi32>
        %add3A_940 = arith.addi %mul3A_937, %add3A_939 : vector<16xi32>
        %gather3A_941 = tpu.vector_load_idx %arg14[%add3A_940, %get3A_781] : memref<16x2048xf32, #tpu.memory_space<vmem>>[vector<16xi32>, vector<16xi32>], vector<16xf32>,
        %mul3A_942 = arith.constant 16 : i32
        %mul3A_943 = arith.muli %scan3A_777, %mul3A_942 : i32
        %swap3A_944 = arith.constant 8 : i32
        %swap3A_945 = arith.index_cast %swap3A_944 : i32 to index
        %swap3A_946 = arith.index_cast %mul3A_943 : i32 to index
        %swap3A_947 = tpu.vector_load %arg16[%swap3A_945, %swap3A_946] {strides = array<i32>} : memref<16x1024xf32, #tpu.memory_space<vmem>>, vector<16xf32>,
        tpu.vector_store %arg16[%swap3A_945, %swap3A_946], %gather3A_892 {strides = array<i32>} : memref<16x1024xf32, #tpu.memory_space<vmem>>, vector<16xf32>,
        %mul3A_948 = arith.constant 16 : i32
        %mul3A_949 = arith.muli %scan3A_777, %mul3A_948 : i32
        %swap3A_950 = arith.constant 9 : i32
        %swap3A_951 = arith.index_cast %swap3A_950 : i32 to index
        %swap3A_952 = arith.index_cast %mul3A_949 : i32 to index
        %swap3A_953 = tpu.vector_load %arg16[%swap3A_951, %swap3A_952] {strides = array<i32>} : memref<16x1024xf32, #tpu.memory_space<vmem>>, vector<16xf32>,
        tpu.vector_store %arg16[%swap3A_951, %swap3A_952], %gather3A_899 {strides = array<i32>} : memref<16x1024xf32, #tpu.memory_space<vmem>>, vector<16xf32>,
        %mul3A_954 = arith.constant 16 : i32
        %mul3A_955 = arith.muli %scan3A_777, %mul3A_954 : i32
        %swap3A_956 = arith.constant 10 : i32
        %swap3A_957 = arith.index_cast %swap3A_956 : i32 to index
        %swap3A_958 = arith.index_cast %mul3A_955 : i32 to index
        %swap3A_959 = tpu.vector_load %arg16[%swap3A_957, %swap3A_958] {strides = array<i32>} : memref<16x1024xf32, #tpu.memory_space<vmem>>, vector<16xf32>,
        tpu.vector_store %arg16[%swap3A_957, %swap3A_958], %gather3A_906 {strides = array<i32>} : memref<16x1024xf32, #tpu.memory_space<vmem>>, vector<16xf32>,
        %mul3A_960 = arith.constant 16 : i32
        %mul3A_961 = arith.muli %scan3A_777, %mul3A_960 : i32
        %swap3A_962 = arith.constant 11 : i32
        %swap3A_963 = arith.index_cast %swap3A_962 : i32 to index
        %swap3A_964 = arith.index_cast %mul3A_961 : i32 to index
        %swap3A_965 = tpu.vector_load %arg16[%swap3A_963, %swap3A_964] {strides = array<i32>} : memref<16x1024xf32, #tpu.memory_space<vmem>>, vector<16xf32>,
        tpu.vector_store %arg16[%swap3A_963, %swap3A_964], %gather3A_913 {strides = array<i32>} : memref<16x1024xf32, #tpu.memory_space<vmem>>, vector<16xf32>,
        %mul3A_966 = arith.constant 16 : i32
        %mul3A_967 = arith.muli %scan3A_777, %mul3A_966 : i32
        %swap3A_968 = arith.constant 12 : i32
        %swap3A_969 = arith.index_cast %swap3A_968 : i32 to index
        %swap3A_970 = arith.index_cast %mul3A_967 : i32 to index
        %swap3A_971 = tpu.vector_load %arg16[%swap3A_969, %swap3A_970] {strides = array<i32>} : memref<16x1024xf32, #tpu.memory_space<vmem>>, vector<16xf32>,
        tpu.vector_store %arg16[%swap3A_969, %swap3A_970], %gather3A_920 {strides = array<i32>} : memref<16x1024xf32, #tpu.memory_space<vmem>>, vector<16xf32>,
        %mul3A_972 = arith.constant 16 : i32
        %mul3A_973 = arith.muli %scan3A_777, %mul3A_972 : i32
        %swap3A_974 = arith.constant 13 : i32
        %swap3A_975 = arith.index_cast %swap3A_974 : i32 to index
        %swap3A_976 = arith.index_cast %mul3A_973 : i32 to index
        %swap3A_977 = tpu.vector_load %arg16[%swap3A_975, %swap3A_976] {strides = array<i32>} : memref<16x1024xf32, #tpu.memory_space<vmem>>, vector<16xf32>,
        tpu.vector_store %arg16[%swap3A_975, %swap3A_976], %gather3A_927 {strides = array<i32>} : memref<16x1024xf32, #tpu.memory_space<vmem>>, vector<16xf32>,
        %mul3A_978 = arith.constant 16 : i32
        %mul3A_979 = arith.muli %scan3A_777, %mul3A_978 : i32
        %swap3A_980 = arith.constant 14 : i32
        %swap3A_981 = arith.index_cast %swap3A_980 : i32 to index
        %swap3A_982 = arith.index_cast %mul3A_979 : i32 to index
        %swap3A_983 = tpu.vector_load %arg16[%swap3A_981, %swap3A_982] {strides = array<i32>} : memref<16x1024xf32, #tpu.memory_space<vmem>>, vector<16xf32>,
        tpu.vector_store %arg16[%swap3A_981, %swap3A_982], %gather3A_934 {strides = array<i32>} : memref<16x1024xf32, #tpu.memory_space<vmem>>, vector<16xf32>,
        %mul3A_984 = arith.constant 16 : i32
        %mul3A_985 = arith.muli %scan3A_777, %mul3A_984 : i32
        %swap3A_986 = arith.constant 15 : i32
        %swap3A_987 = arith.index_cast %swap3A_986 : i32 to index
        %swap3A_988 = arith.index_cast %mul3A_985 : i32 to index
        %swap3A_989 = tpu.vector_load %arg16[%swap3A_987, %swap3A_988] {strides = array<i32>} : memref<16x1024xf32, #tpu.memory_space<vmem>>, vector<16xf32>,
        tpu.vector_store %arg16[%swap3A_987, %swap3A_988], %gather3A_941 {strides = array<i32>} : memref<16x1024xf32, #tpu.memory_space<vmem>>, vector<16xf32>,
        %scan3A_990 = arith.constant 0 : i32
        scf.yield %scan3A_990 : i32
      }
      %scan3A_353 = arith.constant 64 : i32
      %add3A_354 = arith.constant 2 : i32
      %add3A_355 = arith.addi %add3A_336, %add3A_354 : i32
      %lt3A_356 = arith.constant 16 : i32
      %lt3A_357 = arith.cmpi slt, %add3A_355, %lt3A_356 : i32
      %convert_element_type3A_358 = arith.extui %lt3A_357 : i1 to i32
      %cond3A_359 = arith.constant 0 : i32
      %cond3A_360 = arith.cmpi ne, %convert_element_type3A_358, %cond3A_359 : i32
      scf.if %cond3A_360 {
        %add3A_564 = arith.constant 2 : i32
        %add3A_565 = arith.addi %add3A_336, %add3A_564 : i32
        %mul3A_566 = arith.constant 16 : i32
        %mul3A_567 = arith.muli %add3A_565, %mul3A_566 : i32
        %multiple_of3A_568 = tpu.assume_multiple %mul3A_567, 8 : i32
        %dma_start3A_569 = tpu.memref_slice %arg10[%multiple_of3A_568] : memref<256xi32, #tpu.memory_space<vmem>> -> memref<16xi32, #tpu.memory_space<vmem>>
        %dma_start3A_570 = arith.constant 0 : i32
        %dma_start3A_571 = arith.constant 0 : i32
        %dma_start3A_572 = tpu.memref_slice %arg4[%dma_start3A_570, %dma_start3A_571] : memref<16384x2048xf32, #tpu.memory_space<hbm>> -> memref<16384x2048xf32, #tpu.memory_space<hbm>>
        tpu.enqueue_indirect_dma source(%dma_start3A_572 : memref<16384x2048xf32, #tpu.memory_space<hbm>>) target(%arg14 : memref<16x2048xf32, #tpu.memory_space<vmem>>) offsets(%dma_start3A_569 : memref<16xi32, #tpu.memory_space<vmem>>) semaphore(%arg18 : memref<!tpu.dma_semaphore, #tpu.memory_space<semaphore_mem>>)
      } else {
      }
      %mul3A_361 = arith.constant 16 : i32
      %mul3A_362 = arith.muli %add3A_336, %mul3A_361 : i32
      %add3A_363 = arith.addi %multiple_of3A_51, %mul3A_362 : i32
      %multiple_of3A_364 = tpu.assume_multiple %add3A_363, 8 : i32
      %dma_start3A_365 = arith.constant 0 : i32
      %dma_start3A_366 = tpu.memref_slice %arg6[%multiple_of3A_364, %dma_start3A_365] : memref<8192x1024xf32, #tpu.memory_space<hbm>> -> memref<16x1024xf32, #tpu.memory_space<hbm>>
      %dma_start3A_367 = arith.constant 0 : i32
      %dma_start3A_368 = tpu.memref_slice %arg6[%multiple_of3A_364, %dma_start3A_367] : memref<8192x1024xf32, #tpu.memory_space<hbm>> -> memref<16x1024xf32, #tpu.memory_space<hbm>>
      tpu.enqueue_dma source(%arg16 : memref<16x1024xf32, #tpu.memory_space<vmem>>) target(%dma_start3A_368 : memref<16x1024xf32, #tpu.memory_space<hbm>>) target_semaphore(%arg20 : memref<!tpu.dma_semaphore, #tpu.memory_space<semaphore_mem>>)
      %jit3A_369 = arith.constant 2 : i32
      %div3A_370 = arith.divsi %add3A_336, %jit3A_369 : i32
      %sign3A_371 = arith.constant 0 : i32
      %sign3A_372 = arith.cmpi sgt, %add3A_336, %sign3A_371 : i32
      %sign3A_373 = arith.extui %sign3A_372 : i1 to i32
      %sign3A_374 = arith.constant 0 : i32
      %sign3A_375 = arith.cmpi slt, %add3A_336, %sign3A_374 : i32
      %sign3A_376 = arith.extui %sign3A_375 : i1 to i32
      %sign3A_377 = arith.subi %sign3A_373, %sign3A_376 : i32
      %sign3A_378 = arith.constant 0 : i32
      %sign3A_379 = arith.cmpi sgt, %jit3A_369, %sign3A_378 : i32
      %sign3A_380 = arith.extui %sign3A_379 : i1 to i32
      %sign3A_381 = arith.constant 0 : i32
      %sign3A_382 = arith.cmpi slt, %jit3A_369, %sign3A_381 : i32
      %sign3A_383 = arith.extui %sign3A_382 : i1 to i32
      %sign3A_384 = arith.subi %sign3A_380, %sign3A_383 : i32
      %ne3A_385 = arith.cmpi ne, %sign3A_377, %sign3A_384 : i32
      %rem3A_386 = arith.remsi %add3A_336, %jit3A_369 : i32
      %ne3A_387 = arith.constant 0 : i32
      %ne3A_388 = arith.cmpi ne, %rem3A_386, %ne3A_387 : i32
      %and3A_389 = arith.andi %ne3A_385, %ne3A_388 : i1
      %sub3A_390 = arith.constant 1 : i32
      %sub3A_391 = arith.subi %div3A_370, %sub3A_390 : i32
      %select_n3A_392 = arith.select %and3A_389, %sub3A_391, %div3A_370 : i32
      %jit3A_393 = arith.constant 2 : i32
      %eq3A_394 = arith.constant 0 : i32
      %eq3A_395 = arith.cmpi eq, %jit3A_393, %eq3A_394 : i32
      %jit3A_396 = arith.constant 1 : i32
      %select_n3A_397 = arith.select %eq3A_395, %jit3A_396, %jit3A_393 : i32
      %rem3A_398 = arith.remsi %add3A_336, %select_n3A_397 : i32
      %ne3A_399 = arith.constant 0 : i32
      %ne3A_400 = arith.cmpi ne, %rem3A_398, %ne3A_399 : i32
      %lt3A_401 = arith.constant 0 : i32
      %lt3A_402 = arith.cmpi slt, %rem3A_398, %lt3A_401 : i32
      %lt3A_403 = arith.constant 0 : i32
      %lt3A_404 = arith.cmpi slt, %select_n3A_397, %lt3A_403 : i32
      %ne3A_405 = arith.xori %lt3A_402, %lt3A_404 : i1
      %and3A_406 = arith.andi %ne3A_405, %ne3A_400 : i1
      %add3A_407 = arith.addi %rem3A_398, %select_n3A_397 : i32
      %select_n3A_408 = arith.select %and3A_406, %add3A_407, %rem3A_398 : i32
      %eq3A_409 = arith.constant 0 : i32
      %eq3A_410 = arith.cmpi eq, %select_n3A_408, %eq3A_409 : i32
      %jit3A_411 = arith.constant 2 : i32
      %eq3A_412 = arith.constant 0 : i32
      %eq3A_413 = arith.cmpi eq, %jit3A_411, %eq3A_412 : i32
      %jit3A_414 = arith.constant 1 : i32
      %select_n3A_415 = arith.select %eq3A_413, %jit3A_414, %jit3A_411 : i32
      %rem3A_416 = arith.remsi %select_n3A_392, %select_n3A_415 : i32
      %ne3A_417 = arith.constant 0 : i32
      %ne3A_418 = arith.cmpi ne, %rem3A_416, %ne3A_417 : i32
      %lt3A_419 = arith.constant 0 : i32
      %lt3A_420 = arith.cmpi slt, %rem3A_416, %lt3A_419 : i32
      %lt3A_421 = arith.constant 0 : i32
      %lt3A_422 = arith.cmpi slt, %select_n3A_415, %lt3A_421 : i32
      %ne3A_423 = arith.xori %lt3A_420, %lt3A_422 : i1
      %and3A_424 = arith.andi %ne3A_423, %ne3A_418 : i1
      %add3A_425 = arith.addi %rem3A_416, %select_n3A_415 : i32
      %select_n3A_426 = arith.select %and3A_424, %add3A_425, %rem3A_416 : i32
      %eq3A_427 = arith.constant 0 : i32
      %eq3A_428 = arith.cmpi eq, %select_n3A_426, %eq3A_427 : i32
      %and3A_429 = arith.andi %eq3A_410, %eq3A_428 : i1
      %convert_element_type3A_430 = arith.extui %and3A_429 : i1 to i32
      %cond3A_431 = arith.constant 0 : i32
      %cond3A_432 = arith.cmpi ne, %convert_element_type3A_430, %cond3A_431 : i32
      scf.if %cond3A_432 {
        %dma_wait3A_564 = arith.constant 0 : i32
        %dma_wait3A_565 = tpu.memref_slice %arg10[%dma_wait3A_564] : memref<256xi32, #tpu.memory_space<vmem>> -> memref<32xi32, #tpu.memory_space<vmem>>
        %dma_wait3A_566 = arith.constant 0 : i32
        %dma_wait3A_567 = arith.constant 0 : i32
        %dma_wait3A_568 = tpu.memref_slice %arg3[%dma_wait3A_566, %dma_wait3A_567] : memref<16384x256xf32, #tpu.memory_space<hbm>> -> memref<16384x256xf32, #tpu.memory_space<hbm>>
        tpu.wait_indirect_dma semaphore(%arg21 : memref<!tpu.dma_semaphore, #tpu.memory_space<semaphore_mem>>) src(%dma_wait3A_568 : memref<16384x256xf32, #tpu.memory_space<hbm>>) dst(%arg11 : memref<32x256xf32, #tpu.memory_space<vmem>>)
        %mul3A_569 = arith.constant 32 : i32
        %mul3A_570 = arith.muli %select_n3A_392, %mul3A_569 : i32
        %add3A_571 = arith.addi %multiple_of3A_51, %mul3A_570 : i32
        %multiple_of3A_572 = tpu.assume_multiple %add3A_571, 8 : i32
        %dma_start3A_573 = arith.constant 0 : i32
        %dma_start3A_574 = tpu.memref_slice %arg5[%multiple_of3A_572, %dma_start3A_573] : memref<8192x256xf32, #tpu.memory_space<hbm>> -> memref<32x256xf32, #tpu.memory_space<hbm>>
        %dma_start3A_575 = arith.constant 0 : i32
        %dma_start3A_576 = tpu.memref_slice %arg5[%multiple_of3A_572, %dma_start3A_575] : memref<8192x256xf32, #tpu.memory_space<hbm>> -> memref<32x256xf32, #tpu.memory_space<hbm>>
        tpu.enqueue_dma source(%arg11 : memref<32x256xf32, #tpu.memory_space<vmem>>) target(%dma_start3A_576 : memref<32x256xf32, #tpu.memory_space<hbm>>) target_semaphore(%arg22 : memref<!tpu.dma_semaphore, #tpu.memory_space<semaphore_mem>>)
      } else {
      }
      %jit3A_433 = arith.constant 2 : i32
      %eq3A_434 = arith.constant 0 : i32
      %eq3A_435 = arith.cmpi eq, %jit3A_433, %eq3A_434 : i32
      %jit3A_436 = arith.constant 1 : i32
      %select_n3A_437 = arith.select %eq3A_435, %jit3A_436, %jit3A_433 : i32
      %rem3A_438 = arith.remsi %add3A_336, %select_n3A_437 : i32
      %ne3A_439 = arith.constant 0 : i32
      %ne3A_440 = arith.cmpi ne, %rem3A_438, %ne3A_439 : i32
      %lt3A_441 = arith.constant 0 : i32
      %lt3A_442 = arith.cmpi slt, %rem3A_438, %lt3A_441 : i32
      %lt3A_443 = arith.constant 0 : i32
      %lt3A_444 = arith.cmpi slt, %select_n3A_437, %lt3A_443 : i32
      %ne3A_445 = arith.xori %lt3A_442, %lt3A_444 : i1
      %and3A_446 = arith.andi %ne3A_445, %ne3A_440 : i1
      %add3A_447 = arith.addi %rem3A_438, %select_n3A_437 : i32
      %select_n3A_448 = arith.select %and3A_446, %add3A_447, %rem3A_438 : i32
      %eq3A_449 = arith.constant 1 : i32
      %eq3A_450 = arith.cmpi eq, %select_n3A_448, %eq3A_449 : i32
      %lt3A_451 = arith.constant 15 : i32
      %lt3A_452 = arith.cmpi slt, %add3A_336, %lt3A_451 : i32
      %and3A_453 = arith.andi %eq3A_450, %lt3A_452 : i1
      %add3A_454 = arith.constant 1 : i32
      %add3A_455 = arith.addi %select_n3A_392, %add3A_454 : i32
      %jit3A_456 = arith.constant 2 : i32
      %eq3A_457 = arith.constant 0 : i32
      %eq3A_458 = arith.cmpi eq, %jit3A_456, %eq3A_457 : i32
      %jit3A_459 = arith.constant 1 : i32
      %select_n3A_460 = arith.select %eq3A_458, %jit3A_459, %jit3A_456 : i32
      %rem3A_461 = arith.remsi %add3A_455, %select_n3A_460 : i32
      %ne3A_462 = arith.constant 0 : i32
      %ne3A_463 = arith.cmpi ne, %rem3A_461, %ne3A_462 : i32
      %lt3A_464 = arith.constant 0 : i32
      %lt3A_465 = arith.cmpi slt, %rem3A_461, %lt3A_464 : i32
      %lt3A_466 = arith.constant 0 : i32
      %lt3A_467 = arith.cmpi slt, %select_n3A_460, %lt3A_466 : i32
      %ne3A_468 = arith.xori %lt3A_465, %lt3A_467 : i1
      %and3A_469 = arith.andi %ne3A_468, %ne3A_463 : i1
      %add3A_470 = arith.addi %rem3A_461, %select_n3A_460 : i32
      %select_n3A_471 = arith.select %and3A_469, %add3A_470, %rem3A_461 : i32
      %eq3A_472 = arith.constant 0 : i32
      %eq3A_473 = arith.cmpi eq, %select_n3A_471, %eq3A_472 : i32
      %and3A_474 = arith.andi %and3A_453, %eq3A_473 : i1
      %convert_element_type3A_475 = arith.extui %and3A_474 : i1 to i32
      %cond3A_476 = arith.constant 0 : i32
      %cond3A_477 = arith.cmpi ne, %convert_element_type3A_475, %cond3A_476 : i32
      scf.if %cond3A_477 {
        %ge3A_564 = arith.constant 1 : i32
        %ge3A_565 = arith.cmpi sge, %select_n3A_392, %ge3A_564 : i32
        %convert_element_type3A_566 = arith.extui %ge3A_565 : i1 to i32
        %cond3A_567 = arith.constant 0 : i32
        %cond3A_568 = arith.cmpi ne, %convert_element_type3A_566, %cond3A_567 : i32
        scf.if %cond3A_568 {
          %dma_wait3A_578 = arith.constant 0 : i32
          %dma_wait3A_579 = arith.constant 0 : i32
          %dma_wait3A_580 = tpu.memref_slice %arg5[%dma_wait3A_578, %dma_wait3A_579] : memref<8192x256xf32, #tpu.memory_space<hbm>> -> memref<32x256xf32, #tpu.memory_space<hbm>>
          %dma_wait3A_581 = arith.constant 0 : i32
          %dma_wait3A_582 = arith.constant 0 : i32
          %dma_wait3A_583 = tpu.memref_slice %arg5[%dma_wait3A_581, %dma_wait3A_582] : memref<8192x256xf32, #tpu.memory_space<hbm>> -> memref<32x256xf32, #tpu.memory_space<hbm>>
          tpu.wait_dma2 semaphore(%arg22 : memref<!tpu.dma_semaphore, #tpu.memory_space<semaphore_mem>>) src(%arg11 : memref<32x256xf32, #tpu.memory_space<vmem>>) dst(%dma_wait3A_583 : memref<32x256xf32, #tpu.memory_space<hbm>>)
        } else {
        }
        %add3A_569 = arith.constant 1 : i32
        %add3A_570 = arith.addi %select_n3A_392, %add3A_569 : i32
        %mul3A_571 = arith.constant 32 : i32
        %mul3A_572 = arith.muli %add3A_570, %mul3A_571 : i32
        %multiple_of3A_573 = tpu.assume_multiple %mul3A_572, 8 : i32
        %dma_start3A_574 = tpu.memref_slice %arg10[%multiple_of3A_573] : memref<256xi32, #tpu.memory_space<vmem>> -> memref<32xi32, #tpu.memory_space<vmem>>
        %dma_start3A_575 = arith.constant 0 : i32
        %dma_start3A_576 = arith.constant 0 : i32
        %dma_start3A_577 = tpu.memref_slice %arg3[%dma_start3A_575, %dma_start3A_576] : memref<16384x256xf32, #tpu.memory_space<hbm>> -> memref<16384x256xf32, #tpu.memory_space<hbm>>
        tpu.enqueue_indirect_dma source(%dma_start3A_577 : memref<16384x256xf32, #tpu.memory_space<hbm>>) target(%arg11 : memref<32x256xf32, #tpu.memory_space<vmem>>) offsets(%dma_start3A_574 : memref<32xi32, #tpu.memory_space<vmem>>) semaphore(%arg21 : memref<!tpu.dma_semaphore, #tpu.memory_space<semaphore_mem>>)
      } else {
      }
      %jit3A_478 = arith.constant 2 : i32
      %eq3A_479 = arith.constant 0 : i32
      %eq3A_480 = arith.cmpi eq, %jit3A_478, %eq3A_479 : i32
      %jit3A_481 = arith.constant 1 : i32
      %select_n3A_482 = arith.select %eq3A_480, %jit3A_481, %jit3A_478 : i32
      %rem3A_483 = arith.remsi %add3A_336, %select_n3A_482 : i32
      %ne3A_484 = arith.constant 0 : i32
      %ne3A_485 = arith.cmpi ne, %rem3A_483, %ne3A_484 : i32
      %lt3A_486 = arith.constant 0 : i32
      %lt3A_487 = arith.cmpi slt, %rem3A_483, %lt3A_486 : i32
      %lt3A_488 = arith.constant 0 : i32
      %lt3A_489 = arith.cmpi slt, %select_n3A_482, %lt3A_488 : i32
      %ne3A_490 = arith.xori %lt3A_487, %lt3A_489 : i1
      %and3A_491 = arith.andi %ne3A_490, %ne3A_485 : i1
      %add3A_492 = arith.addi %rem3A_483, %select_n3A_482 : i32
      %select_n3A_493 = arith.select %and3A_491, %add3A_492, %rem3A_483 : i32
      %eq3A_494 = arith.constant 0 : i32
      %eq3A_495 = arith.cmpi eq, %select_n3A_493, %eq3A_494 : i32
      %jit3A_496 = arith.constant 2 : i32
      %eq3A_497 = arith.constant 0 : i32
      %eq3A_498 = arith.cmpi eq, %jit3A_496, %eq3A_497 : i32
      %jit3A_499 = arith.constant 1 : i32
      %select_n3A_500 = arith.select %eq3A_498, %jit3A_499, %jit3A_496 : i32
      %rem3A_501 = arith.remsi %select_n3A_392, %select_n3A_500 : i32
      %ne3A_502 = arith.constant 0 : i32
      %ne3A_503 = arith.cmpi ne, %rem3A_501, %ne3A_502 : i32
      %lt3A_504 = arith.constant 0 : i32
      %lt3A_505 = arith.cmpi slt, %rem3A_501, %lt3A_504 : i32
      %lt3A_506 = arith.constant 0 : i32
      %lt3A_507 = arith.cmpi slt, %select_n3A_500, %lt3A_506 : i32
      %ne3A_508 = arith.xori %lt3A_505, %lt3A_507 : i1
      %and3A_509 = arith.andi %ne3A_508, %ne3A_503 : i1
      %add3A_510 = arith.addi %rem3A_501, %select_n3A_500 : i32
      %select_n3A_511 = arith.select %and3A_509, %add3A_510, %rem3A_501 : i32
      %eq3A_512 = arith.constant 1 : i32
      %eq3A_513 = arith.cmpi eq, %select_n3A_511, %eq3A_512 : i32
      %and3A_514 = arith.andi %eq3A_495, %eq3A_513 : i1
      %convert_element_type3A_515 = arith.extui %and3A_514 : i1 to i32
      %cond3A_516 = arith.constant 0 : i32
      %cond3A_517 = arith.cmpi ne, %convert_element_type3A_515, %cond3A_516 : i32
      scf.if %cond3A_517 {
        %dma_wait3A_564 = arith.constant 0 : i32
        %dma_wait3A_565 = tpu.memref_slice %arg10[%dma_wait3A_564] : memref<256xi32, #tpu.memory_space<vmem>> -> memref<32xi32, #tpu.memory_space<vmem>>
        %dma_wait3A_566 = arith.constant 0 : i32
        %dma_wait3A_567 = arith.constant 0 : i32
        %dma_wait3A_568 = tpu.memref_slice %arg3[%dma_wait3A_566, %dma_wait3A_567] : memref<16384x256xf32, #tpu.memory_space<hbm>> -> memref<16384x256xf32, #tpu.memory_space<hbm>>
        tpu.wait_indirect_dma semaphore(%arg21 : memref<!tpu.dma_semaphore, #tpu.memory_space<semaphore_mem>>) src(%dma_wait3A_568 : memref<16384x256xf32, #tpu.memory_space<hbm>>) dst(%arg12 : memref<32x256xf32, #tpu.memory_space<vmem>>)
        %mul3A_569 = arith.constant 32 : i32
        %mul3A_570 = arith.muli %select_n3A_392, %mul3A_569 : i32
        %add3A_571 = arith.addi %multiple_of3A_51, %mul3A_570 : i32
        %multiple_of3A_572 = tpu.assume_multiple %add3A_571, 8 : i32
        %dma_start3A_573 = arith.constant 0 : i32
        %dma_start3A_574 = tpu.memref_slice %arg5[%multiple_of3A_572, %dma_start3A_573] : memref<8192x256xf32, #tpu.memory_space<hbm>> -> memref<32x256xf32, #tpu.memory_space<hbm>>
        %dma_start3A_575 = arith.constant 0 : i32
        %dma_start3A_576 = tpu.memref_slice %arg5[%multiple_of3A_572, %dma_start3A_575] : memref<8192x256xf32, #tpu.memory_space<hbm>> -> memref<32x256xf32, #tpu.memory_space<hbm>>
        tpu.enqueue_dma source(%arg12 : memref<32x256xf32, #tpu.memory_space<vmem>>) target(%dma_start3A_576 : memref<32x256xf32, #tpu.memory_space<hbm>>) target_semaphore(%arg23 : memref<!tpu.dma_semaphore, #tpu.memory_space<semaphore_mem>>)
      } else {
      }
      %jit3A_518 = arith.constant 2 : i32
      %eq3A_519 = arith.constant 0 : i32
      %eq3A_520 = arith.cmpi eq, %jit3A_518, %eq3A_519 : i32
      %jit3A_521 = arith.constant 1 : i32
      %select_n3A_522 = arith.select %eq3A_520, %jit3A_521, %jit3A_518 : i32
      %rem3A_523 = arith.remsi %add3A_336, %select_n3A_522 : i32
      %ne3A_524 = arith.constant 0 : i32
      %ne3A_525 = arith.cmpi ne, %rem3A_523, %ne3A_524 : i32
      %lt3A_526 = arith.constant 0 : i32
      %lt3A_527 = arith.cmpi slt, %rem3A_523, %lt3A_526 : i32
      %lt3A_528 = arith.constant 0 : i32
      %lt3A_529 = arith.cmpi slt, %select_n3A_522, %lt3A_528 : i32
      %ne3A_530 = arith.xori %lt3A_527, %lt3A_529 : i1
      %and3A_531 = arith.andi %ne3A_530, %ne3A_525 : i1
      %add3A_532 = arith.addi %rem3A_523, %select_n3A_522 : i32
      %select_n3A_533 = arith.select %and3A_531, %add3A_532, %rem3A_523 : i32
      %eq3A_534 = arith.constant 1 : i32
      %eq3A_535 = arith.cmpi eq, %select_n3A_533, %eq3A_534 : i32
      %lt3A_536 = arith.constant 15 : i32
      %lt3A_537 = arith.cmpi slt, %add3A_336, %lt3A_536 : i32
      %and3A_538 = arith.andi %eq3A_535, %lt3A_537 : i1
      %add3A_539 = arith.constant 1 : i32
      %add3A_540 = arith.addi %select_n3A_392, %add3A_539 : i32
      %jit3A_541 = arith.constant 2 : i32
      %eq3A_542 = arith.constant 0 : i32
      %eq3A_543 = arith.cmpi eq, %jit3A_541, %eq3A_542 : i32
      %jit3A_544 = arith.constant 1 : i32
      %select_n3A_545 = arith.select %eq3A_543, %jit3A_544, %jit3A_541 : i32
      %rem3A_546 = arith.remsi %add3A_540, %select_n3A_545 : i32
      %ne3A_547 = arith.constant 0 : i32
      %ne3A_548 = arith.cmpi ne, %rem3A_546, %ne3A_547 : i32
      %lt3A_549 = arith.constant 0 : i32
      %lt3A_550 = arith.cmpi slt, %rem3A_546, %lt3A_549 : i32
      %lt3A_551 = arith.constant 0 : i32
      %lt3A_552 = arith.cmpi slt, %select_n3A_545, %lt3A_551 : i32
      %ne3A_553 = arith.xori %lt3A_550, %lt3A_552 : i1
      %and3A_554 = arith.andi %ne3A_553, %ne3A_548 : i1
      %add3A_555 = arith.addi %rem3A_546, %select_n3A_545 : i32
      %select_n3A_556 = arith.select %and3A_554, %add3A_555, %rem3A_546 : i32
      %eq3A_557 = arith.constant 1 : i32
      %eq3A_558 = arith.cmpi eq, %select_n3A_556, %eq3A_557 : i32
      %and3A_559 = arith.andi %and3A_538, %eq3A_558 : i1
      %convert_element_type3A_560 = arith.extui %and3A_559 : i1 to i32
      %cond3A_561 = arith.constant 0 : i32
      %cond3A_562 = arith.cmpi ne, %convert_element_type3A_560, %cond3A_561 : i32
      scf.if %cond3A_562 {
        %ge3A_564 = arith.constant 1 : i32
        %ge3A_565 = arith.cmpi sge, %select_n3A_392, %ge3A_564 : i32
        %convert_element_type3A_566 = arith.extui %ge3A_565 : i1 to i32
        %cond3A_567 = arith.constant 0 : i32
        %cond3A_568 = arith.cmpi ne, %convert_element_type3A_566, %cond3A_567 : i32
        scf.if %cond3A_568 {
          %dma_wait3A_578 = arith.constant 0 : i32
          %dma_wait3A_579 = arith.constant 0 : i32
          %dma_wait3A_580 = tpu.memref_slice %arg5[%dma_wait3A_578, %dma_wait3A_579] : memref<8192x256xf32, #tpu.memory_space<hbm>> -> memref<32x256xf32, #tpu.memory_space<hbm>>
          %dma_wait3A_581 = arith.constant 0 : i32
          %dma_wait3A_582 = arith.constant 0 : i32
          %dma_wait3A_583 = tpu.memref_slice %arg5[%dma_wait3A_581, %dma_wait3A_582] : memref<8192x256xf32, #tpu.memory_space<hbm>> -> memref<32x256xf32, #tpu.memory_space<hbm>>
          tpu.wait_dma2 semaphore(%arg23 : memref<!tpu.dma_semaphore, #tpu.memory_space<semaphore_mem>>) src(%arg12 : memref<32x256xf32, #tpu.memory_space<vmem>>) dst(%dma_wait3A_583 : memref<32x256xf32, #tpu.memory_space<hbm>>)
        } else {
        }
        %add3A_569 = arith.constant 1 : i32
        %add3A_570 = arith.addi %select_n3A_392, %add3A_569 : i32
        %mul3A_571 = arith.constant 32 : i32
        %mul3A_572 = arith.muli %add3A_570, %mul3A_571 : i32
        %multiple_of3A_573 = tpu.assume_multiple %mul3A_572, 8 : i32
        %dma_start3A_574 = tpu.memref_slice %arg10[%multiple_of3A_573] : memref<256xi32, #tpu.memory_space<vmem>> -> memref<32xi32, #tpu.memory_space<vmem>>
        %dma_start3A_575 = arith.constant 0 : i32
        %dma_start3A_576 = arith.constant 0 : i32
        %dma_start3A_577 = tpu.memref_slice %arg3[%dma_start3A_575, %dma_start3A_576] : memref<16384x256xf32, #tpu.memory_space<hbm>> -> memref<16384x256xf32, #tpu.memory_space<hbm>>
        tpu.enqueue_indirect_dma source(%dma_start3A_577 : memref<16384x256xf32, #tpu.memory_space<hbm>>) target(%arg12 : memref<32x256xf32, #tpu.memory_space<vmem>>) offsets(%dma_start3A_574 : memref<32xi32, #tpu.memory_space<vmem>>) semaphore(%arg21 : memref<!tpu.dma_semaphore, #tpu.memory_space<semaphore_mem>>)
      } else {
      }
      %scan3A_563 = arith.constant 0 : i32
      scf.yield %scan3A_563 : i32
    }
    %scan3A_78 = arith.constant 8 : i32
    %dma_wait3A = arith.constant 0 : i32
    %dma_wait3A_79 = arith.constant 0 : i32
    %dma_wait3A_80 = tpu.memref_slice %arg6[%dma_wait3A, %dma_wait3A_79] : memref<8192x1024xf32, #tpu.memory_space<hbm>> -> memref<16x1024xf32, #tpu.memory_space<hbm>>
    %dma_wait3A_81 = arith.constant 0 : i32
    %dma_wait3A_82 = arith.constant 0 : i32
    %dma_wait3A_83 = tpu.memref_slice %arg6[%dma_wait3A_81, %dma_wait3A_82] : memref<8192x1024xf32, #tpu.memory_space<hbm>> -> memref<16x1024xf32, #tpu.memory_space<hbm>>
    tpu.wait_dma2 semaphore(%arg19 : memref<!tpu.dma_semaphore, #tpu.memory_space<semaphore_mem>>) src(%arg15 : memref<16x1024xf32, #tpu.memory_space<vmem>>) dst(%dma_wait3A_83 : memref<16x1024xf32, #tpu.memory_space<hbm>>)
    %dma_wait3A_84 = arith.constant 0 : i32
    %dma_wait3A_85 = arith.constant 0 : i32
    %dma_wait3A_86 = tpu.memref_slice %arg6[%dma_wait3A_84, %dma_wait3A_85] : memref<8192x1024xf32, #tpu.memory_space<hbm>> -> memref<16x1024xf32, #tpu.memory_space<hbm>>
    %dma_wait3A_87 = arith.constant 0 : i32
    %dma_wait3A_88 = arith.constant 0 : i32
    %dma_wait3A_89 = tpu.memref_slice %arg6[%dma_wait3A_87, %dma_wait3A_88] : memref<8192x1024xf32, #tpu.memory_space<hbm>> -> memref<16x1024xf32, #tpu.memory_space<hbm>>
    tpu.wait_dma2 semaphore(%arg20 : memref<!tpu.dma_semaphore, #tpu.memory_space<semaphore_mem>>) src(%arg16 : memref<16x1024xf32, #tpu.memory_space<vmem>>) dst(%dma_wait3A_89 : memref<16x1024xf32, #tpu.memory_space<hbm>>)
    %dma_wait3A_90 = arith.constant 0 : i32
    %dma_wait3A_91 = arith.constant 0 : i32
    %dma_wait3A_92 = tpu.memref_slice %arg5[%dma_wait3A_90, %dma_wait3A_91] : memref<8192x256xf32, #tpu.memory_space<hbm>> -> memref<32x256xf32, #tpu.memory_space<hbm>>
    %dma_wait3A_93 = arith.constant 0 : i32
    %dma_wait3A_94 = arith.constant 0 : i32
    %dma_wait3A_95 = tpu.memref_slice %arg5[%dma_wait3A_93, %dma_wait3A_94] : memref<8192x256xf32, #tpu.memory_space<hbm>> -> memref<32x256xf32, #tpu.memory_space<hbm>>
    tpu.wait_dma2 semaphore(%arg22 : memref<!tpu.dma_semaphore, #tpu.memory_space<semaphore_mem>>) src(%arg11 : memref<32x256xf32, #tpu.memory_space<vmem>>) dst(%dma_wait3A_95 : memref<32x256xf32, #tpu.memory_space<hbm>>)
    %dma_wait3A_96 = arith.constant 0 : i32
    %dma_wait3A_97 = arith.constant 0 : i32
    %dma_wait3A_98 = tpu.memref_slice %arg5[%dma_wait3A_96, %dma_wait3A_97] : memref<8192x256xf32, #tpu.memory_space<hbm>> -> memref<32x256xf32, #tpu.memory_space<hbm>>
    %dma_wait3A_99 = arith.constant 0 : i32
    %dma_wait3A_100 = arith.constant 0 : i32
    %dma_wait3A_101 = tpu.memref_slice %arg5[%dma_wait3A_99, %dma_wait3A_100] : memref<8192x256xf32, #tpu.memory_space<hbm>> -> memref<32x256xf32, #tpu.memory_space<hbm>>
    tpu.wait_dma2 semaphore(%arg23 : memref<!tpu.dma_semaphore, #tpu.memory_space<semaphore_mem>>) src(%arg12 : memref<32x256xf32, #tpu.memory_space<vmem>>) dst(%dma_wait3A_101 : memref<32x256xf32, #tpu.memory_space<hbm>>)
    return
  }
}

module attributes {stable_mosaic.version = 14 : i64} {
  func.func @_rank_body(%arg0: i32, %arg1: memref<1x2048x256xf32, #tpu.memory_space<vmem>>, %arg2: memref<256x1xf32, #tpu.memory_space<vmem>>, %arg3: memref<1x1xf32, #tpu.memory_space<vmem>>, %arg4: memref<1x1x2048xi32, #tpu.memory_space<vmem>>) attributes {dimension_semantics = [#tpu.dimension_semantics<arbitrary>], iteration_bounds = array<i64: 8>, scalar_prefetch = 0 : i64, scratch_operands = 0 : i64, tpu.core_type = #tpu.core_type<tc>, window_params = [{transform_indices = @transform_0, window_bounds = array<i64: 1, 2048, 256>}, {pipeline_mode = #tpu.pipeline_mode<synchronous>, transform_indices = @transform_1, window_bounds = array<i64: 256, 1>}, {pipeline_mode = #tpu.pipeline_mode<synchronous>, transform_indices = @transform_2, window_bounds = array<i64: 1, 1>}, {transform_indices = @transform_3, window_bounds = array<i64: 1, 1, 2048>}]} {
    %get3A = arith.constant 0 : index
    %get3A_0 = arith.constant 0 : index
    %get3A_1 = arith.constant 0 : index
    %get3A_2 = vector.load %arg1[%get3A, %get3A_0, %get3A_1] : memref<1x2048x256xf32, #tpu.memory_space<vmem>>, vector<1x2048x256xf32>
    %get3A_3 = vector.shape_cast %get3A_2 : vector<1x2048x256xf32> to vector<2048x256xf32>
    %get3A_4 = arith.constant 0 : index
    %get3A_5 = arith.constant 0 : index
    %get3A_6 = vector.load %arg2[%get3A_4, %get3A_5] : memref<256x1xf32, #tpu.memory_space<vmem>>, vector<256x1xf32>
    %dot_general3A = arith.constant dense<0.000000e+00> : vector<2048x1xf32>
    %dot_general3A_7 = tpu.matmul %get3A_3, %get3A_6, %dot_general3A {dimension_numbers = #tpu.dot_dimension_numbers<[1], [0], [0], [1], [0, 0, 1, 1], [], []>, transpose_lhs_hint = false} : vector<2048x256xf32>, vector<256x1xf32>, vector<2048x1xf32> -> vector<2048x1xf32>
    %get3A_8 = arith.constant 0 : index
    %get3A_9 = arith.constant 0 : index
    %get3A_10 = vector.load %arg3[%get3A_8, %get3A_9] : memref<1x1xf32, #tpu.memory_space<vmem>>, vector<1x1xf32>
    %get3A_11 = vector.extract %get3A_10[0, 0] : f32 from vector<1x1xf32>
    %add3A = vector.broadcast %get3A_11 : f32 to vector<2048x1xf32>
    %add3A_12 = arith.addf %dot_general3A_7, %add3A : vector<2048x1xf32>
    %bitcast_convert_type3A = tpu.bitcast %add3A_12 : vector<2048x1xf32> -> vector<2048x1xi32>
    %ge3A = arith.constant 0 : i32
    %ge3A_13 = vector.broadcast %ge3A : i32 to vector<2048x1xi32>
    %ge3A_14 = arith.cmpi sge, %bitcast_convert_type3A, %ge3A_13 : vector<2048x1xi32>
    %xor3A = arith.constant 2147483647 : i32
    %xor3A_15 = vector.broadcast %xor3A : i32 to vector<2048x1xi32>
    %xor3A_16 = arith.xori %bitcast_convert_type3A, %xor3A_15 : vector<2048x1xi32>
    %select_n3A = arith.select %ge3A_14, %bitcast_convert_type3A, %xor3A_16 : vector<2048x1xi1>, vector<2048x1xi32>
    %transpose3A = tpu.transpose %select_n3A, [1, 0] : vector<2048x1xi32> -> vector<1x2048xi32>
    %broadcast_in_dim3A = vector.shape_cast %select_n3A : vector<2048x1xi32> to vector<2048x1xi32>
    %broadcast_in_dim3A_17 = vector.broadcast %broadcast_in_dim3A : vector<2048x1xi32> to vector<2048x128xi32>
    %add3A_18 = arith.constant 1 : i32
    %add3A_19 = vector.broadcast %add3A_18 : i32 to vector<2048x128xi32>
    %add3A_20 = arith.addi %broadcast_in_dim3A_17, %add3A_19 : vector<2048x128xi32>
    %iota3A = tpu.iota {dimensions = array<i32: 1>} : vector<128x128xi32>
    %iota3A_21 = tpu.iota {dimensions = array<i32: 0>} : vector<128x128xi32>
    %lt3A = arith.cmpi slt, %iota3A, %iota3A_21 : vector<128x128xi32>
    %broadcast_in_dim3A_22 = arith.constant 0 : i32
    %broadcast_in_dim3A_23 = vector.broadcast %broadcast_in_dim3A_22 : i32 to vector<2048x128xi32>
    %slice3A = vector.extract_strided_slice %transpose3A {offsets = [0, 0], sizes = [1, 128], strides = [1, 1]} : vector<1x2048xi32> to vector<1x128xi32>
    %slice3A_24 = vector.extract_strided_slice %broadcast_in_dim3A_17 {offsets = [0, 0], sizes = [128, 128], strides = [1, 1]} : vector<2048x128xi32> to vector<128x128xi32>
    %slice3A_25 = vector.extract_strided_slice %add3A_20 {offsets = [0, 0], sizes = [128, 128], strides = [1, 1]} : vector<2048x128xi32> to vector<128x128xi32>
    %select_n3A_26 = arith.select %lt3A, %slice3A_24, %slice3A_25 : vector<128x128xi1>, vector<128x128xi32>
    %slice3A_27 = vector.extract_strided_slice %broadcast_in_dim3A_17 {offsets = [128, 0], sizes = [1920, 128], strides = [1, 1]} : vector<2048x128xi32> to vector<1920x128xi32>
    %concatenate3A = tpu.concatenate %select_n3A_26, %slice3A_27 in 0 : vector<128x128xi32>, vector<1920x128xi32> -> vector<2048x128xi32>
    %ge3A_28 = vector.broadcast %slice3A : vector<1x128xi32> to vector<2048x128xi32>
    %ge3A_29 = arith.cmpi sge, %ge3A_28, %concatenate3A : vector<2048x128xi32>
    %convert_element_type3A = arith.extui %ge3A_29 : vector<2048x128xi1> to vector<2048x128xi32>
    %add3A_30 = arith.addi %broadcast_in_dim3A_23, %convert_element_type3A : vector<2048x128xi32>
    %slice3A_31 = vector.extract_strided_slice %transpose3A {offsets = [0, 128], sizes = [1, 128], strides = [1, 1]} : vector<1x2048xi32> to vector<1x128xi32>
    %slice3A_32 = vector.extract_strided_slice %broadcast_in_dim3A_17 {offsets = [128, 0], sizes = [128, 128], strides = [1, 1]} : vector<2048x128xi32> to vector<128x128xi32>
    %slice3A_33 = vector.extract_strided_slice %add3A_20 {offsets = [128, 0], sizes = [128, 128], strides = [1, 1]} : vector<2048x128xi32> to vector<128x128xi32>
    %select_n3A_34 = arith.select %lt3A, %slice3A_32, %slice3A_33 : vector<128x128xi1>, vector<128x128xi32>
    %slice3A_35 = vector.extract_strided_slice %add3A_20 {offsets = [0, 0], sizes = [128, 128], strides = [1, 1]} : vector<2048x128xi32> to vector<128x128xi32>
    %slice3A_36 = vector.extract_strided_slice %broadcast_in_dim3A_17 {offsets = [256, 0], sizes = [1792, 128], strides = [1, 1]} : vector<2048x128xi32> to vector<1792x128xi32>
    %concatenate3A_37 = tpu.concatenate %slice3A_35, %select_n3A_34, %slice3A_36 in 0 : vector<128x128xi32>, vector<128x128xi32>, vector<1792x128xi32> -> vector<2048x128xi32>
    %ge3A_38 = vector.broadcast %slice3A_31 : vector<1x128xi32> to vector<2048x128xi32>
    %ge3A_39 = arith.cmpi sge, %ge3A_38, %concatenate3A_37 : vector<2048x128xi32>
    %convert_element_type3A_40 = arith.extui %ge3A_39 : vector<2048x128xi1> to vector<2048x128xi32>
    %add3A_41 = arith.addi %add3A_30, %convert_element_type3A_40 : vector<2048x128xi32>
    %slice3A_42 = vector.extract_strided_slice %transpose3A {offsets = [0, 256], sizes = [1, 128], strides = [1, 1]} : vector<1x2048xi32> to vector<1x128xi32>
    %slice3A_43 = vector.extract_strided_slice %broadcast_in_dim3A_17 {offsets = [256, 0], sizes = [128, 128], strides = [1, 1]} : vector<2048x128xi32> to vector<128x128xi32>
    %slice3A_44 = vector.extract_strided_slice %add3A_20 {offsets = [256, 0], sizes = [128, 128], strides = [1, 1]} : vector<2048x128xi32> to vector<128x128xi32>
    %select_n3A_45 = arith.select %lt3A, %slice3A_43, %slice3A_44 : vector<128x128xi1>, vector<128x128xi32>
    %slice3A_46 = vector.extract_strided_slice %add3A_20 {offsets = [0, 0], sizes = [256, 128], strides = [1, 1]} : vector<2048x128xi32> to vector<256x128xi32>
    %slice3A_47 = vector.extract_strided_slice %broadcast_in_dim3A_17 {offsets = [384, 0], sizes = [1664, 128], strides = [1, 1]} : vector<2048x128xi32> to vector<1664x128xi32>
    %concatenate3A_48 = tpu.concatenate %slice3A_46, %select_n3A_45, %slice3A_47 in 0 : vector<256x128xi32>, vector<128x128xi32>, vector<1664x128xi32> -> vector<2048x128xi32>
    %ge3A_49 = vector.broadcast %slice3A_42 : vector<1x128xi32> to vector<2048x128xi32>
    %ge3A_50 = arith.cmpi sge, %ge3A_49, %concatenate3A_48 : vector<2048x128xi32>
    %convert_element_type3A_51 = arith.extui %ge3A_50 : vector<2048x128xi1> to vector<2048x128xi32>
    %add3A_52 = arith.addi %add3A_41, %convert_element_type3A_51 : vector<2048x128xi32>
    %slice3A_53 = vector.extract_strided_slice %transpose3A {offsets = [0, 384], sizes = [1, 128], strides = [1, 1]} : vector<1x2048xi32> to vector<1x128xi32>
    %slice3A_54 = vector.extract_strided_slice %broadcast_in_dim3A_17 {offsets = [384, 0], sizes = [128, 128], strides = [1, 1]} : vector<2048x128xi32> to vector<128x128xi32>
    %slice3A_55 = vector.extract_strided_slice %add3A_20 {offsets = [384, 0], sizes = [128, 128], strides = [1, 1]} : vector<2048x128xi32> to vector<128x128xi32>
    %select_n3A_56 = arith.select %lt3A, %slice3A_54, %slice3A_55 : vector<128x128xi1>, vector<128x128xi32>
    %slice3A_57 = vector.extract_strided_slice %add3A_20 {offsets = [0, 0], sizes = [384, 128], strides = [1, 1]} : vector<2048x128xi32> to vector<384x128xi32>
    %slice3A_58 = vector.extract_strided_slice %broadcast_in_dim3A_17 {offsets = [512, 0], sizes = [1536, 128], strides = [1, 1]} : vector<2048x128xi32> to vector<1536x128xi32>
    %concatenate3A_59 = tpu.concatenate %slice3A_57, %select_n3A_56, %slice3A_58 in 0 : vector<384x128xi32>, vector<128x128xi32>, vector<1536x128xi32> -> vector<2048x128xi32>
    %ge3A_60 = vector.broadcast %slice3A_53 : vector<1x128xi32> to vector<2048x128xi32>
    %ge3A_61 = arith.cmpi sge, %ge3A_60, %concatenate3A_59 : vector<2048x128xi32>
    %convert_element_type3A_62 = arith.extui %ge3A_61 : vector<2048x128xi1> to vector<2048x128xi32>
    %add3A_63 = arith.addi %add3A_52, %convert_element_type3A_62 : vector<2048x128xi32>
    %slice3A_64 = vector.extract_strided_slice %transpose3A {offsets = [0, 512], sizes = [1, 128], strides = [1, 1]} : vector<1x2048xi32> to vector<1x128xi32>
    %slice3A_65 = vector.extract_strided_slice %broadcast_in_dim3A_17 {offsets = [512, 0], sizes = [128, 128], strides = [1, 1]} : vector<2048x128xi32> to vector<128x128xi32>
    %slice3A_66 = vector.extract_strided_slice %add3A_20 {offsets = [512, 0], sizes = [128, 128], strides = [1, 1]} : vector<2048x128xi32> to vector<128x128xi32>
    %select_n3A_67 = arith.select %lt3A, %slice3A_65, %slice3A_66 : vector<128x128xi1>, vector<128x128xi32>
    %slice3A_68 = vector.extract_strided_slice %add3A_20 {offsets = [0, 0], sizes = [512, 128], strides = [1, 1]} : vector<2048x128xi32> to vector<512x128xi32>
    %slice3A_69 = vector.extract_strided_slice %broadcast_in_dim3A_17 {offsets = [640, 0], sizes = [1408, 128], strides = [1, 1]} : vector<2048x128xi32> to vector<1408x128xi32>
    %concatenate3A_70 = tpu.concatenate %slice3A_68, %select_n3A_67, %slice3A_69 in 0 : vector<512x128xi32>, vector<128x128xi32>, vector<1408x128xi32> -> vector<2048x128xi32>
    %ge3A_71 = vector.broadcast %slice3A_64 : vector<1x128xi32> to vector<2048x128xi32>
    %ge3A_72 = arith.cmpi sge, %ge3A_71, %concatenate3A_70 : vector<2048x128xi32>
    %convert_element_type3A_73 = arith.extui %ge3A_72 : vector<2048x128xi1> to vector<2048x128xi32>
    %add3A_74 = arith.addi %add3A_63, %convert_element_type3A_73 : vector<2048x128xi32>
    %slice3A_75 = vector.extract_strided_slice %transpose3A {offsets = [0, 640], sizes = [1, 128], strides = [1, 1]} : vector<1x2048xi32> to vector<1x128xi32>
    %slice3A_76 = vector.extract_strided_slice %broadcast_in_dim3A_17 {offsets = [640, 0], sizes = [128, 128], strides = [1, 1]} : vector<2048x128xi32> to vector<128x128xi32>
    %slice3A_77 = vector.extract_strided_slice %add3A_20 {offsets = [640, 0], sizes = [128, 128], strides = [1, 1]} : vector<2048x128xi32> to vector<128x128xi32>
    %select_n3A_78 = arith.select %lt3A, %slice3A_76, %slice3A_77 : vector<128x128xi1>, vector<128x128xi32>
    %slice3A_79 = vector.extract_strided_slice %add3A_20 {offsets = [0, 0], sizes = [640, 128], strides = [1, 1]} : vector<2048x128xi32> to vector<640x128xi32>
    %slice3A_80 = vector.extract_strided_slice %broadcast_in_dim3A_17 {offsets = [768, 0], sizes = [1280, 128], strides = [1, 1]} : vector<2048x128xi32> to vector<1280x128xi32>
    %concatenate3A_81 = tpu.concatenate %slice3A_79, %select_n3A_78, %slice3A_80 in 0 : vector<640x128xi32>, vector<128x128xi32>, vector<1280x128xi32> -> vector<2048x128xi32>
    %ge3A_82 = vector.broadcast %slice3A_75 : vector<1x128xi32> to vector<2048x128xi32>
    %ge3A_83 = arith.cmpi sge, %ge3A_82, %concatenate3A_81 : vector<2048x128xi32>
    %convert_element_type3A_84 = arith.extui %ge3A_83 : vector<2048x128xi1> to vector<2048x128xi32>
    %add3A_85 = arith.addi %add3A_74, %convert_element_type3A_84 : vector<2048x128xi32>
    %slice3A_86 = vector.extract_strided_slice %transpose3A {offsets = [0, 768], sizes = [1, 128], strides = [1, 1]} : vector<1x2048xi32> to vector<1x128xi32>
    %slice3A_87 = vector.extract_strided_slice %broadcast_in_dim3A_17 {offsets = [768, 0], sizes = [128, 128], strides = [1, 1]} : vector<2048x128xi32> to vector<128x128xi32>
    %slice3A_88 = vector.extract_strided_slice %add3A_20 {offsets = [768, 0], sizes = [128, 128], strides = [1, 1]} : vector<2048x128xi32> to vector<128x128xi32>
    %select_n3A_89 = arith.select %lt3A, %slice3A_87, %slice3A_88 : vector<128x128xi1>, vector<128x128xi32>
    %slice3A_90 = vector.extract_strided_slice %add3A_20 {offsets = [0, 0], sizes = [768, 128], strides = [1, 1]} : vector<2048x128xi32> to vector<768x128xi32>
    %slice3A_91 = vector.extract_strided_slice %broadcast_in_dim3A_17 {offsets = [896, 0], sizes = [1152, 128], strides = [1, 1]} : vector<2048x128xi32> to vector<1152x128xi32>
    %concatenate3A_92 = tpu.concatenate %slice3A_90, %select_n3A_89, %slice3A_91 in 0 : vector<768x128xi32>, vector<128x128xi32>, vector<1152x128xi32> -> vector<2048x128xi32>
    %ge3A_93 = vector.broadcast %slice3A_86 : vector<1x128xi32> to vector<2048x128xi32>
    %ge3A_94 = arith.cmpi sge, %ge3A_93, %concatenate3A_92 : vector<2048x128xi32>
    %convert_element_type3A_95 = arith.extui %ge3A_94 : vector<2048x128xi1> to vector<2048x128xi32>
    %add3A_96 = arith.addi %add3A_85, %convert_element_type3A_95 : vector<2048x128xi32>
    %slice3A_97 = vector.extract_strided_slice %transpose3A {offsets = [0, 896], sizes = [1, 128], strides = [1, 1]} : vector<1x2048xi32> to vector<1x128xi32>
    %slice3A_98 = vector.extract_strided_slice %broadcast_in_dim3A_17 {offsets = [896, 0], sizes = [128, 128], strides = [1, 1]} : vector<2048x128xi32> to vector<128x128xi32>
    %slice3A_99 = vector.extract_strided_slice %add3A_20 {offsets = [896, 0], sizes = [128, 128], strides = [1, 1]} : vector<2048x128xi32> to vector<128x128xi32>
    %select_n3A_100 = arith.select %lt3A, %slice3A_98, %slice3A_99 : vector<128x128xi1>, vector<128x128xi32>
    %slice3A_101 = vector.extract_strided_slice %add3A_20 {offsets = [0, 0], sizes = [896, 128], strides = [1, 1]} : vector<2048x128xi32> to vector<896x128xi32>
    %slice3A_102 = vector.extract_strided_slice %broadcast_in_dim3A_17 {offsets = [1024, 0], sizes = [1024, 128], strides = [1, 1]} : vector<2048x128xi32> to vector<1024x128xi32>
    %concatenate3A_103 = tpu.concatenate %slice3A_101, %select_n3A_100, %slice3A_102 in 0 : vector<896x128xi32>, vector<128x128xi32>, vector<1024x128xi32> -> vector<2048x128xi32>
    %ge3A_104 = vector.broadcast %slice3A_97 : vector<1x128xi32> to vector<2048x128xi32>
    %ge3A_105 = arith.cmpi sge, %ge3A_104, %concatenate3A_103 : vector<2048x128xi32>
    %convert_element_type3A_106 = arith.extui %ge3A_105 : vector<2048x128xi1> to vector<2048x128xi32>
    %add3A_107 = arith.addi %add3A_96, %convert_element_type3A_106 : vector<2048x128xi32>
    %slice3A_108 = vector.extract_strided_slice %transpose3A {offsets = [0, 1024], sizes = [1, 128], strides = [1, 1]} : vector<1x2048xi32> to vector<1x128xi32>
    %slice3A_109 = vector.extract_strided_slice %broadcast_in_dim3A_17 {offsets = [1024, 0], sizes = [128, 128], strides = [1, 1]} : vector<2048x128xi32> to vector<128x128xi32>
    %slice3A_110 = vector.extract_strided_slice %add3A_20 {offsets = [1024, 0], sizes = [128, 128], strides = [1, 1]} : vector<2048x128xi32> to vector<128x128xi32>
    %select_n3A_111 = arith.select %lt3A, %slice3A_109, %slice3A_110 : vector<128x128xi1>, vector<128x128xi32>
    %slice3A_112 = vector.extract_strided_slice %add3A_20 {offsets = [0, 0], sizes = [1024, 128], strides = [1, 1]} : vector<2048x128xi32> to vector<1024x128xi32>
    %slice3A_113 = vector.extract_strided_slice %broadcast_in_dim3A_17 {offsets = [1152, 0], sizes = [896, 128], strides = [1, 1]} : vector<2048x128xi32> to vector<896x128xi32>
    %concatenate3A_114 = tpu.concatenate %slice3A_112, %select_n3A_111, %slice3A_113 in 0 : vector<1024x128xi32>, vector<128x128xi32>, vector<896x128xi32> -> vector<2048x128xi32>
    %ge3A_115 = vector.broadcast %slice3A_108 : vector<1x128xi32> to vector<2048x128xi32>
    %ge3A_116 = arith.cmpi sge, %ge3A_115, %concatenate3A_114 : vector<2048x128xi32>
    %convert_element_type3A_117 = arith.extui %ge3A_116 : vector<2048x128xi1> to vector<2048x128xi32>
    %add3A_118 = arith.addi %add3A_107, %convert_element_type3A_117 : vector<2048x128xi32>
    %slice3A_119 = vector.extract_strided_slice %transpose3A {offsets = [0, 1152], sizes = [1, 128], strides = [1, 1]} : vector<1x2048xi32> to vector<1x128xi32>
    %slice3A_120 = vector.extract_strided_slice %broadcast_in_dim3A_17 {offsets = [1152, 0], sizes = [128, 128], strides = [1, 1]} : vector<2048x128xi32> to vector<128x128xi32>
    %slice3A_121 = vector.extract_strided_slice %add3A_20 {offsets = [1152, 0], sizes = [128, 128], strides = [1, 1]} : vector<2048x128xi32> to vector<128x128xi32>
    %select_n3A_122 = arith.select %lt3A, %slice3A_120, %slice3A_121 : vector<128x128xi1>, vector<128x128xi32>
    %slice3A_123 = vector.extract_strided_slice %add3A_20 {offsets = [0, 0], sizes = [1152, 128], strides = [1, 1]} : vector<2048x128xi32> to vector<1152x128xi32>
    %slice3A_124 = vector.extract_strided_slice %broadcast_in_dim3A_17 {offsets = [1280, 0], sizes = [768, 128], strides = [1, 1]} : vector<2048x128xi32> to vector<768x128xi32>
    %concatenate3A_125 = tpu.concatenate %slice3A_123, %select_n3A_122, %slice3A_124 in 0 : vector<1152x128xi32>, vector<128x128xi32>, vector<768x128xi32> -> vector<2048x128xi32>
    %ge3A_126 = vector.broadcast %slice3A_119 : vector<1x128xi32> to vector<2048x128xi32>
    %ge3A_127 = arith.cmpi sge, %ge3A_126, %concatenate3A_125 : vector<2048x128xi32>
    %convert_element_type3A_128 = arith.extui %ge3A_127 : vector<2048x128xi1> to vector<2048x128xi32>
    %add3A_129 = arith.addi %add3A_118, %convert_element_type3A_128 : vector<2048x128xi32>
    %slice3A_130 = vector.extract_strided_slice %transpose3A {offsets = [0, 1280], sizes = [1, 128], strides = [1, 1]} : vector<1x2048xi32> to vector<1x128xi32>
    %slice3A_131 = vector.extract_strided_slice %broadcast_in_dim3A_17 {offsets = [1280, 0], sizes = [128, 128], strides = [1, 1]} : vector<2048x128xi32> to vector<128x128xi32>
    %slice3A_132 = vector.extract_strided_slice %add3A_20 {offsets = [1280, 0], sizes = [128, 128], strides = [1, 1]} : vector<2048x128xi32> to vector<128x128xi32>
    %select_n3A_133 = arith.select %lt3A, %slice3A_131, %slice3A_132 : vector<128x128xi1>, vector<128x128xi32>
    %slice3A_134 = vector.extract_strided_slice %add3A_20 {offsets = [0, 0], sizes = [1280, 128], strides = [1, 1]} : vector<2048x128xi32> to vector<1280x128xi32>
    %slice3A_135 = vector.extract_strided_slice %broadcast_in_dim3A_17 {offsets = [1408, 0], sizes = [640, 128], strides = [1, 1]} : vector<2048x128xi32> to vector<640x128xi32>
    %concatenate3A_136 = tpu.concatenate %slice3A_134, %select_n3A_133, %slice3A_135 in 0 : vector<1280x128xi32>, vector<128x128xi32>, vector<640x128xi32> -> vector<2048x128xi32>
    %ge3A_137 = vector.broadcast %slice3A_130 : vector<1x128xi32> to vector<2048x128xi32>
    %ge3A_138 = arith.cmpi sge, %ge3A_137, %concatenate3A_136 : vector<2048x128xi32>
    %convert_element_type3A_139 = arith.extui %ge3A_138 : vector<2048x128xi1> to vector<2048x128xi32>
    %add3A_140 = arith.addi %add3A_129, %convert_element_type3A_139 : vector<2048x128xi32>
    %slice3A_141 = vector.extract_strided_slice %transpose3A {offsets = [0, 1408], sizes = [1, 128], strides = [1, 1]} : vector<1x2048xi32> to vector<1x128xi32>
    %slice3A_142 = vector.extract_strided_slice %broadcast_in_dim3A_17 {offsets = [1408, 0], sizes = [128, 128], strides = [1, 1]} : vector<2048x128xi32> to vector<128x128xi32>
    %slice3A_143 = vector.extract_strided_slice %add3A_20 {offsets = [1408, 0], sizes = [128, 128], strides = [1, 1]} : vector<2048x128xi32> to vector<128x128xi32>
    %select_n3A_144 = arith.select %lt3A, %slice3A_142, %slice3A_143 : vector<128x128xi1>, vector<128x128xi32>
    %slice3A_145 = vector.extract_strided_slice %add3A_20 {offsets = [0, 0], sizes = [1408, 128], strides = [1, 1]} : vector<2048x128xi32> to vector<1408x128xi32>
    %slice3A_146 = vector.extract_strided_slice %broadcast_in_dim3A_17 {offsets = [1536, 0], sizes = [512, 128], strides = [1, 1]} : vector<2048x128xi32> to vector<512x128xi32>
    %concatenate3A_147 = tpu.concatenate %slice3A_145, %select_n3A_144, %slice3A_146 in 0 : vector<1408x128xi32>, vector<128x128xi32>, vector<512x128xi32> -> vector<2048x128xi32>
    %ge3A_148 = vector.broadcast %slice3A_141 : vector<1x128xi32> to vector<2048x128xi32>
    %ge3A_149 = arith.cmpi sge, %ge3A_148, %concatenate3A_147 : vector<2048x128xi32>
    %convert_element_type3A_150 = arith.extui %ge3A_149 : vector<2048x128xi1> to vector<2048x128xi32>
    %add3A_151 = arith.addi %add3A_140, %convert_element_type3A_150 : vector<2048x128xi32>
    %slice3A_152 = vector.extract_strided_slice %transpose3A {offsets = [0, 1536], sizes = [1, 128], strides = [1, 1]} : vector<1x2048xi32> to vector<1x128xi32>
    %slice3A_153 = vector.extract_strided_slice %broadcast_in_dim3A_17 {offsets = [1536, 0], sizes = [128, 128], strides = [1, 1]} : vector<2048x128xi32> to vector<128x128xi32>
    %slice3A_154 = vector.extract_strided_slice %add3A_20 {offsets = [1536, 0], sizes = [128, 128], strides = [1, 1]} : vector<2048x128xi32> to vector<128x128xi32>
    %select_n3A_155 = arith.select %lt3A, %slice3A_153, %slice3A_154 : vector<128x128xi1>, vector<128x128xi32>
    %slice3A_156 = vector.extract_strided_slice %add3A_20 {offsets = [0, 0], sizes = [1536, 128], strides = [1, 1]} : vector<2048x128xi32> to vector<1536x128xi32>
    %slice3A_157 = vector.extract_strided_slice %broadcast_in_dim3A_17 {offsets = [1664, 0], sizes = [384, 128], strides = [1, 1]} : vector<2048x128xi32> to vector<384x128xi32>
    %concatenate3A_158 = tpu.concatenate %slice3A_156, %select_n3A_155, %slice3A_157 in 0 : vector<1536x128xi32>, vector<128x128xi32>, vector<384x128xi32> -> vector<2048x128xi32>
    %ge3A_159 = vector.broadcast %slice3A_152 : vector<1x128xi32> to vector<2048x128xi32>
    %ge3A_160 = arith.cmpi sge, %ge3A_159, %concatenate3A_158 : vector<2048x128xi32>
    %convert_element_type3A_161 = arith.extui %ge3A_160 : vector<2048x128xi1> to vector<2048x128xi32>
    %add3A_162 = arith.addi %add3A_151, %convert_element_type3A_161 : vector<2048x128xi32>
    %slice3A_163 = vector.extract_strided_slice %transpose3A {offsets = [0, 1664], sizes = [1, 128], strides = [1, 1]} : vector<1x2048xi32> to vector<1x128xi32>
    %slice3A_164 = vector.extract_strided_slice %broadcast_in_dim3A_17 {offsets = [1664, 0], sizes = [128, 128], strides = [1, 1]} : vector<2048x128xi32> to vector<128x128xi32>
    %slice3A_165 = vector.extract_strided_slice %add3A_20 {offsets = [1664, 0], sizes = [128, 128], strides = [1, 1]} : vector<2048x128xi32> to vector<128x128xi32>
    %select_n3A_166 = arith.select %lt3A, %slice3A_164, %slice3A_165 : vector<128x128xi1>, vector<128x128xi32>
    %slice3A_167 = vector.extract_strided_slice %add3A_20 {offsets = [0, 0], sizes = [1664, 128], strides = [1, 1]} : vector<2048x128xi32> to vector<1664x128xi32>
    %slice3A_168 = vector.extract_strided_slice %broadcast_in_dim3A_17 {offsets = [1792, 0], sizes = [256, 128], strides = [1, 1]} : vector<2048x128xi32> to vector<256x128xi32>
    %concatenate3A_169 = tpu.concatenate %slice3A_167, %select_n3A_166, %slice3A_168 in 0 : vector<1664x128xi32>, vector<128x128xi32>, vector<256x128xi32> -> vector<2048x128xi32>
    %ge3A_170 = vector.broadcast %slice3A_163 : vector<1x128xi32> to vector<2048x128xi32>
    %ge3A_171 = arith.cmpi sge, %ge3A_170, %concatenate3A_169 : vector<2048x128xi32>
    %convert_element_type3A_172 = arith.extui %ge3A_171 : vector<2048x128xi1> to vector<2048x128xi32>
    %add3A_173 = arith.addi %add3A_162, %convert_element_type3A_172 : vector<2048x128xi32>
    %slice3A_174 = vector.extract_strided_slice %transpose3A {offsets = [0, 1792], sizes = [1, 128], strides = [1, 1]} : vector<1x2048xi32> to vector<1x128xi32>
    %slice3A_175 = vector.extract_strided_slice %broadcast_in_dim3A_17 {offsets = [1792, 0], sizes = [128, 128], strides = [1, 1]} : vector<2048x128xi32> to vector<128x128xi32>
    %slice3A_176 = vector.extract_strided_slice %add3A_20 {offsets = [1792, 0], sizes = [128, 128], strides = [1, 1]} : vector<2048x128xi32> to vector<128x128xi32>
    %select_n3A_177 = arith.select %lt3A, %slice3A_175, %slice3A_176 : vector<128x128xi1>, vector<128x128xi32>
    %slice3A_178 = vector.extract_strided_slice %add3A_20 {offsets = [0, 0], sizes = [1792, 128], strides = [1, 1]} : vector<2048x128xi32> to vector<1792x128xi32>
    %slice3A_179 = vector.extract_strided_slice %broadcast_in_dim3A_17 {offsets = [1920, 0], sizes = [128, 128], strides = [1, 1]} : vector<2048x128xi32> to vector<128x128xi32>
    %concatenate3A_180 = tpu.concatenate %slice3A_178, %select_n3A_177, %slice3A_179 in 0 : vector<1792x128xi32>, vector<128x128xi32>, vector<128x128xi32> -> vector<2048x128xi32>
    %ge3A_181 = vector.broadcast %slice3A_174 : vector<1x128xi32> to vector<2048x128xi32>
    %ge3A_182 = arith.cmpi sge, %ge3A_181, %concatenate3A_180 : vector<2048x128xi32>
    %convert_element_type3A_183 = arith.extui %ge3A_182 : vector<2048x128xi1> to vector<2048x128xi32>
    %add3A_184 = arith.addi %add3A_173, %convert_element_type3A_183 : vector<2048x128xi32>
    %slice3A_185 = vector.extract_strided_slice %transpose3A {offsets = [0, 1920], sizes = [1, 128], strides = [1, 1]} : vector<1x2048xi32> to vector<1x128xi32>
    %slice3A_186 = vector.extract_strided_slice %broadcast_in_dim3A_17 {offsets = [1920, 0], sizes = [128, 128], strides = [1, 1]} : vector<2048x128xi32> to vector<128x128xi32>
    %slice3A_187 = vector.extract_strided_slice %add3A_20 {offsets = [1920, 0], sizes = [128, 128], strides = [1, 1]} : vector<2048x128xi32> to vector<128x128xi32>
    %select_n3A_188 = arith.select %lt3A, %slice3A_186, %slice3A_187 : vector<128x128xi1>, vector<128x128xi32>
    %slice3A_189 = vector.extract_strided_slice %add3A_20 {offsets = [0, 0], sizes = [1920, 128], strides = [1, 1]} : vector<2048x128xi32> to vector<1920x128xi32>
    %concatenate3A_190 = tpu.concatenate %slice3A_189, %select_n3A_188 in 0 : vector<1920x128xi32>, vector<128x128xi32> -> vector<2048x128xi32>
    %ge3A_191 = vector.broadcast %slice3A_185 : vector<1x128xi32> to vector<2048x128xi32>
    %ge3A_192 = arith.cmpi sge, %ge3A_191, %concatenate3A_190 : vector<2048x128xi32>
    %convert_element_type3A_193 = arith.extui %ge3A_192 : vector<2048x128xi1> to vector<2048x128xi32>
    %add3A_194 = arith.addi %add3A_184, %convert_element_type3A_193 : vector<2048x128xi32>
    %reduce_sum3A = arith.constant dense<0> : vector<2048xi32>
    %reduce_sum3A_195 = vector.multi_reduction <add>, %add3A_194, %reduce_sum3A [1] : vector<2048x128xi32> to vector<2048xi32>
    %swap3A = arith.constant 0 : index
    %swap3A_196 = arith.constant 0 : index
    %swap3A_197 = arith.constant 0 : index
    %swap3A_198 = vector.load %arg4[%swap3A, %swap3A_196, %swap3A_197] : memref<1x1x2048xi32, #tpu.memory_space<vmem>>, vector<1x1x2048xi32>
    %swap3A_199 = vector.shape_cast %swap3A_198 : vector<1x1x2048xi32> to vector<2048xi32>
    %swap3A_200 = vector.shape_cast %reduce_sum3A_195 : vector<2048xi32> to vector<1x1x2048xi32>
    tpu.vector_store %arg4[%swap3A, %swap3A_196, %swap3A_197], %swap3A_200 {strides = array<i32>} : memref<1x1x2048xi32, #tpu.memory_space<vmem>>, vector<1x1x2048xi32>,
    return
  }
  func.func @transform_0(%arg0: i32) -> (i32, i32, i32) {
    %c0_i32 = arith.constant 0 : i32
    %c0_i32_0 = arith.constant 0 : i32
    %c0_i32_1 = arith.constant 0 : i32
    return %arg0, %c0_i32, %c0_i32_0 : i32, i32, i32
  }
  func.func @transform_1(%arg0: i32) -> (i32, i32) {
    %c0_i32 = arith.constant 0 : i32
    %c0_i32_0 = arith.constant 0 : i32
    %c0_i32_1 = arith.constant 0 : i32
    return %c0_i32, %c0_i32_0 : i32, i32
  }
  func.func @transform_2(%arg0: i32) -> (i32, i32) {
    %c0_i32 = arith.constant 0 : i32
    %c0_i32_0 = arith.constant 0 : i32
    %c0_i32_1 = arith.constant 0 : i32
    return %c0_i32, %c0_i32_0 : i32, i32
  }
  func.func @transform_3(%arg0: i32) -> (i32, i32, i32) {
    %c0_i32 = arith.constant 0 : i32
    %c0_i32_0 = arith.constant 0 : i32
    %c0_i32_1 = arith.constant 0 : i32
    return %arg0, %c0_i32, %c0_i32_0 : i32, i32, i32
  }
}

</mosaic_0001>

<sc_bundles>
// kernel: kernel.4.cloned.1.call-start
scs
__scs_entry_jumppad:
0x0: {  	(pc) =	sbr.rel $0x88, $3  }
0x1: {  	(tag) =	ssettag $0x0;
	lr =	simm.s32 $0x1  }
0x2: {  	[smem:$0x3F9D] =	sst lr;
	_ =	strace $0xD0000000  }
0x3: {  	_ = 	snop  }
0x4: {  	_ = 	snop  }
0x5: {  	_ = 	snop  }
0x6: {  	_ = 	snop  }
0x7: {  	_ = 	snop  }
__scs_overlays_trampoline_lowered:
0x8: {  	[smem:$0x3FAC] =	sst s0  }
0x9: {  	[smem:$0x3FAD] =	sst s1  }
0xa: {  	[smem:$0x3FAE] =	sst s2  }
0xb: {  	[smem:$0x3FAF] =	sst s3  }
0xc: {  	[smem:$0x3FB0] =	sst s4  }
0xd: {  	[smem:$0x3FB1] =	sst s5  }
0xe: {  	[smem:$0x3FB2] =	sst s6  }
0xf: {  	[smem:$0x3FB3] =	sst s7  }
0x10: {  	[smem:$0x3FB4] =	sst s8  }
0x11: {  	[smem:$0x3FB5] =	sst s9;
	s0 =	simm.s32 @!p0 $0x0  }
0x12: {  	s1 =	sld [smem:$0x3F9B];
	s0 =	simm.s32 @p0 $0x1  }
0x13: {  	[smem:$0x3FB6] =	sst s0;
	s0 =	simm.s32 @!p1 $0x0  }
0x14: {  	s2 =	sld [smem:$0x3F9A];
	s0 =	simm.s32 @p1 $0x1  }
0x15: {  	[smem:$0x3FB7] =	sst s0;
	s0 =	simm.s32 @!p2 $0x0  }
0x16: {  	s3 =	sld [smem:$0x3FDB];
	s0 =	simm.s32 @p2 $0x1  }
0x17: {  	s4 =	simm.s32 $0x1BF5;
	[smem:$0x3FB9] =	sst s0  }
0x18: {  	s0 =	sld [smem:$0x3F9C];
	_ =	swait.ge [sflag:s4], $0x0  }
0x19: {  	s7 =	sld [smem:$0x3F9D]  }
0x1a: {  	s8 =	sadd.s32 $0xFFFFE003, lr  }
0x1b: {  	s9 =	sadd.s32 $0xFFFFFEF7, lr;
	s5 =	simm.s32 $0xFFFFFFFF;
	p2 =	slt.u32 s8, $0xFFFFF086  }
0x1c: {  	p1 =	slt.u32 s9, $0xF7A;
	s5 =	simm.s32 @!p2 $0x0  }
0x1d: {  	s5 =	simm.s32 @p1 $0x1;
	p0 =	seq.s32 s7, s2  }
0x1e: {  	s7 =	smul.u32 @!p0 $0xF7A, s2;
	p2 =	seq.s32 @!p0 s5, $0x0  }
0x1f: {  	s9 =	smul.u32 $0xF7A, s1;
	s8 =	simm.s32 @!p0 $0x1BF5;
	p2 =	por !p2, p0  }
0x20: {  	[sflag:s8] =	ssyncset.s32 @!p0 $0xFFFFF086;
	s6 =	sadd.s32 @!p0 s3, s7;
	s7 =	simm.s32 @!p0 $0x108  }
0x21: {  	s3 =	sadd.s32 s3, s9;
	s6 =	sadd.s32 @!p0 $0x88, s6;
	s7 =	simm.s32 @p2 $0x1082  }
0x22: {  	[simem:s7], [sflag:s8] =	dma.local @!p0 [hbm:s6], $0xF7A  }
0x23: {  	s9 =	sor.u32 $0xD0000000, s2;
	s6 =	simm.s32 $0x108;
	_ =	swait.ge @!p0 [sflag:s8], $0x0  }
0x24: {  	s3 =	sadd.s32 $0x88, s3;
	s6 =	simm.s32 @!p1 $0x1082;
	[sflag:s4] =	ssyncset.s32 $0xFFFFF086  }
0x25: {  	[simem:s6], [sflag:s4] =	dma.local [hbm:s3], $0xF7A  }
0x26: {  	[smem:$0x3F9D] =	sst s1;
	(tag) =	ssettag s2;
	_ =	strace s9  }
0x27: {  	s1 =	sld [smem:$0x3FAD]  }
0x28: {  	s2 =	sld [smem:$0x3FAE]  }
0x29: {  	s4 =	sld [smem:$0x3FB0]  }
0x2a: {  	p0 =	seq.s32 s5, $0x0;
	s5 =	sld [smem:$0x3FB1]  }
0x2b: {  	s6 =	sld [smem:$0x3FB2]  }
0x2c: {  	s7 =	sld [smem:$0x3FB3]  }
0x2d: {  	s3 =	simm.s32 $0x108;
	s8 =	sld [smem:$0x3FB4]  }
0x2e: {  	s3 =	simm.s32 @!p0 $0x1082;
	s9 =	sld [smem:$0x3FB5]  }
0x2f: {  	lr =	sadd.s32 s0, s3;
	s0 =	sld [smem:$0x3FAC]  }
0x30: {  	s3 =	sld [smem:$0x3FAF]  }
0x31: {  	[smem:$0x3FB8] =	sst s10  }
0x32: {  	s10 =	sld [smem:$0x3FB6];
	_ =	sdelay $0x3  }
0x33: {  	p0 =	seq.s32 s10, $0x1;
	s10 =	sld [smem:$0x3FB8];
	_ =	sdelay $0x3  }
0x34: {  	[smem:$0x3FB8] =	sst s10  }
0x35: {  	s10 =	sld [smem:$0x3FB7];
	_ =	sdelay $0x3  }
0x36: {  	p1 =	seq.s32 s10, $0x1;
	s10 =	sld [smem:$0x3FB8];
	_ =	sdelay $0x3  }
0x37: {  	[smem:$0x3FB8] =	sst s10  }
0x38: {  	s10 =	sld [smem:$0x3FB9]  }
0x39: {  	_ = 	snop;
	(pc) =	sbr.ind lr, $3  }
0x3a: {  	_ = 	snop  }
0x3b: {  	_ = 	snop  }
0x3c: {  	p2 =	seq.s32 s10, $0x1;
	s10 =	sld [smem:$0x3FB8]  }
0x3d: {  	_ =	shalt  }
0x3e: {  	_ =	shalt  }
0x3f: {  	_ =	shalt  }
0x40: {  	_ =	shalt  }
0x41: {  	_ =	shalt  }
0x42: {  	_ =	shalt  }
0x43: {  	_ =	shalt  }
0x44: {  	_ =	shalt  }
0x45: {  	_ =	shalt  }
0x46: {  	_ =	shalt  }
0x47: {  	_ =	shalt  }
0x48: {  	_ =	shalt  }
0x49: {  	_ =	shalt  }
0x4a: {  	_ =	shalt  }
0x4b: {  	_ =	shalt  }
0x4c: {  	_ =	shalt  }
0x4d: {  	_ =	shalt  }
0x4e: {  	_ =	shalt  }
0x4f: {  	_ =	shalt  }
0x50: {  	_ =	shalt  }
0x51: {  	_ =	shalt  }
0x52: {  	_ =	shalt  }
0x53: {  	_ =	shalt  }
0x54: {  	_ =	shalt  }
0x55: {  	_ =	shalt  }
0x56: {  	_ =	shalt  }
0x57: {  	_ =	shalt  }
0x58: {  	_ =	shalt  }
0x59: {  	_ =	shalt  }
0x5a: {  	_ =	shalt  }
0x5b: {  	_ =	shalt  }
0x5c: {  	_ =	shalt  }
0x5d: {  	_ =	shalt  }
0x5e: {  	_ =	shalt  }
0x5f: {  	_ =	shalt  }
0x60: {  	_ =	shalt  }
0x61: {  	_ =	shalt  }
0x62: {  	_ =	shalt  }
0x63: {  	_ =	shalt  }
0x64: {  	_ =	shalt  }
0x65: {  	_ =	shalt  }
0x66: {  	_ =	shalt  }
0x67: {  	_ =	shalt  }
0x68: {  	_ =	shalt  }
0x69: {  	_ =	shalt  }
0x6a: {  	_ =	shalt  }
0x6b: {  	_ =	shalt  }
0x6c: {  	_ =	shalt  }
0x6d: {  	_ =	shalt  }
0x6e: {  	_ =	shalt  }
0x6f: {  	_ =	shalt  }
0x70: {  	_ =	shalt  }
0x71: {  	_ =	shalt  }
0x72: {  	_ =	shalt  }
0x73: {  	_ =	shalt  }
0x74: {  	_ =	shalt  }
0x75: {  	_ =	shalt  }
0x76: {  	_ =	shalt  }
0x77: {  	_ =	shalt  }
0x78: {  	_ =	shalt  }
0x79: {  	_ =	shalt  }
0x7a: {  	_ =	shalt  }
0x7b: {  	_ =	shalt  }
0x7c: {  	_ =	shalt  }
0x7d: {  	_ =	shalt  }
0x7e: {  	_ =	shalt  }
0x7f: {  	_ =	shalt  }
0x80: {  	_ =	shalt  }
0x81: {  	_ =	shalt  }
0x82: {  	_ =	shalt  }
0x83: {  	_ =	shalt  }
0x84: {  	_ =	shalt  }
0x85: {  	_ =	shalt  }
0x86: {  	_ =	shalt  }
0x87: {  	_ =	shalt  }
.Lfunc_end0:
.L_simem_size_0:
called_computation_lowered:
.L_overlay_start_0:
0x88: {  	s2 =	sld [smem:$0x3FD9]  }
0x89: {  	s3 =	sld [smem:$0x3FFE];
	_ =	sdelay $0x1  }
0x8a: {  	s1 =	srdreg.scid  }
0x8b: {  	s0 =	sand.u32 $0x1, s1  }
0x8c: {  	s14 =	sshll.u32 s0, $0xA;
	s2 =	sadd.s32 s3, s2  }
0x8d: {  	s2 =	sadd.s32 s2, s14  }
0x8e: {  	[smem:$0x3FC4] =	sst s2  }
0x8f: {  	_ = 	snop  }
0x90: {  	s2 =	sld [smem:$0x3FD0];
	_ =	sdelay $0x1  }
0x91: {  	s15 =	sld [smem:$0x3FC9]  }
0x92: {  	s5 =	simm.s32 $0xA;
	s6 =	simm.s32 $0x10;
	s4 =	sld [smem:$0x3FC8]  }
0x93: {  	[smem:s6], [sflag:s5] =	dma.local [hbm:s2], $0x1  }
0x94: {  	_ =	swait.eq [sflag:s5], $0x1  }
0x95: {  	s16 =	sld [smem:$0x10];
	[sflag:s5] =	ssyncset.done $0x0  }
0x96: {  	s17 =	sld [smem:$0x11];
	[sflag:s5] =	ssyncadd.s32 $0xFFFFFFFF  }
0x97: {  	s18 =	sld [smem:$0x12];
	(tm) =	ssettm $0x1  }
0x98: {  	s7 =	sld [smem:$0x3FFB];
	_ =	sdelay $0x3  }
0x99: {  	_ =	strace s7  }
0x9a: {  	s7 =	sld [smem:$0x3FFC];
	_ =	sdelay $0x3  }
0x9b: {  	_ =	strace s7  }
0x9c: {  	s7 =	sld [smem:$0x3FFD];
	_ =	sdelay $0x3  }
0x9d: {  	_ =	strace s7  }
0x9e: {  	_ =	strace $0x8FFFFFFF  }
0x9f: {  	s19 =	sld [smem:$0x3FDB];
	_ =	sdelay $0x1  }
0xa0: {  	s8 =	simm.s32 $_scs_section_size  }
0xa1: {  	s9 =	simm.s32 $_size__tile_overlayer_lowered;
	s10 =	simm.s32 $_tile_overlayer_lowered  }
0xa2: {  	s22 =	simm.s32 $0x1BFF;
	s21 =	sshll.u32 s10, $0x1;
	s7 =	sadd.s32 s8, s19  }
0xa3: {  	s11 =	simm.s32 $0x0;
	s20 =	sshll.u32 s9, $0x1;
	s9 =	sadd.s32 s21, s7  }
0xa4: {  	[timem:s11], [sflag:s22] =	dma.local [hbm:s9], s20  }
0xa5: {  	_ =	swait.ge [sflag:s22], s20  }
0xa6: {  	s8 =	ssub.s32 $0x0, s20;
	[sflag:s22] =	ssyncset.done $0x0  }
0xa7: {  	[sflag:s22] =	ssyncadd.s32 s8;
	_ =	sdelay $0x1  }
0xa8: {  	s23 =	simm.s32 $0x1B8B  }
0xa9: {  	_ =	swait.ge [sflag:s23], $0x1  }
0xaa: {  	[sflag:s23] =	ssyncset.done $0x0  }
0xab: {  	s25 =	simm.s32 $0x1B8E;
	s24 =	sld [smem:$0x3FFE];
	[sflag:s23] =	ssyncadd.s32 $0xFFFFFFFF  }
0xac: {  	s26 =	simm.s32 $execute0_lowered;
	[smem:$0x3FD2] =	sst s25  }
0xad: {  	s9 =	sshll.u32 s26, $0x1;
	_ =	strace $0x80000046;
	[dreg:$0x1] =	wrdreg $0xFFFFFFFF  }
0xae: {  	s28 =	simm.s32 $_size_execute0_lowered;
	s7 =	sadd.s32 s7, s9;
	[dreg:$0x0] =	wrdreg $0x0  }
0xaf: {  	s9 =	sshll.u32 s28, $0x1;
	[dreg:$0x2] =	wrdreg s7  }
0xb0: {  	[dreg:$0x3] =	wrdreg s9  }
0xb1: {  	[dreg:$0x4] =	wrdreg $0xC0  }
0xb2: {  	_ =	task [dreg:s11], $0x5FFFF  }
0xb3: {  	[dreg:$0x1] =	wrdreg $0xFFFFFFFF  }
0xb4: {  	[dreg:$0x0] =	wrdreg $0x60  }
0xb5: {  	[dreg:$0x2] =	wrdreg s24  }
0xb6: {  	[dreg:$0x3] =	wrdreg s15  }
0xb7: {  	[dreg:$0x4] =	wrdreg s4  }
0xb8: {  	[dreg:$0x5] =	wrdreg s16  }
0xb9: {  	[dreg:$0x6] =	wrdreg s17  }
0xba: {  	[dreg:$0x7] =	wrdreg s18  }
0xbb: {  	[dreg:$0x8] =	wrdreg $0x9  }
0xbc: {  	_ =	task.clear_ibuf [dreg:s11], $0x9FFFF;
	_ =	strace $0x90000046  }
0xbd: {  	s29 =	simm.s32 $0x9;
	_ =	strace $0x80000048  }
0xbe: {  	_ =	swait.ge [sflag:s29], $0x1  }
0xbf: {  	[sflag:s29] =	ssyncadd.s32 $0xFFFFFFFF  }
0xc0: {  	_ =	strace $0x90000048  }
0xc1: {  	_ =	sfence  }
0xc2: {  	s30 =	sld [smem:$0x0];
	_ =	sdelay $0x2  }
0xc3: {  	s31 =	sshll.u32 s1, $0xD;
	s1 =	sshrl.u32 s1, $0x2  }
0xc4: {  	s3 =	sand.u32 $0x4000, s31;
	s1 =	sadd.s32 s1, s30  }
0xc5: {  	s0 =	sor.u32 s3, s0;
	s1 =	sshll.u32 s1, $0x11  }
0xc6: {  	s0 =	sor.u32 s1, s0  }
0xc7: {  	s0 =	sadd.s32 $0x8F2B, s0  }
0xc8: {  	[sflag:s0] =	ssyncadd.remote.s32 $0x1  }
0xc9: {  	_ =	sfence.sel $0xFFFF  }
0xca: {  	[dreg:$0x0] =	wrdreg $0xFFFFFFFF;
	(pc) =	sbr.abs _section_cstart, $3  }
0xcb: {  	[dreg:$0x1] =	wrdreg $0xFFFFFFFF  }
0xcc: {  	_ =	task.clear_ibuf [dreg:s11], $0x2FFFF;
	_ =	strace $0x9FFFFFFF  }
0xcd: {  	(tm) =	ssettm $0x7FFFFFFF  }
tec
execute0_lowered:
.L_overlay_start_1:
0x0: {  	(tag) =	ssettag $0x1  }
0x1: {  	s0 =	rddreg [dreg:$0x0]  }
0x2: {  	s21 =	rddreg [dreg:$0x2]  }
0x3: {  	s2 =	rddreg [dreg:$0x3]  }
0x4: {  	s3 =	rddreg [dreg:$0x4]  }
0x5: {  	s4 =	rddreg [dreg:$0x5];
	s1 =	simm.s32 $0x0;
	s20 =	stileid.u32  }
0x6: {  	s5 =	srdreg.scid;
	s31 =	simm.s32 $0xD100;
	[smem:$0x7FF] =	sst s1  }
0x7: {  	s6 =	sshrl.u32 s20, $0x1;
	s5 =	sand.u32 $0x1, s5;
	s7 =	sshll.u32 s20, $0x1  }
0x8: {  	s10 =	sadd.s32 $0x400, s21;
	s11 =	sadd.s32 $0x500, s21;
	s12 =	sadd.s32 $0x600, s21  }
0x9: {  	s13 =	sadd.s32 $0x700, s21;
	_ =	strace $0x80000047;
	s14 =	sshll.u32 s6, $0x4  }
0xa: {  	s8 =	ssub.s32 $0x2, s5;
	s7 =	sand.u32 $0x2, s7;
	s23 =	sshll.u32 s6, $0xA  }
0xb: {  	s24 =	sshll.u32 s6, $0xB;
	s0 =	sadd.s32 s14, s0;
	s9 =	sshrl.u32 s8, $0x1  }
0xc: {  	s5 =	sor.u32 s5, s7;
	s7 =	sadd.s32 $0x100, s21;
	s26 =	sadd.s32 s4, s14  }
0xd: {  	s15 =	ssub.s32 s8, s9;
	s22 =	sshll.u32 s5, $0x8;
	s0 =	sadd.s32 $0xA00, s0  }
0xe: {  	s8 =	sadd.s32 $0x200, s21;
	s9 =	sadd.s32 $0x300, s21;
	[dreg:$0x9] =	wrdreg s26  }
0xf: {  	p0 =	sne.s32 s5, $0x0;
	[dreg:$0x8] =	wrdreg s0;
	s25 =	sor.u32 s23, s22  }
0x10: {  	[dreg:$0x7] =	wrdreg s22;
	s30 =	smax.u32 s15, $0x1;
	s16 =	sshll.u32 s25, $0x7  }
0x11: {  	v0 =	vlaneseq.u32;
	s6 =	sshll.u32 s25, $0x5;
	[dreg:$0xc] =	wrdreg s30;
	s28 =	sadd.s32 s3, s16  }
0x12: {  	vm0 =	vmmov $0xffff;
	v2 =	vand.u32 $0x7, v0;
	v3 =	vshrl.u32 v0, $0x3;
	s26 =	simm.s32 $0x5100;
	s29 =	sadd.s32 s2, s6;
	[dreg:$0xa] =	wrdreg s28  }
0x13: {  	v4 =	vor.u32 $0x8, v0;
	v3 =	vmul.u32 $0x8, v3;
	v1 =	vmov s24;
	s6 =	simm.s32 $0x800;
	s2 =	simm.s32 $0x0;
	[dreg:$0xb] =	wrdreg s29  }
.LBB2_1:
0x14: {  	[dreg:$0xd] =	wrdreg s2  }
0x15: {  	s0 =	simm.s32 $0x0;
	s1 =	rddreg [dreg:$0x8]  }
0x16: {  	s29 =	simm.s32 $0x80;
	s3 =	simm.s32 $0x400;
	s30 =	simm.s32 $0x8  }
0x17: {  	[tilespmem:s0], [sflag:$0x8] =	stream.strided.gather [hbm4b:s1+s29], $0x800, s3, s29, $0x38;
	[tilespmem:$0x1D100] =	vst v63  }
0x18: {  	_ =	swait.ge [sflag:s30], $0x800  }
0x19: {  	s2 =	simm.s32 $0x20;
	[sflag:s30] =	ssyncset.done $0x0  }
0x1a: {  	s0 =	simm.s32 $0xFFFFFFFC;
	s3 =	simm.s32 $0x0;
	[sflag:s30] =	ssyncadd.s32 $0xFFFFF800  }
.LBB2_2:
0x1b: {  	v5 =	vld [tilespmem:s2+$0xFFFFFFE0];
	_ =	sdelay $0x6  }
0x1c: {  	v6 =	vor.u32 s3, v0  }
0x1d: {  	[tilespmem:v5+s6+$0x0] =	vst.idx.msk $0xffff, v6  }
0x1e: {  	v5 =	vld [tilespmem:s2+$0xFFFFFFF0];
	_ =	sdelay $0x5  }
0x1f: {  	s4 =	sadd.s32 $0x10, s3  }
0x20: {  	v6 =	vor.u32 s4, v0  }
0x21: {  	[tilespmem:v5+s6+$0x0] =	vst.idx.msk $0xffff, v6  }
0x22: {  	v5 =	vld [tilespmem:s2+$0x0];
	_ =	sdelay $0x5  }
0x23: {  	s29 =	sadd.s32 $0x20, s3  }
0x24: {  	v6 =	vor.u32 s29, v0  }
0x25: {  	[tilespmem:v5+s6+$0x0] =	vst.idx.msk $0xffff, v6  }
0x26: {  	v5 =	vld [tilespmem:s2+$0x10];
	_ =	sdelay $0x1  }
0x27: {  	s0 =	sadd.s32 $0x4, s0  }
0x28: {  	p1 =	slt.u32 s0, $0x7C  }
.Ltmp0:
0x29: {  	_ = 	snop;
	(pc) =	sbr.rel @p1 .LBB2_2-.Ltmp0, $4  }
0x2a: {  	_ = 	snop  }
0x2b: {  	s30 =	sadd.s32 $0x30, s3  }
0x2c: {  	v6 =	vor.u32 s30, v0  }
0x2d: {  	s3 =	sadd.s32 $0x40, s3;
	s2 =	sadd.s32 $0x40, s2;
	[tilespmem:v5+s6+$0x0] =	vst.idx.msk $0xffff, v6  }
0x2e: {  	s0 =	rddreg [dreg:$0x7]  }
0x2f: {  	v5 =	vld [tilespmem:s0+$0x800];
	_ =	sdelay $0x4  }
0x30: {  	v6 =	vadd.s32 v1, v5  }
0x31: {  	[tilespmem:$0x1000] =	vst v6  }
0x32: {  	v7 =	vld [tilespmem:s0+$0x810];
	_ =	sdelay $0x4  }
0x33: {  	v7 =	vadd.s32 v1, v7  }
0x34: {  	[tilespmem:$0x1010] =	vst v7  }
0x35: {  	v7 =	vld [tilespmem:s0+$0x820];
	_ =	sdelay $0x4  }
0x36: {  	v7 =	vadd.s32 v1, v7  }
0x37: {  	[tilespmem:$0x1020] =	vst v7  }
0x38: {  	v7 =	vld [tilespmem:s0+$0x830];
	_ =	sdelay $0x4  }
0x39: {  	v7 =	vadd.s32 v1, v7  }
0x3a: {  	[tilespmem:$0x1030] =	vst v7  }
0x3b: {  	v7 =	vld [tilespmem:s0+$0x840];
	_ =	sdelay $0x4  }
0x3c: {  	v7 =	vadd.s32 v1, v7  }
0x3d: {  	[tilespmem:$0x1040] =	vst v7  }
0x3e: {  	v7 =	vld [tilespmem:s0+$0x850];
	_ =	sdelay $0x4  }
0x3f: {  	v7 =	vadd.s32 v1, v7  }
0x40: {  	[tilespmem:$0x1050] =	vst v7  }
0x41: {  	v7 =	vld [tilespmem:s0+$0x860];
	_ =	sdelay $0x4  }
0x42: {  	v7 =	vadd.s32 v1, v7  }
0x43: {  	[tilespmem:$0x1060] =	vst v7  }
0x44: {  	v7 =	vld [tilespmem:s0+$0x870];
	_ =	sdelay $0x4  }
0x45: {  	v7 =	vadd.s32 v1, v7  }
0x46: {  	[tilespmem:$0x1070] =	vst v7  }
0x47: {  	v7 =	vld [tilespmem:s0+$0x880];
	_ =	sdelay $0x4  }
0x48: {  	v7 =	vadd.s32 v1, v7  }
0x49: {  	[tilespmem:$0x1080] =	vst v7  }
0x4a: {  	v7 =	vld [tilespmem:s0+$0x890];
	_ =	sdelay $0x4  }
0x4b: {  	v7 =	vadd.s32 v1, v7  }
0x4c: {  	[tilespmem:$0x1090] =	vst v7  }
0x4d: {  	v7 =	vld [tilespmem:s0+$0x8A0];
	_ =	sdelay $0x4  }
0x4e: {  	v7 =	vadd.s32 v1, v7  }
0x4f: {  	[tilespmem:$0x10A0] =	vst v7  }
0x50: {  	v7 =	vld [tilespmem:s0+$0x8B0];
	_ =	sdelay $0x4  }
0x51: {  	v7 =	vadd.s32 v1, v7  }
0x52: {  	[tilespmem:$0x10B0] =	vst v7  }
0x53: {  	v7 =	vld [tilespmem:s0+$0x8C0];
	_ =	sdelay $0x4  }
0x54: {  	v7 =	vadd.s32 v1, v7  }
0x55: {  	[tilespmem:$0x10C0] =	vst v7  }
0x56: {  	v7 =	vld [tilespmem:s0+$0x8D0];
	_ =	sdelay $0x4  }
0x57: {  	v7 =	vadd.s32 v1, v7  }
0x58: {  	[tilespmem:$0x10D0] =	vst v7  }
0x59: {  	v7 =	vld [tilespmem:s0+$0x8E0];
	_ =	sdelay $0x3  }
0x5a: {  	v6 =	vshll.u32 v6, $0x1  }
0x5b: {  	v5 =	vand.u32 $0x7, v5;
	v6 =	vand.u32 $0xFFFFFFF0, v6;
	v7 =	vadd.s32 v1, v7  }
0x5c: {  	v5 =	vor.u32 v5, v6;
	[tilespmem:$0x10E0] =	vst v7  }
0x5d: {  	v7 =	vperm.xlane v5, v2;
	v6 =	vld [tilespmem:s0+$0x8F0];
	_ =	sdelay $0x1  }
0x5e: {  	v5 =	vperm.xlane v5, v4;
	v7 =	vadd.s32 v3, v7;
	_ =	sdelay $0x1  }
0x5f: {  	v5 =	vadd.s32 v3, v5  }
0x60: {  	v6 =	vadd.s32 v1, v6  }
0x61: {  	s6 =	rddreg [dreg:$0x1];
	s1 =	simm.s32 $0x0;
	s2 =	simm.s32 $0x1100;
	[tilespmem:$0x10F0] =	vst v6  }
0x62: {  	[tilespmem:s2], [sflag:$0x5] =	stream.indirect_vreg.gather [hbm4b:s6+s1], $0x80, v7, vm0, $0xb8;
	[tilespmem:$0x1D100] =	vst v63  }
0x63: {  	s14 =	simm.s32 $0x1900  }
0x64: {  	[tilespmem:s14], [sflag:$0x5] =	stream.indirect_vreg.gather [hbm4b:s6+s1], $0x80, v5, vm0, $0xb8;
	[tilespmem:$0x1D100] =	vst v63  }
0x65: {  	v5 =	vld [tilespmem:$0x1010];
	_ =	sdelay $0x4  }
0x66: {  	v6 =	vshll.u32 v5, $0x1  }
0x67: {  	v5 =	vand.u32 $0x7, v5;
	v6 =	vand.u32 $0xFFFFFFF0, v6  }
0x68: {  	v5 =	vor.u32 v5, v6  }
0x69: {  	v6 =	vperm.xlane v5, v2;
	_ =	sdelay $0x1  }
0x6a: {  	v5 =	vperm.xlane v5, v4;
	v6 =	vadd.s32 v3, v6;
	_ =	sdelay $0x1  }
0x6b: {  	v5 =	vadd.s32 v3, v5;
	_ =	sdelay $0x1  }
0x6c: {  	s15 =	simm.s32 $0x2100  }
0x6d: {  	[tilespmem:s15], [sflag:$0x5] =	stream.indirect_vreg.gather [hbm4b:s6+s1], $0x80, v6, vm0, $0xb8;
	[tilespmem:$0x1D100] =	vst v63  }
0x6e: {  	s16 =	simm.s32 $0x2900  }
0x6f: {  	[tilespmem:s16], [sflag:$0x5] =	stream.indirect_vreg.gather [hbm4b:s6+s1], $0x80, v5, vm0, $0xb8;
	[tilespmem:$0x1D100] =	vst v63  }
0x70: {  	v5 =	vld [tilespmem:$0x1000];
	_ =	sdelay $0x4  }
0x71: {  	v6 =	vshll.u32 v5, $0x4  }
0x72: {  	v5 =	vand.u32 $0x7, v5;
	v6 =	vand.u32 $0xFFFFFF80, v6  }
0x73: {  	v5 =	vor.u32 v5, v6  }
0x74: {  	v6 =	vperm.xlane v5, v2;
	_ =	sdelay $0x1  }
0x75: {  	v6 =	vadd.s32 v3, v6;
	_ =	sdelay $0x4  }
0x76: {  	[tilespmem:s26], [sflag:$0x1] =	stream.indirect_vreg.gather [hbm4b:s21+s1], $0x80, v6, vm0, $0xb8;
	[tilespmem:$0x1D100] =	vst v63  }
0x77: {  	s17 =	simm.s32 $0x5900  }
0x78: {  	[tilespmem:s17], [sflag:$0x1] =	stream.indirect_vreg.gather [hbm4b:s7+s1], $0x80, v6, vm0, $0xb8;
	[tilespmem:$0x1D100] =	vst v63  }
0x79: {  	s18 =	simm.s32 $0x6100  }
0x7a: {  	[tilespmem:s18], [sflag:$0x1] =	stream.indirect_vreg.gather [hbm4b:s8+s1], $0x80, v6, vm0, $0xb8;
	[tilespmem:$0x1D100] =	vst v63  }
0x7b: {  	s19 =	simm.s32 $0x6900  }
0x7c: {  	[tilespmem:s19], [sflag:$0x1] =	stream.indirect_vreg.gather [hbm4b:s9+s1], $0x80, v6, vm0, $0xb8;
	[tilespmem:$0x1D100] =	vst v63  }
0x7d: {  	s20 =	simm.s32 $0x7100  }
0x7e: {  	[tilespmem:s20], [sflag:$0x1] =	stream.indirect_vreg.gather [hbm4b:s10+s1], $0x80, v6, vm0, $0xb8;
	[tilespmem:$0x1D100] =	vst v63  }
0x7f: {  	s22 =	simm.s32 $0x7900;
	v5 =	vperm.xlane v5, v4  }
0x80: {  	[tilespmem:s22], [sflag:$0x1] =	stream.indirect_vreg.gather [hbm4b:s11+s1], $0x80, v6, vm0, $0xb8;
	[tilespmem:$0x1D100] =	vst v63  }
0x81: {  	s23 =	simm.s32 $0x8100;
	v5 =	vadd.s32 v3, v5  }
0x82: {  	[tilespmem:s23], [sflag:$0x1] =	stream.indirect_vreg.gather [hbm4b:s12+s1], $0x80, v6, vm0, $0xb8;
	[tilespmem:$0x1D100] =	vst v63  }
0x83: {  	s24 =	simm.s32 $0x8900  }
0x84: {  	[tilespmem:s24], [sflag:$0x1] =	stream.indirect_vreg.gather [hbm4b:s13+s1], $0x80, v6, vm0, $0xb8;
	[tilespmem:$0x1D100] =	vst v63  }
0x85: {  	s25 =	simm.s32 $0x9100  }
0x86: {  	[tilespmem:s25], [sflag:$0x1] =	stream.indirect_vreg.gather [hbm4b:s21+s1], $0x80, v5, vm0, $0xb8;
	[tilespmem:$0x1D100] =	vst v63  }
0x87: {  	s28 =	simm.s32 $0x9900  }
0x88: {  	[tilespmem:s28], [sflag:$0x1] =	stream.indirect_vreg.gather [hbm4b:s7+s1], $0x80, v5, vm0, $0xb8;
	[tilespmem:$0x1D100] =	vst v63  }
0x89: {  	s29 =	simm.s32 $0xA100  }
0x8a: {  	[tilespmem:s29], [sflag:$0x1] =	stream.indirect_vreg.gather [hbm4b:s8+s1], $0x80, v5, vm0, $0xb8;
	[tilespmem:$0x1D100] =	vst v63  }
0x8b: {  	s30 =	simm.s32 $0xA900  }
0x8c: {  	[tilespmem:s30], [sflag:$0x1] =	stream.indirect_vreg.gather [hbm4b:s9+s1], $0x80, v5, vm0, $0xb8;
	[tilespmem:$0x1D100] =	vst v63  }
0x8d: {  	s2 =	simm.s32 $0xB100  }
0x8e: {  	[tilespmem:s2], [sflag:$0x1] =	stream.indirect_vreg.gather [hbm4b:s10+s1], $0x80, v5, vm0, $0xb8;
	[tilespmem:$0x1D100] =	vst v63  }
0x8f: {  	s3 =	simm.s32 $0xB900  }
0x90: {  	[tilespmem:s3], [sflag:$0x1] =	stream.indirect_vreg.gather [hbm4b:s11+s1], $0x80, v5, vm0, $0xb8;
	[tilespmem:$0x1D100] =	vst v63  }
0x91: {  	s4 =	simm.s32 $0xC100  }
0x92: {  	[tilespmem:s4], [sflag:$0x1] =	stream.indirect_vreg.gather [hbm4b:s12+s1], $0x80, v5, vm0, $0xb8;
	[tilespmem:$0x1D100] =	vst v63  }
0x93: {  	s5 =	simm.s32 $0xC900  }
0x94: {  	[tilespmem:s5], [sflag:$0x1] =	stream.indirect_vreg.gather [hbm4b:s13+s1], $0x80, v5, vm0, $0xb8;
	[tilespmem:$0x1D100] =	vst v63  }
0x95: {  	v5 =	vld [tilespmem:$0x1010];
	_ =	sdelay $0x4  }
0x96: {  	v6 =	vshll.u32 v5, $0x4  }
0x97: {  	v5 =	vand.u32 $0x7, v5;
	v6 =	vand.u32 $0xFFFFFF80, v6  }
0x98: {  	v5 =	vor.u32 v5, v6  }
0x99: {  	v6 =	vperm.xlane v5, v2;
	_ =	sdelay $0x1  }
0x9a: {  	v6 =	vadd.s32 v3, v6;
	_ =	sdelay $0x4  }
0x9b: {  	[tilespmem:s31], [sflag:$0x2] =	stream.indirect_vreg.gather [hbm4b:s21+s1], $0x80, v6, vm0, $0xb8;
	[tilespmem:$0x1D100] =	vst v63  }
0x9c: {  	s6 =	simm.s32 $0xD900  }
0x9d: {  	[tilespmem:s6], [sflag:$0x2] =	stream.indirect_vreg.gather [hbm4b:s7+s1], $0x80, v6, vm0, $0xb8;
	[tilespmem:$0x1D100] =	vst v63  }
0x9e: {  	s14 =	simm.s32 $0xE100  }
0x9f: {  	[tilespmem:s14], [sflag:$0x2] =	stream.indirect_vreg.gather [hbm4b:s8+s1], $0x80, v6, vm0, $0xb8;
	[tilespmem:$0x1D100] =	vst v63  }
0xa0: {  	s15 =	simm.s32 $0xE900  }
0xa1: {  	[tilespmem:s15], [sflag:$0x2] =	stream.indirect_vreg.gather [hbm4b:s9+s1], $0x80, v6, vm0, $0xb8;
	[tilespmem:$0x1D100] =	vst v63  }
0xa2: {  	s16 =	simm.s32 $0xF100  }
0xa3: {  	[tilespmem:s16], [sflag:$0x2] =	stream.indirect_vreg.gather [hbm4b:s10+s1], $0x80, v6, vm0, $0xb8;
	[tilespmem:$0x1D100] =	vst v63  }
0xa4: {  	s17 =	simm.s32 $0xF900;
	v5 =	vperm.xlane v5, v4  }
0xa5: {  	[tilespmem:s17], [sflag:$0x2] =	stream.indirect_vreg.gather [hbm4b:s11+s1], $0x80, v6, vm0, $0xb8;
	[tilespmem:$0x1D100] =	vst v63  }
0xa6: {  	s18 =	simm.s32 $0x10100;
	v5 =	vadd.s32 v3, v5  }
0xa7: {  	[tilespmem:s18], [sflag:$0x2] =	stream.indirect_vreg.gather [hbm4b:s12+s1], $0x80, v6, vm0, $0xb8;
	[tilespmem:$0x1D100] =	vst v63  }
0xa8: {  	s19 =	simm.s32 $0x10900  }
0xa9: {  	[tilespmem:s19], [sflag:$0x2] =	stream.indirect_vreg.gather [hbm4b:s13+s1], $0x80, v6, vm0, $0xb8;
	[tilespmem:$0x1D100] =	vst v63  }
0xaa: {  	s20 =	simm.s32 $0x11100  }
0xab: {  	[tilespmem:s20], [sflag:$0x2] =	stream.indirect_vreg.gather [hbm4b:s21+s1], $0x80, v5, vm0, $0xb8;
	[tilespmem:$0x1D100] =	vst v63  }
0xac: {  	s22 =	simm.s32 $0x11900  }
0xad: {  	[tilespmem:s22], [sflag:$0x2] =	stream.indirect_vreg.gather [hbm4b:s7+s1], $0x80, v5, vm0, $0xb8;
	[tilespmem:$0x1D100] =	vst v63  }
0xae: {  	s23 =	simm.s32 $0x12100  }
0xaf: {  	[tilespmem:s23], [sflag:$0x2] =	stream.indirect_vreg.gather [hbm4b:s8+s1], $0x80, v5, vm0, $0xb8;
	[tilespmem:$0x1D100] =	vst v63  }
0xb0: {  	s24 =	simm.s32 $0x12900  }
0xb1: {  	[tilespmem:s24], [sflag:$0x2] =	stream.indirect_vreg.gather [hbm4b:s9+s1], $0x80, v5, vm0, $0xb8;
	[tilespmem:$0x1D100] =	vst v63  }
0xb2: {  	s25 =	simm.s32 $0x13100  }
0xb3: {  	[tilespmem:s25], [sflag:$0x2] =	stream.indirect_vreg.gather [hbm4b:s10+s1], $0x80, v5, vm0, $0xb8;
	[tilespmem:$0x1D100] =	vst v63  }
0xb4: {  	s28 =	simm.s32 $0x13900  }
0xb5: {  	[tilespmem:s28], [sflag:$0x2] =	stream.indirect_vreg.gather [hbm4b:s11+s1], $0x80, v5, vm0, $0xb8;
	[tilespmem:$0x1D100] =	vst v63  }
0xb6: {  	s29 =	simm.s32 $0x14100  }
0xb7: {  	[tilespmem:s29], [sflag:$0x2] =	stream.indirect_vreg.gather [hbm4b:s12+s1], $0x80, v5, vm0, $0xb8;
	[tilespmem:$0x1D100] =	vst v63  }
0xb8: {  	s0 =	simm.s32 @!p0 $0x80;
	s30 =	simm.s32 $0x14900  }
0xb9: {  	[tilespmem:s30], [sflag:$0x2] =	stream.indirect_vreg.gather [hbm4b:s13+s1], $0x80, v5, vm0, $0xb8;
	[tilespmem:$0x1D100] =	vst v63  }
0xba: {  	s2 =	simm.s32 @!p0 $0x400;
	s3 =	simm.s32 @!p0 $0x800;
	s1 =	rddreg [dreg:$0x9]  }
0xbb: {  	[hbm4b:s1+s0] =	stream.strided.scatter @!p0 [tilespmem:s3], [sflag:$0x8], $0x400, s2, s0, $0x38;
	[tilespmem:$0x1D100] =	vst v63  }
0xbc: {  	s0 =	simm.s32 @!p0 $0x8  }
0xbd: {  	_ =	swait.ge @!p0 [sflag:s0], $0x400  }
0xbe: {  	[sflag:s0] =	ssyncset.done @!p0 $0x0  }
0xbf: {  	s18 =	simm.s32 $0x0;
	[sflag:s0] =	ssyncadd.s32 @!p0 $0xFFFFFC00  }
.LBB2_4:
0xc0: {  	s0 =	simm.s32 $0x1  }
0xc1: {  	_ =	swait.ge [sflag:s0], $0x8000  }
0xc2: {  	p2 =	seq.s32 s18, $0x0;
	[sflag:s0] =	ssyncset.done $0x0  }
0xc3: {  	[sflag:s0] =	ssyncadd.s32 $0xFFFF8000;
	s0 =	simm.s32 @!p2 $0x3  }
0xc4: {  	s19 =	sshll.u32 s18, $0x1;
	s6 =	simm.s32 $0xFFFFFFFE;
	_ =	swait.ge @!p2 [sflag:s0], $0x4000  }
0xc5: {  	s14 =	simm.s32 $0x800;
	s17 =	simm.s32 $0x0;
	[sflag:s0] =	ssyncset.done @!p2 $0x0  }
0xc6: {  	s20 =	simm.s32 $0x0;
	s28 =	simm.s32 $0x0;
	[sflag:s0] =	ssyncadd.s32 @!p2 $0xFFFFC000  }
.LBB2_5:
0xc7: {  	v5 =	vld [tilespmem:s14+$0x0];
	_ =	sdelay $0x4  }
0xc8: {  	v6 =	vshll.u32 v5, $0x3  }
0xc9: {  	v5 =	vand.u32 $0x7F, v5;
	v6 =	vand.u32 $0xFFFFFC00, v6  }
0xca: {  	v5 =	vor.u32 v5, v6  }
0xcb: {  	v6 =	vor.u32 $0x80, v5  }
0xcc: {  	v7 =	vor.u32 $0x100, v5  }
0xcd: {  	v8 =	vor.u32 $0x180, v5  }
0xce: {  	v9 =	vor.u32 $0x200, v5  }
0xcf: {  	v11 =	vor.u32 $0x280, v5;
	v10 =	vld.idx.msk [tilespmem:v5+s26+$0x0], $0xffff  }
0xd0: {  	v12 =	vor.u32 $0x300, v5;
	v6 =	vld.idx.msk [tilespmem:v6+s26+$0x0], $0xffff  }
0xd1: {  	v13 =	vor.u32 $0x380, v5;
	v7 =	vld.idx.msk [tilespmem:v7+s26+$0x0], $0xffff  }
0xd2: {  	v8 =	vld.idx.msk [tilespmem:v8+s26+$0x0], $0xffff  }
0xd3: {  	s2 =	sand.u32 $0x1C00, s28;
	v9 =	vld.idx.msk [tilespmem:v9+s26+$0x0], $0xffff  }
0xd4: {  	s15 =	sand.u32 $0x60, s17;
	s29 =	sadd.s32 $0x15100, s2;
	v11 =	vld.idx.msk [tilespmem:v11+s26+$0x0], $0xffff  }
0xd5: {  	s0 =	sor.u32 s15, s29;
	v12 =	vld.idx.msk [tilespmem:v12+s26+$0x0], $0xffff  }
0xd6: {  	v13 =	vld.idx.msk [tilespmem:v13+s26+$0x0], $0xffff;
	[tilespmem:s0+$0x0] =	vst v10  }
0xd7: {  	[tilespmem:s0+$0x80] =	vst v6  }
0xd8: {  	s3 =	sand.u32 $0x3, s20;
	[tilespmem:s0+$0x100] =	vst v7  }
0xd9: {  	s3 =	sshll.u32 s3, $0x5;
	v49 =	vadd.s32 $0x4100, v5;
	[tilespmem:s0+$0x180] =	vst v8  }
0xda: {  	s30 =	sadd.s32 s3, s28;
	v50 =	vadd.s32 $0x4180, v5;
	[tilespmem:s0+$0x200] =	vst v9  }
0xdb: {  	s4 =	sor.u32 s28, s17;
	s3 =	sor.u32 $0x300, s30;
	v6 =	vadd.s32 $0x4000, v5;
	[tilespmem:s0+$0x280] =	vst v11  }
0xdc: {  	s5 =	sor.u32 $0x380, s4;
	v7 =	vadd.s32 $0x4080, v5;
	[tilespmem:s3+$0x15100] =	vst v12  }
0xdd: {  	v51 =	vadd.s32 $0x4200, v5;
	[tilespmem:s5+$0x15100] =	vst v13  }
0xde: {  	v52 =	vadd.s32 $0x4280, v5;
	v8 =	vld.idx.msk [tilespmem:v49+s26+$0x0], $0xffff  }
0xdf: {  	v53 =	vadd.s32 $0x4300, v5;
	v9 =	vld.idx.msk [tilespmem:v50+s26+$0x0], $0xffff  }
0xe0: {  	v5 =	vadd.s32 $0x4380, v5;
	v6 =	vld.idx.msk [tilespmem:v6+s26+$0x0], $0xffff  }
0xe1: {  	v7 =	vld.idx.msk [tilespmem:v7+s26+$0x0], $0xffff  }
0xe2: {  	v10 =	vld.idx.msk [tilespmem:v51+s26+$0x0], $0xffff  }
0xe3: {  	s0 =	sadd.s32 $0x17100, s2;
	v11 =	vld.idx.msk [tilespmem:v52+s26+$0x0], $0xffff  }
0xe4: {  	s4 =	sor.u32 s15, s0;
	s3 =	sadd.s32 $0x17180, s2;
	v12 =	vld.idx.msk [tilespmem:v53+s26+$0x0], $0xffff  }
0xe5: {  	s16 =	sor.u32 s15, s3;
	s5 =	sadd.s32 $0x17200, s2;
	v5 =	vld.idx.msk [tilespmem:v5+s26+$0x0], $0xffff;
	[tilespmem:s4+$0x0] =	vst v6  }
0xe6: {  	s23 =	sadd.s32 $0x17280, s2;
	s22 =	sor.u32 s15, s5;
	[tilespmem:s16+$0x0] =	vst v7  }
0xe7: {  	s25 =	sadd.s32 $0x17300, s2;
	s24 =	sor.u32 s15, s23;
	[tilespmem:s22+$0x0] =	vst v8  }
0xe8: {  	s4 =	sadd.s32 $0x17380, s2;
	s22 =	sor.u32 s15, s25;
	[tilespmem:s24+$0x0] =	vst v9  }
0xe9: {  	s24 =	sor.u32 s15, s4;
	[tilespmem:s22+$0x0] =	vst v10;
	s22 =	sadd.s32 $0x17400, s2  }
0xea: {  	[tilespmem:s24+$0x0] =	vst v11;
	s16 =	sor.u32 s15, s22;
	s24 =	sadd.s32 $0x17480, s2  }
0xeb: {  	s1 =	sand.u32 $0x380, s17;
	s2 =	sor.u32 $0x10, s15;
	[tilespmem:s16+$0x0] =	vst v12;
	s16 =	sor.u32 s15, s24  }
0xec: {  	s15 =	sor.u32 s2, s1;
	[tilespmem:s16+$0x0] =	vst v5  }
0xed: {  	v5 =	vld [tilespmem:s15+$0x800];
	_ =	sdelay $0x4  }
0xee: {  	v6 =	vshll.u32 v5, $0x3  }
0xef: {  	v5 =	vand.u32 $0x7F, v5;
	v6 =	vand.u32 $0xFFFFFC00, v6  }
0xf0: {  	v5 =	vor.u32 v5, v6  }
0xf1: {  	v6 =	vor.u32 $0x80, v5  }
0xf2: {  	v7 =	vor.u32 $0x100, v5  }
0xf3: {  	v54 =	vor.u32 $0x180, v5  }
0xf4: {  	v55 =	vor.u32 $0x200, v5  }
0xf5: {  	v56 =	vor.u32 $0x280, v5;
	v10 =	vld.idx.msk [tilespmem:v5+s26+$0x0], $0xffff  }
0xf6: {  	v57 =	vor.u32 $0x300, v5;
	v6 =	vld.idx.msk [tilespmem:v6+s26+$0x0], $0xffff  }
0xf7: {  	v58 =	vor.u32 $0x380, v5;
	v7 =	vld.idx.msk [tilespmem:v7+s26+$0x0], $0xffff  }
0xf8: {  	v8 =	vld.idx.msk [tilespmem:v54+s26+$0x0], $0xffff  }
0xf9: {  	v9 =	vld.idx.msk [tilespmem:v55+s26+$0x0], $0xffff  }
0xfa: {  	v11 =	vld.idx.msk [tilespmem:v56+s26+$0x0], $0xffff  }
0xfb: {  	s16 =	sor.u32 s2, s29;
	v12 =	vld.idx.msk [tilespmem:v57+s26+$0x0], $0xffff  }
0xfc: {  	v13 =	vld.idx.msk [tilespmem:v58+s26+$0x0], $0xffff;
	[tilespmem:s16+$0x0] =	vst v10  }
0xfd: {  	[tilespmem:s16+$0x80] =	vst v6  }
0xfe: {  	[tilespmem:s16+$0x100] =	vst v7  }
0xff: {  	v59 =	vadd.s32 $0x4100, v5;
	[tilespmem:s16+$0x180] =	vst v8  }
0x100: {  	s29 =	sadd.s32 $0x10, s30;
	v60 =	vadd.s32 $0x4180, v5;
	[tilespmem:s16+$0x200] =	vst v9  }
0x101: {  	s30 =	sor.u32 $0x300, s29;
	v6 =	vadd.s32 $0x4000, v5;
	[tilespmem:s16+$0x280] =	vst v11  }
0x102: {  	s1 =	sor.u32 $0x380, s29;
	v7 =	vadd.s32 $0x4080, v5;
	[tilespmem:s30+$0x15100] =	vst v12  }
0x103: {  	v61 =	vadd.s32 $0x4200, v5;
	[tilespmem:s1+$0x15100] =	vst v13  }
0x104: {  	v62 =	vadd.s32 $0x4280, v5;
	v8 =	vld.idx.msk [tilespmem:v59+s26+$0x0], $0xffff  }
0x105: {  	v63 =	vadd.s32 $0x4300, v5;
	v9 =	vld.idx.msk [tilespmem:v60+s26+$0x0], $0xffff  }
0x106: {  	v5 =	vadd.s32 $0x4380, v5;
	v6 =	vld.idx.msk [tilespmem:v6+s26+$0x0], $0xffff  }
0x107: {  	v7 =	vld.idx.msk [tilespmem:v7+s26+$0x0], $0xffff  }
0x108: {  	v10 =	vld.idx.msk [tilespmem:v61+s26+$0x0], $0xffff  }
0x109: {  	v11 =	vld.idx.msk [tilespmem:v62+s26+$0x0], $0xffff  }
0x10a: {  	s0 =	sor.u32 s2, s0;
	v12 =	vld.idx.msk [tilespmem:v63+s26+$0x0], $0xffff  }
0x10b: {  	s3 =	sor.u32 s2, s3;
	v5 =	vld.idx.msk [tilespmem:v5+s26+$0x0], $0xffff;
	[tilespmem:s0+$0x0] =	vst v6  }
0x10c: {  	s6 =	sadd.s32 $0x2, s6;
	s15 =	sor.u32 s2, s5;
	[tilespmem:s3+$0x0] =	vst v7  }
0x10d: {  	p1 =	slt.u32 s6, $0x3E;
	s16 =	sor.u32 s2, s23;
	[tilespmem:s15+$0x0] =	vst v8  }
.Ltmp1:
0x10e: {  	s23 =	sor.u32 s2, s25;
	[tilespmem:s16+$0x0] =	vst v9;
	(pc) =	sbr.rel @p1 .LBB2_5-.Ltmp1, $4  }
0x10f: {  	s25 =	sor.u32 s2, s4;
	[tilespmem:s23+$0x0] =	vst v10  }
0x110: {  	s29 =	sor.u32 s2, s22;
	[tilespmem:s25+$0x0] =	vst v11  }
0x111: {  	s20 =	sadd.s32 $0x1, s20;
	s30 =	sor.u32 s2, s24;
	[tilespmem:s29+$0x0] =	vst v12  }
0x112: {  	s17 =	sadd.s32 $0x20, s17;
	s14 =	sadd.s32 $0x20, s14;
	s28 =	sadd.s32 $0x100, s28;
	[tilespmem:s30+$0x0] =	vst v5  }
0x113: {  	p1 =	seq.s32 s18, $0x7  }
0x114: {  	s0 =	sshll.u32 @!p1 s18, $0x5  }
0x115: {  	s6 =	sand.u32 @!p1 $0x3FFFFFE0, s0  }
0x116: {  	v5 =	vld @!p1 [tilespmem:s6+$0x1020];
	_ =	sdelay $0x4  }
0x117: {  	v6 =	vshll.u32 @!p1 v5, $0x4  }
0x118: {  	v7 =	vlaneseq.u32 @!p1;
	v5 =	vand.u32 @!p1 $0x7, v5;
	v6 =	vand.u32 @!p1 $0xFFFFFF80, v6  }
0x119: {  	v8 =	vshrl.u32 @!p1 v7, $0x3;
	v5 =	vor.u32 @!p1 v5, v6;
	v6 =	vand.u32 @!p1 $0x7, v7  }
0x11a: {  	v8 =	vmul.u32 @!p1 $0x8, v8;
	v6 =	vperm.xlane @!p1 v5, v6;
	_ =	sdelay $0x1  }
0x11b: {  	v6 =	vadd.s32 @!p1 v8, v6;
	_ =	sdelay $0x3  }
0x11c: {  	vm1 =	vmmov @!p1 $0xffff;
	s2 =	simm.s32 @!p1 $0x5100;
	s0 =	simm.s32 @!p1 $0x0  }
0x11d: {  	[tilespmem:s2], [sflag:$0x1] =	stream.indirect_vreg.gather @!p1 [hbm4b:s21+s0], $0x80, v6, vm1, $0xb8;
	[tilespmem:$0x1D100] =	vst v63  }
0x11e: {  	s2 =	simm.s32 @!p1 $0x5900  }
0x11f: {  	[tilespmem:s2], [sflag:$0x1] =	stream.indirect_vreg.gather @!p1 [hbm4b:s7+s0], $0x80, v6, vm1, $0xb8;
	[tilespmem:$0x1D100] =	vst v63  }
0x120: {  	s2 =	simm.s32 @!p1 $0x6100  }
0x121: {  	[tilespmem:s2], [sflag:$0x1] =	stream.indirect_vreg.gather @!p1 [hbm4b:s8+s0], $0x80, v6, vm1, $0xb8;
	[tilespmem:$0x1D100] =	vst v63  }
0x122: {  	s2 =	simm.s32 @!p1 $0x6900  }
0x123: {  	[tilespmem:s2], [sflag:$0x1] =	stream.indirect_vreg.gather @!p1 [hbm4b:s9+s0], $0x80, v6, vm1, $0xb8;
	[tilespmem:$0x1D100] =	vst v63  }
0x124: {  	s2 =	simm.s32 @!p1 $0x7100  }
0x125: {  	v7 =	vor.u32 @!p1 $0x8, v7;
	[tilespmem:s2], [sflag:$0x1] =	stream.indirect_vreg.gather @!p1 [hbm4b:s10+s0], $0x80, v6, vm1, $0xb8;
	[tilespmem:$0x1D100] =	vst v63  }
0x126: {  	v5 =	vperm.xlane @!p1 v5, v7;
	s2 =	simm.s32 @!p1 $0x7900  }
0x127: {  	[tilespmem:s2], [sflag:$0x1] =	stream.indirect_vreg.gather @!p1 [hbm4b:s11+s0], $0x80, v6, vm1, $0xb8;
	[tilespmem:$0x1D100] =	vst v63  }
0x128: {  	v5 =	vadd.s32 @!p1 v8, v5;
	s2 =	simm.s32 @!p1 $0x8100  }
0x129: {  	[tilespmem:s2], [sflag:$0x1] =	stream.indirect_vreg.gather @!p1 [hbm4b:s12+s0], $0x80, v6, vm1, $0xb8;
	[tilespmem:$0x1D100] =	vst v63  }
0x12a: {  	s2 =	simm.s32 @!p1 $0x8900  }
0x12b: {  	[tilespmem:s2], [sflag:$0x1] =	stream.indirect_vreg.gather @!p1 [hbm4b:s13+s0], $0x80, v6, vm1, $0xb8;
	[tilespmem:$0x1D100] =	vst v63  }
0x12c: {  	s2 =	simm.s32 @!p1 $0x9100  }
0x12d: {  	[tilespmem:s2], [sflag:$0x1] =	stream.indirect_vreg.gather @!p1 [hbm4b:s21+s0], $0x80, v5, vm1, $0xb8;
	[tilespmem:$0x1D100] =	vst v63  }
0x12e: {  	s2 =	simm.s32 @!p1 $0x9900  }
0x12f: {  	[tilespmem:s2], [sflag:$0x1] =	stream.indirect_vreg.gather @!p1 [hbm4b:s7+s0], $0x80, v5, vm1, $0xb8;
	[tilespmem:$0x1D100] =	vst v63  }
0x130: {  	s2 =	simm.s32 @!p1 $0xA100  }
0x131: {  	[tilespmem:s2], [sflag:$0x1] =	stream.indirect_vreg.gather @!p1 [hbm4b:s8+s0], $0x80, v5, vm1, $0xb8;
	[tilespmem:$0x1D100] =	vst v63  }
0x132: {  	s2 =	simm.s32 @!p1 $0xA900  }
0x133: {  	[tilespmem:s2], [sflag:$0x1] =	stream.indirect_vreg.gather @!p1 [hbm4b:s9+s0], $0x80, v5, vm1, $0xb8;
	[tilespmem:$0x1D100] =	vst v63  }
0x134: {  	s2 =	simm.s32 @!p1 $0xB100  }
0x135: {  	[tilespmem:s2], [sflag:$0x1] =	stream.indirect_vreg.gather @!p1 [hbm4b:s10+s0], $0x80, v5, vm1, $0xb8;
	[tilespmem:$0x1D100] =	vst v63  }
0x136: {  	s22 =	sshll.u32 s18, $0xC;
	s2 =	simm.s32 @!p1 $0xB900  }
0x137: {  	[tilespmem:s2], [sflag:$0x1] =	stream.indirect_vreg.gather @!p1 [hbm4b:s11+s0], $0x80, v5, vm1, $0xb8;
	[tilespmem:$0x1D100] =	vst v63  }
0x138: {  	s23 =	rddreg [dreg:$0xa];
	s25 =	sand.u32 $0x1, s18;
	s2 =	simm.s32 @!p1 $0xC100  }
0x139: {  	[tilespmem:s2], [sflag:$0x1] =	stream.indirect_vreg.gather @!p1 [hbm4b:s12+s0], $0x80, v5, vm1, $0xb8;
	[tilespmem:$0x1D100] =	vst v63  }
0x13a: {  	s24 =	simm.s32 $0x0;
	p3 =	seq.s32 s25, $0x1;
	s2 =	simm.s32 @!p1 $0xC900  }
0x13b: {  	[tilespmem:s2], [sflag:$0x1] =	stream.indirect_vreg.gather @!p1 [hbm4b:s13+s0], $0x80, v5, vm1, $0xb8;
	[tilespmem:$0x1D100] =	vst v63  }
0x13c: {  	s3 =	simm.s32 $0x15100;
	s0 =	sadd.s32 s22, s23;
	s2 =	simm.s32 @!p3 $0x5  }
0x13d: {  	[hbm4b:s0+s24] =	stream.linear.scatter [tilespmem:s3], [sflag:$0x3], $0x4000, $0x38;
	[tilespmem:$0x1D100] =	vst v63  }
0x13e: {  	_ =	swait.ge @!p3 [sflag:s2], $0x2000  }
0x13f: {  	p4 =	seq.s32 s25, $0x0;
	s4 =	simm.s32 @!p3 $0x1100;
	[sflag:s2] =	ssyncset.done @!p3 $0x0  }
0x140: {  	s5 =	rddreg [dreg:$0xb];
	[sflag:s2] =	ssyncadd.s32 @!p3 $0xFFFFE000;
	s2 =	sshll.u32 @!p3 s18, $0xA  }
0x141: {  	s3 =	simm.s32 @!p3 $0x0;
	s0 =	simm.s32 @!p4 $0x5;
	s2 =	sadd.s32 @!p3 s2, s5  }
0x142: {  	[hbm4b:s2+s3] =	stream.linear.scatter @!p3 [tilespmem:s4], [sflag:$0x6], $0x2000, $0x38;
	[tilespmem:$0x1D100] =	vst v63  }
0x143: {  	_ =	swait.ge @!p4 [sflag:s0], $0x2000  }
0x144: {  	[sflag:s0] =	ssyncset.done @!p4 $0x0  }
0x145: {  	s30 =	simm.s32 $0x2;
	[sflag:s0] =	ssyncadd.s32 @!p4 $0xFFFFE000;
	s0 =	sshll.u32 @!p4 s18, $0xA  }
0x146: {  	s2 =	simm.s32 @!p4 $0x0;
	s3 =	simm.s32 @!p4 $0x3100;
	s0 =	sadd.s32 @!p4 s0, s5  }
0x147: {  	[hbm4b:s0+s2] =	stream.linear.scatter @!p4 [tilespmem:s3], [sflag:$0x7], $0x2000, $0x38;
	[tilespmem:$0x1D100] =	vst v63  }
0x148: {  	_ =	swait.ge [sflag:s30], $0x8000  }
0x149: {  	[sflag:s30] =	ssyncset.done $0x0  }
0x14a: {  	s1 =	smov.u32 s21;
	s0 =	simm.s32 @!p2 $0x4;
	[sflag:s30] =	ssyncadd.s32 $0xFFFF8000  }
0x14b: {  	s19 =	sor.u32 $0x1, s19;
	s14 =	simm.s32 $0xFFFFFFFE;
	_ =	swait.ge @!p2 [sflag:s0], $0x4000  }
0x14c: {  	s17 =	simm.s32 $0x0;
	s20 =	simm.s32 $0x800;
	[sflag:s0] =	ssyncset.done @!p2 $0x0  }
0x14d: {  	s28 =	simm.s32 $0x0;
	s29 =	simm.s32 $0x0;
	[sflag:s0] =	ssyncadd.s32 @!p2 $0xFFFFC000  }
.LBB2_7:
0x14e: {  	v5 =	vld [tilespmem:s20+$0x0];
	_ =	sdelay $0x4  }
0x14f: {  	v6 =	vshll.u32 v5, $0x3  }
0x150: {  	v5 =	vand.u32 $0x7F, v5;
	v6 =	vand.u32 $0xFFFFFC00, v6  }
0x151: {  	v5 =	vor.u32 v5, v6  }
0x152: {  	v6 =	vor.u32 $0x80, v5  }
0x153: {  	v7 =	vor.u32 $0x100, v5  }
0x154: {  	v8 =	vor.u32 $0x180, v5  }
0x155: {  	v9 =	vor.u32 $0x200, v5  }
0x156: {  	v11 =	vor.u32 $0x280, v5;
	v10 =	vld.idx.msk [tilespmem:v5+s31+$0x0], $0xffff  }
0x157: {  	v12 =	vor.u32 $0x300, v5;
	v6 =	vld.idx.msk [tilespmem:v6+s31+$0x0], $0xffff  }
0x158: {  	v13 =	vor.u32 $0x380, v5;
	v7 =	vld.idx.msk [tilespmem:v7+s31+$0x0], $0xffff  }
0x159: {  	v8 =	vld.idx.msk [tilespmem:v8+s31+$0x0], $0xffff  }
0x15a: {  	s2 =	sand.u32 $0x1C00, s29;
	v9 =	vld.idx.msk [tilespmem:v9+s31+$0x0], $0xffff  }
0x15b: {  	s15 =	sand.u32 $0x60, s17;
	s30 =	sadd.s32 $0x19100, s2;
	v11 =	vld.idx.msk [tilespmem:v11+s31+$0x0], $0xffff  }
0x15c: {  	s3 =	sor.u32 s15, s30;
	v12 =	vld.idx.msk [tilespmem:v12+s31+$0x0], $0xffff  }
0x15d: {  	v13 =	vld.idx.msk [tilespmem:v13+s31+$0x0], $0xffff;
	[tilespmem:s3+$0x0] =	vst v10  }
0x15e: {  	[tilespmem:s3+$0x80] =	vst v6  }
0x15f: {  	s0 =	sand.u32 $0x3, s28;
	[tilespmem:s3+$0x100] =	vst v7  }
0x160: {  	s0 =	sshll.u32 s0, $0x5;
	v49 =	vadd.s32 $0x4100, v5;
	[tilespmem:s3+$0x180] =	vst v8  }
0x161: {  	s0 =	sadd.s32 s0, s29;
	v50 =	vadd.s32 $0x4180, v5;
	[tilespmem:s3+$0x200] =	vst v9  }
0x162: {  	s4 =	sor.u32 s29, s17;
	s25 =	sor.u32 $0x300, s0;
	v6 =	vadd.s32 $0x4000, v5;
	[tilespmem:s3+$0x280] =	vst v11  }
0x163: {  	s5 =	sor.u32 $0x380, s4;
	v7 =	vadd.s32 $0x4080, v5;
	[tilespmem:s25+$0x19100] =	vst v12  }
0x164: {  	v51 =	vadd.s32 $0x4200, v5;
	[tilespmem:s5+$0x19100] =	vst v13  }
0x165: {  	v52 =	vadd.s32 $0x4280, v5;
	v8 =	vld.idx.msk [tilespmem:v49+s31+$0x0], $0xffff  }
0x166: {  	v53 =	vadd.s32 $0x4300, v5;
	v9 =	vld.idx.msk [tilespmem:v50+s31+$0x0], $0xffff  }
0x167: {  	v5 =	vadd.s32 $0x4380, v5;
	v6 =	vld.idx.msk [tilespmem:v6+s31+$0x0], $0xffff  }
0x168: {  	v7 =	vld.idx.msk [tilespmem:v7+s31+$0x0], $0xffff  }
0x169: {  	v10 =	vld.idx.msk [tilespmem:v51+s31+$0x0], $0xffff  }
0x16a: {  	s3 =	sadd.s32 $0x1B100, s2;
	v11 =	vld.idx.msk [tilespmem:v52+s31+$0x0], $0xffff  }
0x16b: {  	s16 =	sor.u32 s15, s3;
	s5 =	sadd.s32 $0x1B180, s2;
	v12 =	vld.idx.msk [tilespmem:v53+s31+$0x0], $0xffff  }
0x16c: {  	s23 =	sadd.s32 $0x1B200, s2;
	s21 =	sor.u32 s15, s5;
	v5 =	vld.idx.msk [tilespmem:v5+s31+$0x0], $0xffff;
	[tilespmem:s16+$0x0] =	vst v6  }
0x16d: {  	s22 =	sor.u32 s15, s23;
	s25 =	sadd.s32 $0x1B280, s2;
	[tilespmem:s21+$0x0] =	vst v7  }
0x16e: {  	s4 =	sadd.s32 $0x1B300, s2;
	s16 =	sor.u32 s15, s25;
	[tilespmem:s22+$0x0] =	vst v8  }
0x16f: {  	s24 =	sor.u32 s15, s4;
	s22 =	sadd.s32 $0x1B380, s2;
	[tilespmem:s16+$0x0] =	vst v9  }
0x170: {  	s21 =	sor.u32 s15, s22;
	[tilespmem:s24+$0x0] =	vst v10;
	s24 =	sadd.s32 $0x1B400, s2  }
0x171: {  	s2 =	sadd.s32 $0x1B480, s2;
	[tilespmem:s21+$0x0] =	vst v11;
	s21 =	sor.u32 s15, s24  }
0x172: {  	s16 =	sor.u32 s15, s2;
	s15 =	sor.u32 $0x10, s15;
	[tilespmem:s21+$0x0] =	vst v12;
	s21 =	sand.u32 $0x380, s17  }
0x173: {  	[tilespmem:s16+$0x0] =	vst v5;
	s21 =	sor.u32 s15, s21  }
0x174: {  	v5 =	vld [tilespmem:s21+$0x800];
	_ =	sdelay $0x4  }
0x175: {  	v6 =	vshll.u32 v5, $0x3  }
0x176: {  	v5 =	vand.u32 $0x7F, v5;
	v6 =	vand.u32 $0xFFFFFC00, v6  }
0x177: {  	v5 =	vor.u32 v5, v6  }
0x178: {  	v6 =	vor.u32 $0x80, v5  }
0x179: {  	v7 =	vor.u32 $0x100, v5  }
0x17a: {  	v54 =	vor.u32 $0x180, v5  }
0x17b: {  	v55 =	vor.u32 $0x200, v5  }
0x17c: {  	v56 =	vor.u32 $0x280, v5;
	v10 =	vld.idx.msk [tilespmem:v5+s31+$0x0], $0xffff  }
0x17d: {  	v57 =	vor.u32 $0x300, v5;
	v6 =	vld.idx.msk [tilespmem:v6+s31+$0x0], $0xffff  }
0x17e: {  	v58 =	vor.u32 $0x380, v5;
	v7 =	vld.idx.msk [tilespmem:v7+s31+$0x0], $0xffff  }
0x17f: {  	v8 =	vld.idx.msk [tilespmem:v54+s31+$0x0], $0xffff  }
0x180: {  	v9 =	vld.idx.msk [tilespmem:v55+s31+$0x0], $0xffff  }
0x181: {  	v11 =	vld.idx.msk [tilespmem:v56+s31+$0x0], $0xffff  }
0x182: {  	s30 =	sor.u32 s15, s30;
	v12 =	vld.idx.msk [tilespmem:v57+s31+$0x0], $0xffff  }
0x183: {  	v13 =	vld.idx.msk [tilespmem:v58+s31+$0x0], $0xffff;
	[tilespmem:s30+$0x0] =	vst v10  }
0x184: {  	[tilespmem:s30+$0x80] =	vst v6  }
0x185: {  	[tilespmem:s30+$0x100] =	vst v7  }
0x186: {  	v59 =	vadd.s32 $0x4100, v5;
	[tilespmem:s30+$0x180] =	vst v8  }
0x187: {  	s0 =	sadd.s32 $0x10, s0;
	v60 =	vadd.s32 $0x4180, v5;
	[tilespmem:s30+$0x200] =	vst v9  }
0x188: {  	s21 =	sor.u32 $0x300, s0;
	v6 =	vadd.s32 $0x4000, v5;
	[tilespmem:s30+$0x280] =	vst v11  }
0x189: {  	s0 =	sor.u32 $0x380, s0;
	v7 =	vadd.s32 $0x4080, v5;
	[tilespmem:s21+$0x19100] =	vst v12  }
0x18a: {  	v61 =	vadd.s32 $0x4200, v5;
	[tilespmem:s0+$0x19100] =	vst v13  }
0x18b: {  	v62 =	vadd.s32 $0x4280, v5;
	v8 =	vld.idx.msk [tilespmem:v59+s31+$0x0], $0xffff  }
0x18c: {  	v63 =	vadd.s32 $0x4300, v5;
	v9 =	vld.idx.msk [tilespmem:v60+s31+$0x0], $0xffff  }
0x18d: {  	v5 =	vadd.s32 $0x4380, v5;
	v6 =	vld.idx.msk [tilespmem:v6+s31+$0x0], $0xffff  }
0x18e: {  	v7 =	vld.idx.msk [tilespmem:v7+s31+$0x0], $0xffff  }
0x18f: {  	v10 =	vld.idx.msk [tilespmem:v61+s31+$0x0], $0xffff  }
0x190: {  	v11 =	vld.idx.msk [tilespmem:v62+s31+$0x0], $0xffff  }
0x191: {  	s30 =	sor.u32 s15, s3;
	v12 =	vld.idx.msk [tilespmem:v63+s31+$0x0], $0xffff  }
0x192: {  	s3 =	sor.u32 s15, s5;
	v5 =	vld.idx.msk [tilespmem:v5+s31+$0x0], $0xffff;
	[tilespmem:s30+$0x0] =	vst v6  }
0x193: {  	s14 =	sadd.s32 $0x2, s14;
	s5 =	sor.u32 s15, s23;
	[tilespmem:s3+$0x0] =	vst v7  }
0x194: {  	p2 =	slt.u32 s14, $0x3E;
	s16 =	sor.u32 s15, s25;
	[tilespmem:s5+$0x0] =	vst v8  }
.Ltmp2:
0x195: {  	s21 =	sor.u32 s15, s4;
	[tilespmem:s16+$0x0] =	vst v9;
	(pc) =	sbr.rel @p2 .LBB2_7-.Ltmp2, $4  }
0x196: {  	s23 =	sor.u32 s15, s22;
	[tilespmem:s21+$0x0] =	vst v10  }
0x197: {  	s25 =	sor.u32 s15, s24;
	[tilespmem:s23+$0x0] =	vst v11  }
0x198: {  	s28 =	sadd.s32 $0x1, s28;
	s30 =	sor.u32 s15, s2;
	[tilespmem:s25+$0x0] =	vst v12  }
0x199: {  	s20 =	sadd.s32 $0x20, s20;
	s29 =	sadd.s32 $0x100, s29;
	s17 =	sadd.s32 $0x20, s17;
	[tilespmem:s30+$0x0] =	vst v5  }
0x19a: {  	v5 =	vld @!p1 [tilespmem:s6+$0x1030];
	_ =	sdelay $0x4  }
0x19b: {  	v6 =	vshll.u32 @!p1 v5, $0x4  }
0x19c: {  	v7 =	vlaneseq.u32 @!p1;
	v5 =	vand.u32 @!p1 $0x7, v5;
	v6 =	vand.u32 @!p1 $0xFFFFFF80, v6  }
0x19d: {  	v8 =	vshrl.u32 @!p1 v7, $0x3;
	v5 =	vor.u32 @!p1 v5, v6;
	v6 =	vand.u32 @!p1 $0x7, v7  }
0x19e: {  	v8 =	vmul.u32 @!p1 $0x8, v8;
	v6 =	vperm.xlane @!p1 v5, v6;
	_ =	sdelay $0x1  }
0x19f: {  	v6 =	vadd.s32 @!p1 v8, v6;
	_ =	sdelay $0x3  }
0x1a0: {  	s0 =	simm.s32 @!p1 $0x0;
	s2 =	simm.s32 @!p1 $0xD100  }
0x1a1: {  	[tilespmem:s2], [sflag:$0x2] =	stream.indirect_vreg.gather @!p1 [hbm4b:s1+s0], $0x80, v6, vm1, $0xb8;
	[tilespmem:$0x1D100] =	vst v63  }
0x1a2: {  	s2 =	simm.s32 @!p1 $0xD900  }
0x1a3: {  	[tilespmem:s2], [sflag:$0x2] =	stream.indirect_vreg.gather @!p1 [hbm4b:s7+s0], $0x80, v6, vm1, $0xb8;
	[tilespmem:$0x1D100] =	vst v63  }
0x1a4: {  	s2 =	simm.s32 @!p1 $0xE100  }
0x1a5: {  	[tilespmem:s2], [sflag:$0x2] =	stream.indirect_vreg.gather @!p1 [hbm4b:s8+s0], $0x80, v6, vm1, $0xb8;
	[tilespmem:$0x1D100] =	vst v63  }
0x1a6: {  	s2 =	simm.s32 @!p1 $0xE900  }
0x1a7: {  	[tilespmem:s2], [sflag:$0x2] =	stream.indirect_vreg.gather @!p1 [hbm4b:s9+s0], $0x80, v6, vm1, $0xb8;
	[tilespmem:$0x1D100] =	vst v63  }
0x1a8: {  	s2 =	simm.s32 @!p1 $0xF100  }
0x1a9: {  	v7 =	vor.u32 @!p1 $0x8, v7;
	[tilespmem:s2], [sflag:$0x2] =	stream.indirect_vreg.gather @!p1 [hbm4b:s10+s0], $0x80, v6, vm1, $0xb8;
	[tilespmem:$0x1D100] =	vst v63  }
0x1aa: {  	v5 =	vperm.xlane @!p1 v5, v7;
	s2 =	simm.s32 @!p1 $0xF900  }
0x1ab: {  	[tilespmem:s2], [sflag:$0x2] =	stream.indirect_vreg.gather @!p1 [hbm4b:s11+s0], $0x80, v6, vm1, $0xb8;
	[tilespmem:$0x1D100] =	vst v63  }
0x1ac: {  	v5 =	vadd.s32 @!p1 v8, v5;
	s2 =	simm.s32 @!p1 $0x10100  }
0x1ad: {  	[tilespmem:s2], [sflag:$0x2] =	stream.indirect_vreg.gather @!p1 [hbm4b:s12+s0], $0x80, v6, vm1, $0xb8;
	[tilespmem:$0x1D100] =	vst v63  }
0x1ae: {  	s2 =	simm.s32 @!p1 $0x10900  }
0x1af: {  	[tilespmem:s2], [sflag:$0x2] =	stream.indirect_vreg.gather @!p1 [hbm4b:s13+s0], $0x80, v6, vm1, $0xb8;
	[tilespmem:$0x1D100] =	vst v63  }
0x1b0: {  	s2 =	simm.s32 @!p1 $0x11100  }
0x1b1: {  	[tilespmem:s2], [sflag:$0x2] =	stream.indirect_vreg.gather @!p1 [hbm4b:s1+s0], $0x80, v5, vm1, $0xb8;
	[tilespmem:$0x1D100] =	vst v63  }
0x1b2: {  	s2 =	simm.s32 @!p1 $0x11900  }
0x1b3: {  	[tilespmem:s2], [sflag:$0x2] =	stream.indirect_vreg.gather @!p1 [hbm4b:s7+s0], $0x80, v5, vm1, $0xb8;
	[tilespmem:$0x1D100] =	vst v63  }
0x1b4: {  	s2 =	simm.s32 @!p1 $0x12100  }
0x1b5: {  	[tilespmem:s2], [sflag:$0x2] =	stream.indirect_vreg.gather @!p1 [hbm4b:s8+s0], $0x80, v5, vm1, $0xb8;
	[tilespmem:$0x1D100] =	vst v63  }
0x1b6: {  	s2 =	simm.s32 @!p1 $0x12900  }
0x1b7: {  	[tilespmem:s2], [sflag:$0x2] =	stream.indirect_vreg.gather @!p1 [hbm4b:s9+s0], $0x80, v5, vm1, $0xb8;
	[tilespmem:$0x1D100] =	vst v63  }
0x1b8: {  	s2 =	simm.s32 @!p1 $0x13100  }
0x1b9: {  	[tilespmem:s2], [sflag:$0x2] =	stream.indirect_vreg.gather @!p1 [hbm4b:s10+s0], $0x80, v5, vm1, $0xb8;
	[tilespmem:$0x1D100] =	vst v63  }
0x1ba: {  	s2 =	simm.s32 @!p1 $0x13900  }
0x1bb: {  	[tilespmem:s2], [sflag:$0x2] =	stream.indirect_vreg.gather @!p1 [hbm4b:s11+s0], $0x80, v5, vm1, $0xb8;
	[tilespmem:$0x1D100] =	vst v63  }
0x1bc: {  	s2 =	simm.s32 @!p1 $0x14100  }
0x1bd: {  	[tilespmem:s2], [sflag:$0x2] =	stream.indirect_vreg.gather @!p1 [hbm4b:s12+s0], $0x80, v5, vm1, $0xb8;
	[tilespmem:$0x1D100] =	vst v63  }
0x1be: {  	s24 =	sshll.u32 s19, $0xB;
	s25 =	rddreg [dreg:$0xa];
	s2 =	simm.s32 @!p1 $0x14900  }
0x1bf: {  	[tilespmem:s2], [sflag:$0x2] =	stream.indirect_vreg.gather @!p1 [hbm4b:s13+s0], $0x80, v5, vm1, $0xb8;
	[tilespmem:$0x1D100] =	vst v63  }
0x1c0: {  	s28 =	simm.s32 $0x0;
	p2 =	por !p3, !p3;
	p1 =	sgt.u32 s19, $0xE  }
0x1c1: {  	s29 =	simm.s32 $0x19100;
	s0 =	sadd.s32 s24, s25;
	p2 =	por p1, p2  }
0x1c2: {  	[hbm4b:s0+s28] =	stream.linear.scatter [tilespmem:s29], [sflag:$0x4], $0x4000, $0x38;
	[tilespmem:$0x1D100] =	vst v63  }
0x1c3: {  	s0 =	simm.s32 @!p2 $0x6  }
0x1c4: {  	s6 =	sadd.s32 $0x1, s18;
	_ =	swait.ge @!p2 [sflag:s0], $0x2000  }
0x1c5: {  	s2 =	sshll.u32 @!p2 s6, $0x5;
	[sflag:s0] =	ssyncset.done @!p2 $0x0  }
0x1c6: {  	[sflag:s0] =	ssyncadd.s32 @!p2 $0xFFFFE000;
	s0 =	sand.u32 @!p2 $0x3FFFFFE0, s2  }
0x1c7: {  	v5 =	vld @!p2 [tilespmem:s0+$0x1000];
	_ =	sdelay $0x4  }
0x1c8: {  	v6 =	vshll.u32 @!p2 v5, $0x1  }
0x1c9: {  	v7 =	vlaneseq.u32 @!p2;
	v5 =	vand.u32 @!p2 $0x7, v5;
	v6 =	vand.u32 @!p2 $0xFFFFFFF0, v6  }
0x1ca: {  	v8 =	vshrl.u32 @!p2 v7, $0x3;
	v5 =	vor.u32 @!p2 v5, v6;
	v6 =	vand.u32 @!p2 $0x7, v7  }
0x1cb: {  	v8 =	vmul.u32 @!p2 $0x8, v8;
	v9 =	vperm.xlane @!p2 v5, v6  }
0x1cc: {  	v7 =	vor.u32 @!p2 $0x8, v7  }
0x1cd: {  	v5 =	vperm.xlane @!p2 v5, v7;
	v9 =	vadd.s32 @!p2 v8, v9;
	_ =	sdelay $0x1  }
0x1ce: {  	v5 =	vadd.s32 @!p2 v8, v5  }
0x1cf: {  	s21 =	smov.u32 s1  }
0x1d0: {  	vm1 =	vmmov @!p2 $0xffff;
	s3 =	simm.s32 @!p2 $0x1100;
	s2 =	simm.s32 @!p2 $0x0;
	s1 =	rddreg [dreg:$0x1]  }
0x1d1: {  	[tilespmem:s3], [sflag:$0x5] =	stream.indirect_vreg.gather @!p2 [hbm4b:s1+s2], $0x80, v9, vm1, $0xb8;
	[tilespmem:$0x1D100] =	vst v63  }
0x1d2: {  	s3 =	simm.s32 @!p2 $0x1900  }
0x1d3: {  	[tilespmem:s3], [sflag:$0x5] =	stream.indirect_vreg.gather @!p2 [hbm4b:s1+s2], $0x80, v5, vm1, $0xb8;
	[tilespmem:$0x1D100] =	vst v63  }
0x1d4: {  	v5 =	vld @!p2 [tilespmem:s0+$0x1010];
	_ =	sdelay $0x4  }
0x1d5: {  	v9 =	vshll.u32 @!p2 v5, $0x1  }
0x1d6: {  	v5 =	vand.u32 @!p2 $0x7, v5;
	v9 =	vand.u32 @!p2 $0xFFFFFFF0, v9  }
0x1d7: {  	v5 =	vor.u32 @!p2 v5, v9  }
0x1d8: {  	v6 =	vperm.xlane @!p2 v5, v6;
	_ =	sdelay $0x1  }
0x1d9: {  	v5 =	vperm.xlane @!p2 v5, v7;
	v6 =	vadd.s32 @!p2 v8, v6;
	_ =	sdelay $0x1  }
0x1da: {  	v5 =	vadd.s32 @!p2 v8, v5;
	_ =	sdelay $0x1  }
0x1db: {  	s30 =	sand.u32 $0x1, s6;
	s0 =	simm.s32 @!p2 $0x2100  }
0x1dc: {  	[tilespmem:s0], [sflag:$0x5] =	stream.indirect_vreg.gather @!p2 [hbm4b:s1+s2], $0x80, v6, vm1, $0xb8;
	[tilespmem:$0x1D100] =	vst v63  }
0x1dd: {  	p3 =	seq.s32 s30, $0x1;
	s0 =	simm.s32 @!p2 $0x2900  }
0x1de: {  	[tilespmem:s0], [sflag:$0x5] =	stream.indirect_vreg.gather @!p2 [hbm4b:s1+s2], $0x80, v5, vm1, $0xb8;
	[tilespmem:$0x1D100] =	vst v63  }
0x1df: {  	p2 =	por !p3, p1  }
0x1e0: {  	p4 =	seq.s32 @!p2 s18, $0x0  }
0x1e1: {  	p3 =	por @!p1 p4, !p3  }
0x1e2: {  	p1 =	por p3, p1  }
0x1e3: {  	s0 =	simm.s32 @!p1 $0x7  }
0x1e4: {  	_ =	swait.ge @!p1 [sflag:s0], $0x2000  }
0x1e5: {  	s2 =	sshll.u32 @!p2 s6, $0x5;
	[sflag:s0] =	ssyncset.done @!p1 $0x0  }
0x1e6: {  	[sflag:s0] =	ssyncadd.s32 @!p1 $0xFFFFE000;
	s0 =	sand.u32 @!p2 $0x3FFFFFE0, s2  }
0x1e7: {  	v5 =	vld @!p2 [tilespmem:s0+$0x1000];
	_ =	sdelay $0x4  }
0x1e8: {  	v6 =	vshll.u32 @!p2 v5, $0x1  }
0x1e9: {  	v7 =	vlaneseq.u32 @!p2;
	v5 =	vand.u32 @!p2 $0x7, v5;
	v6 =	vand.u32 @!p2 $0xFFFFFFF0, v6  }
0x1ea: {  	v8 =	vshrl.u32 @!p2 v7, $0x3;
	v5 =	vor.u32 @!p2 v5, v6;
	v6 =	vand.u32 @!p2 $0x7, v7  }
0x1eb: {  	v8 =	vmul.u32 @!p2 $0x8, v8;
	v9 =	vperm.xlane @!p2 v5, v6  }
0x1ec: {  	v7 =	vor.u32 @!p2 $0x8, v7  }
0x1ed: {  	v5 =	vperm.xlane @!p2 v5, v7;
	v9 =	vadd.s32 @!p2 v8, v9;
	_ =	sdelay $0x1  }
0x1ee: {  	v5 =	vadd.s32 @!p2 v8, v5;
	_ =	sdelay $0x1  }
0x1ef: {  	vm1 =	vmmov @!p2 $0xffff;
	s3 =	simm.s32 @!p2 $0x3100;
	s2 =	simm.s32 @!p2 $0x0  }
0x1f0: {  	[tilespmem:s3], [sflag:$0x5] =	stream.indirect_vreg.gather @!p2 [hbm4b:s1+s2], $0x80, v9, vm1, $0xb8;
	[tilespmem:$0x1D100] =	vst v63  }
0x1f1: {  	s3 =	simm.s32 @!p2 $0x3900  }
0x1f2: {  	[tilespmem:s3], [sflag:$0x5] =	stream.indirect_vreg.gather @!p2 [hbm4b:s1+s2], $0x80, v5, vm1, $0xb8;
	[tilespmem:$0x1D100] =	vst v63  }
0x1f3: {  	v5 =	vld @!p2 [tilespmem:s0+$0x1010];
	_ =	sdelay $0x4  }
0x1f4: {  	v9 =	vshll.u32 @!p2 v5, $0x1  }
0x1f5: {  	v5 =	vand.u32 @!p2 $0x7, v5;
	v9 =	vand.u32 @!p2 $0xFFFFFFF0, v9  }
0x1f6: {  	v5 =	vor.u32 @!p2 v5, v9  }
0x1f7: {  	v6 =	vperm.xlane @!p2 v5, v6;
	_ =	sdelay $0x1  }
0x1f8: {  	v5 =	vperm.xlane @!p2 v5, v7;
	v6 =	vadd.s32 @!p2 v8, v6;
	_ =	sdelay $0x1  }
0x1f9: {  	p1 =	sne.s32 s6, $0x8;
	v5 =	vadd.s32 @!p2 v8, v5  }
.Ltmp3:
0x1fa: {  	_ = 	snop;
	(pc) =	sbr.rel @p1 .LBB2_4-.Ltmp3, $4  }
0x1fb: {  	s0 =	simm.s32 @!p2 $0x4100  }
0x1fc: {  	[tilespmem:s0], [sflag:$0x5] =	stream.indirect_vreg.gather @!p2 [hbm4b:s1+s2], $0x80, v6, vm1, $0xb8;
	[tilespmem:$0x1D100] =	vst v63  }
0x1fd: {  	s18 =	smov.u32 s6;
	s0 =	simm.s32 @!p2 $0x4900  }
0x1fe: {  	[tilespmem:s0], [sflag:$0x5] =	stream.indirect_vreg.gather @!p2 [hbm4b:s1+s2], $0x80, v5, vm1, $0xb8;
	[tilespmem:$0x1D100] =	vst v63  }
0x1ff: {  	s0 =	simm.s32 $0x3  }
0x200: {  	_ =	swait.ge [sflag:s0], $0x4000  }
0x201: {  	[sflag:s0] =	ssyncset.done $0x0  }
0x202: {  	s28 =	simm.s32 $0x4;
	[sflag:s0] =	ssyncadd.s32 $0xFFFFC000  }
0x203: {  	_ =	swait.ge [sflag:s28], $0x4000  }
0x204: {  	[sflag:s28] =	ssyncset.done $0x0  }
0x205: {  	s29 =	simm.s32 $0x6;
	[sflag:s28] =	ssyncadd.s32 $0xFFFFC000  }
0x206: {  	_ =	swait.ge [sflag:s29], $0x2000  }
0x207: {  	[sflag:s29] =	ssyncset.done $0x0  }
0x208: {  	s1 =	simm.s32 $0x7;
	[sflag:s29] =	ssyncadd.s32 $0xFFFFE000  }
0x209: {  	_ =	swait.ge [sflag:s1], $0x2000  }
0x20a: {  	s2 =	rddreg [dreg:$0xd]  }
0x20b: {  	s30 =	rddreg [dreg:$0xc];
	s2 =	sadd.s32 $0x1, s2  }
0x20c: {  	p1 =	sne.s32 s2, s30  }
.Ltmp4:
0x20d: {  	_ = 	snop;
	(pc) =	sbr.rel @p1 .LBB2_1-.Ltmp4, $3  }
0x20e: {  	_ =	sdelay $0x1  }
0x20f: {  	[sflag:s1] =	ssyncset.done $0x0  }
0x210: {  	s6 =	simm.s32 $0x800;
	[sflag:s1] =	ssyncadd.s32 $0xFFFFE000  }
0x211: {  	_ =	sfence.sel $0x180000  }
0x212: {  	[bflag:$0x0] =	sbarrier.arrive $0xFFFF  }
0x213: {  	_ =	strace $0x90000047  }
0x214: {  	s0 =	stileid.u32;
	[bflag:$0x2] =	sbarrier.arrive $0xFFFF  }
0x215: {  	p0 =	sne.s32 s0, $0x0;
	s0 =	rddreg [dreg:$0x6]  }
0x216: {  	s0 =	sadd.s32 @!p0 $0x100000, s0  }
0x217: {  	[sflag:s0] =	ssyncadd.tile.s32 @!p0 $0x1;
	_ =	shalt  }
.Lfunc_end2:
_tile_overlayer_lowered:
.L_overlay_start_2:
0x218: {  	(tag) =	ssettag $0x2  }
0x219: {  	s0 =	rddreg [dreg:$0x0];
	s2 =	stileid.u32  }
0x21a: {  	s1 =	rddreg [dreg:$0x1];
	p0 =	sne.s32 s2, $0x0  }
0x21b: {  	s3 =	rddreg [dreg:$0x2];
	[bflag:$0x3] =	sbarrier.arrive $0xFFFF;
	s2 =	simm.s32 @!p0 $0x1C08  }
0x21c: {  	[timem:s3], [sflag:s2] =	dma.local @!p0 [hbm:s0], s1  }
0x21d: {  	s0 =	simm.s32 @!p0 $0x8  }
0x21e: {  	_ =	swait.ge @!p0 [sflag:s0], s1  }
0x21f: {  	s1 =	ssub.s32 @!p0 $0x0, s1;
	[sflag:s0] =	ssyncset.done @!p0 $0x0  }
0x220: {  	[sflag:s0] =	ssyncadd.s32 @!p0 s1  }
0x221: {  	[bflag:$0x3] =	sbarrier.arrive $0xFFFF  }
0x222: {  	_ =	shalt  }

</sc_bundles>
